<compile_context>
chip_gen: v7x
topology: tpu7x:2x2x1
jax: 0.10.2.dev20260603
libtpu: 0.0.44.dev20260713+nightly
codegen_flags: <defaults>
</compile_context>

<pallas_src>
import functools

import jax
import jax.numpy as jnp
from jax import lax
from jax.experimental import pallas as pl
from jax.experimental.pallas import tpu as pltpu
from jax.experimental.pallas import tpu_sc as plsc

_K = 16
_G = 8


def _sc_embed(table, idx):
    info = plsc.get_sparse_core_info()
    NC, NS = info.num_cores, info.num_subcores
    NW = NC * NS
    N = idx.shape[0]
    D = table.shape[1]
    b_per_w = N // NW
    chunk = min(b_per_w, 512)
    n_chunks = b_per_w // chunk
    mesh = plsc.VectorSubcoreMesh(core_axis_name="c", subcore_axis_name="s")

    @functools.partial(
        pl.kernel, mesh=mesh,
        out_type=jax.ShapeDtypeStruct((N, D), jnp.float32),
        scratch_types=[
            pltpu.VMEM((chunk,), jnp.int32),
            pltpu.VMEM((chunk, D), jnp.float32),
            pltpu.SemaphoreType.DMA,
        ],
    )
    def k(table_hbm, idx_hbm, out_hbm, idx_v, rows_v, sem):
        wid = lax.axis_index("s") * NC + lax.axis_index("c")
        base = wid * b_per_w
        for j in range(n_chunks):
            off = base + j * chunk
            pltpu.sync_copy(idx_hbm.at[pl.ds(off, chunk)], idx_v)
            pltpu.async_copy(table_hbm.at[idx_v], rows_v, sem).wait()
            pltpu.sync_copy(rows_v, out_hbm.at[pl.ds(off, chunk)])

    return k(table, idx)


def _silu(t):
    return t / (1.0 + jnp.exp(-t))


def _rne(t):
    return t.astype(jnp.bfloat16).astype(jnp.float32)


def _body(cellrep_r, x_r, xT_r, h0_r, wm_r, bm_r, wu_r, bu_r, w1_r,
          b1_r, w2_r, b2_r, out_r):
    f32 = jnp.float32
    G = x_r.shape[0]
    n = x_r.shape[1]
    Gn = G * n
    L = wm_r.shape[0]
    F = h0_r.shape[2]

    xs = x_r[...].reshape(Gn, 3)
    frac = xs - jnp.floor(xs)
    xT = xT_r[...]
    fT = xT - jnp.floor(xT)
    cr = _rne(cellrep_r[...].reshape(Gn, 9))

    d = []
    for a in range(3):
        fTa = jnp.broadcast_to(fT[:, a:a + 1, :], (G, n, n)).reshape(Gn, n)
        t = frac[:, a:a + 1] - fTa
        t = t - jnp.round(t)
        d.append(_rne(t))
    cart = [d[0] * cr[:, 0 + c:1 + c] + d[1] * cr[:, 3 + c:4 + c]
            + d[2] * cr[:, 6 + c:7 + c] for c in range(3)]

    rloc = jax.lax.broadcasted_iota(jnp.int32, (G, n, n), 1).reshape(Gn, n)
    cI = jax.lax.broadcasted_iota(jnp.int32, (Gn, n), 1)
    colj = cI.astype(f32)
    dist2 = cart[0] * cart[0] + cart[1] * cart[1] + cart[2] * cart[2]
    D = dist2 + jnp.where(rloc == cI, 1e9, 0.0)

    P_list, d_list = [], []
    u_lists = [[], [], []]
    for _ in range(_K):
        m = jnp.min(D, axis=1, keepdims=True)
        am = jnp.min(jnp.where(D == m, colj, float(n)), axis=1,
                     keepdims=True)
        Pk = (colj == am).astype(f32)
        dk = jnp.sqrt(jnp.maximum(m, 1e-12))
        P_list.append(Pk)
        d_list.append(dk)
        inv = 1.0 / (dk + 1e-9)
        for c in range(3):
            u_lists[c].append(
                jnp.sum(Pk * cart[c], axis=1, keepdims=True) * inv)
        D = D + Pk * 1e9
    KH = _K // 2
    dlo_r = _rne(jnp.concatenate(d_list[:KH], axis=0))
    dhi_r = _rne(jnp.concatenate(d_list[KH:], axis=0))
    U = [jnp.concatenate(u_lists[c], axis=0) for c in range(3)]

    P_gs = [jnp.concatenate([P_list[k][g * n:(g + 1) * n, :]
                             for k in range(_K)], axis=0)
            for g in range(G)]

    h = h0_r[...].reshape(Gn, F)

    def edge_mlp(hcur, Wi, Wj, Wd, bv):
        hr = _rne(hcur)
        hwi = jnp.dot(hr, _rne(Wi), preferred_element_type=f32)
        hwj = jnp.dot(hr, _rne(Wj), preferred_element_type=f32)
        hwj_hi = _rne(hwj)
        hwj_lo = hwj - hwj_hi
        hj_gs = [jnp.dot(P_gs[g], hwj_hi[g * n:(g + 1) * n, :],
                         preferred_element_type=f32)
                 + jnp.dot(P_gs[g], hwj_lo[g * n:(g + 1) * n, :],
                           preferred_element_type=f32)
                 for g in range(G)]
        hj = jnp.concatenate([hj_gs[g][k * n:(k + 1) * n, :]
                              for k in range(_K) for g in range(G)], axis=0)
        hit = jnp.concatenate([hwi] * _K, axis=0)
        wdr = _rne(Wd)
        dterm = jnp.concatenate([dlo_r * wdr, dhi_r * wdr], axis=0)
        return _silu(hit + hj + dterm + bv)

    for l in range(L):
        msg = edge_mlp(h, wm_r[l, 0:F, :], wm_r[l, F:2 * F, :],
                       wm_r[l, 2 * F:2 * F + 1, :], bm_r[l:l + 1, :])
        agg = msg[0:Gn, :]
        for kk in range(1, _K):
            agg = agg + msg[kk * Gn:(kk + 1) * Gn, :]
        upd = _silu(jnp.dot(_rne(h), _rne(wu_r[l, 0:F, :]),
                            preferred_element_type=f32)
                    + jnp.dot(_rne(agg), _rne(wu_r[l, F:2 * F, :]),
                              preferred_element_type=f32)
                    + bu_r[l:l + 1, :])
        h = h + upd

    u = edge_mlp(h, w1_r[0:F, :], w1_r[F:2 * F, :], w1_r[2 * F:2 * F + 1, :],
                 b1_r[...])
    w = (jnp.sum(_rne(u) * _rne(w2_r[...]), axis=1, keepdims=True)
         + b2_r[0, 0])
    disp = []
    for c in range(3):
        t = w * U[c]
        s = t[0:Gn, :]
        for kk in range(1, _K):
            s = s + t[kk * Gn:(kk + 1) * Gn, :]
        disp.append(s)
    out = frac + jnp.concatenate(disp, axis=1)
    out_r[...] = out.reshape(G, n, 3)


def kernel(cell, x, z, struct_size, emb, W_msg, b_msg, W_upd, b_upd,
           W1, b1, W2, b2):
    del struct_size
    B = cell.shape[0]
    N = x.shape[0]
    n = N // B
    F = emb.shape[1]
    HID = W1.shape[1]
    G = _G
    x3 = x.reshape(B, n, 3)
    xT3 = jnp.swapaxes(x3, 1, 2)
    cellrep = jnp.broadcast_to(cell.reshape(B, 1, 9), (B, n, 9))
    emb_p = jnp.zeros((emb.shape[0], 128), jnp.float32).at[:, :F].set(emb)
    h0 = _sc_embed(emb_p, z.astype(jnp.int32))[:, :F].reshape(B, n, F)
    b1r = b1.reshape(1, HID)
    w2r = W2.reshape(1, HID)
    b2r = b2.reshape(1, 1)

    out = pl.pallas_call(
        _body,
        grid=(B // G,),
        in_specs=[
            pl.BlockSpec((G, n, 9), lambda b: (b, 0, 0)),
            pl.BlockSpec((G, n, 3), lambda b: (b, 0, 0)),
            pl.BlockSpec((G, 3, n), lambda b: (b, 0, 0)),
            pl.BlockSpec((G, n, F), lambda b: (b, 0, 0)),
            pl.BlockSpec(W_msg.shape, lambda b: (0, 0, 0)),
            pl.BlockSpec(b_msg.shape, lambda b: (0, 0)),
            pl.BlockSpec(W_upd.shape, lambda b: (0, 0, 0)),
            pl.BlockSpec(b_upd.shape, lambda b: (0, 0)),
            pl.BlockSpec(W1.shape, lambda b: (0, 0)),
            pl.BlockSpec((1, HID), lambda b: (0, 0)),
            pl.BlockSpec((1, HID), lambda b: (0, 0)),
            pl.BlockSpec((1, 1), lambda b: (0, 0)),
        ],
        out_specs=pl.BlockSpec((G, n, 3), lambda b: (b, 0, 0)),
        out_shape=jax.ShapeDtypeStruct((B, n, 3), jnp.float32),
    )(cellrep, x3, xT3, h0, W_msg, b_msg, W_upd, b_upd, W1, b1r,
      w2r, b2r)
    return out.reshape(N, 3)

# --- scband reference (transcript-rebuilt; emitter-appended) ---
"""Pipeline reference for scband-denoiser-14929306321388 (READ-ONLY COPY).

The authoritative reference and input builder live on the scoring server;
editing this copy changes nothing except your own understanding.
"""

import jax, jax.numpy as jnp
import numpy as np

B, NA, K, F, L, HID, ZMAX = 512, 64, 16, 64, 3, 64, 100


def setup_inputs(seed: int = 0) -> dict:
    key = jax.random.key(seed)
    ks = jax.random.split(key, 12)
    cell = jnp.eye(3, dtype=jnp.float32)[None] * 8.0 + 0.05 * jax.random.normal(ks[0], (B, 3, 3), dtype=jnp.float32)
    x = jax.random.uniform(ks[1], (B * NA, 3), dtype=jnp.float32)
    z = jax.random.randint(ks[2], (B * NA,), 0, ZMAX)
    struct_size = jnp.full((B,), NA, dtype=jnp.int32)
    emb = jax.random.normal(ks[3], (ZMAX, F), dtype=jnp.float32) * 0.1
    W_msg = jax.random.normal(ks[4], (L, 2 * F + 1, F), dtype=jnp.float32) / np.sqrt(2 * F + 1)
    b_msg = jnp.zeros((L, F), dtype=jnp.float32)
    W_upd = jax.random.normal(ks[5], (L, 2 * F, F), dtype=jnp.float32) / np.sqrt(2 * F)
    b_upd = jnp.zeros((L, F), dtype=jnp.float32)
    W1 = jax.random.normal(ks[6], (2 * F + 1, HID), dtype=jnp.float32) / np.sqrt(2 * F + 1)
    b1 = jnp.zeros((HID,), dtype=jnp.float32)
    W2 = jax.random.normal(ks[7], (HID, 1), dtype=jnp.float32) / np.sqrt(HID)
    b2 = jnp.zeros((1,), dtype=jnp.float32)
    return dict(cell=cell, x=x, z=z, struct_size=struct_size, emb=emb, W_msg=W_msg, b_msg=b_msg, W_upd=W_upd, b_upd=b_upd, W1=W1, b1=b1, W2=W2, b2=b2)


def _geometry(cell, x):
    # periodic knn graph with minimum-image convention on fractional coords
    Bc = cell.shape[0]
    n = x.shape[0] // Bc
    frac = jnp.mod(x, 1.0).reshape(Bc, n, 3)
    d = frac[:, :, None, :] - frac[:, None, :, :]
    d = d - jnp.round(d)
    cart = jnp.einsum('bijc,bcd->bijd', d, cell)  # [B,n,n,3]
    dist2 = jnp.sum(cart * cart, axis=-1) + jnp.eye(n, dtype=cart.dtype) * 1e9
    negv, idx = jax.lax.top_k(-dist2, K)  # k nearest neighbors
    dist = jnp.sqrt(jnp.maximum(-negv, 1e-12))  # [B,n,K]
    vec = jnp.take_along_axis(cart, idx[..., None], axis=2)  # [B,n,K,3]
    src = (idx + (jnp.arange(Bc) * n)[:, None, None]).reshape(Bc * n, K)
    return src, dist.reshape(Bc * n, K), vec.reshape(Bc * n, K, 3)


def reference(cell, x, z, struct_size, emb, W_msg, b_msg, W_upd, b_upd, W1, b1, W2, b2):
    src, dist, vec = _geometry(cell, x)
    h = jnp.take(emb, z, axis=0)  # embedding lookup [N,F]
    N = h.shape[0]
    for l in range(L):
        hj = h[src]  # gather neighbor features [N,K,F]
        hi = jnp.broadcast_to(h[:, None, :], (N, K, F))
        feat = jnp.concatenate([hi, hj, dist[..., None]], axis=-1)
        m = jax.nn.silu(feat @ W_msg[l] + b_msg[l])  # [N,K,F]
        agg = jnp.sum(m, axis=1)  # sum aggregation over neighbors
        h = h + jax.nn.silu(jnp.concatenate([h, agg], axis=-1) @ W_upd[l] + b_upd[l])
    # Actions head: predict per-atom displacement as weighted sum of unit edge vectors
    hj = h[src]
    hi = jnp.broadcast_to(h[:, None, :], (N, K, F))
    feat = jnp.concatenate([hi, hj, dist[..., None]], axis=-1)
    w = jax.nn.silu(feat @ W1 + b1) @ W2 + b2  # [N,K,1]
    unit = vec / (dist[..., None] + 1e-9)
    disp = jnp.sum(w * unit, axis=1)  # [N,3]
    x_prime = jnp.mod(x, 1.0) + disp
    return x_prime

if __name__ == "__main__":
    import jax
    _d = setup_inputs()
    print(jax.jit(kernel)(*tuple(_d.values())))

</pallas_src>

<mosaic_0001>
#map = affine_map<(d0, d1) -> (0, 0)>
#map1 = affine_map<(d0, d1) -> (0)>
module attributes {stable_mosaic.version = 14 : i64} {
  func.func @k(%arg0: i32, %arg1: i32, %arg2: memref<100x128xf32, #tpu.memory_space<hbm>>, %arg3: memref<32768xi32, #tpu.memory_space<hbm>>, %arg4: memref<32768x128xf32, #tpu.memory_space<hbm>>, %arg5: memref<512xi32, #tpu.memory_space<vmem>>, %arg6: memref<512x128xf32, #tpu.memory_space<vmem>>, %arg7: memref<!tpu.dma_semaphore, #tpu.memory_space<semaphore_mem>>) attributes {dimension_semantics = [#tpu.dimension_semantics<core_parallel>, #tpu.dimension_semantics<subcore_parallel>], iteration_bounds = array<i64: 2, 16>, scalar_prefetch = 0 : i64, scratch_operands = 3 : i64, tpu.core_type = #tpu.core_type<sc_vector_subcore>, window_params = [{transform_indices = #map}, {transform_indices = #map1}, {transform_indices = #map}]} {
    %mul3A = arith.constant 2 : i32
    %mul3A_0 = arith.muli %arg1, %mul3A : i32
    %add3A = arith.addi %mul3A_0, %arg0 : i32
    %mul3A_1 = arith.constant 1024 : i32
    %mul3A_2 = arith.muli %add3A, %mul3A_1 : i32
    %add3A_3 = arith.constant 0 : i32
    %add3A_4 = arith.addi %mul3A_2, %add3A_3 : i32
    "tpu.region"() ({
      %run_scoped3A = tpu.sem_alloc : memref<!tpu.dma_semaphore, #tpu.memory_space<semaphore_mem>>
      %dma_start3A_17 = tpu.memref_slice %arg3[%add3A_4] : memref<32768xi32, #tpu.memory_space<hbm>> -> memref<512xi32, #tpu.memory_space<hbm>>
      %dma_start3A_18 = tpu.memref_slice %arg3[%add3A_4] : memref<32768xi32, #tpu.memory_space<hbm>> -> memref<512xi32, #tpu.memory_space<hbm>>
      tpu.enqueue_dma source(%dma_start3A_18 : memref<512xi32, #tpu.memory_space<hbm>>) target(%arg5 : memref<512xi32, #tpu.memory_space<vmem>>) target_semaphore(%run_scoped3A : memref<!tpu.dma_semaphore, #tpu.memory_space<semaphore_mem>>)
      %dma_wait3A_19 = tpu.memref_slice %arg3[%add3A_4] : memref<32768xi32, #tpu.memory_space<hbm>> -> memref<512xi32, #tpu.memory_space<hbm>>
      %dma_wait3A_20 = tpu.memref_slice %arg3[%add3A_4] : memref<32768xi32, #tpu.memory_space<hbm>> -> memref<512xi32, #tpu.memory_space<hbm>>
      tpu.wait_dma2 semaphore(%run_scoped3A : memref<!tpu.dma_semaphore, #tpu.memory_space<semaphore_mem>>) src(%dma_wait3A_20 : memref<512xi32, #tpu.memory_space<hbm>>) dst(%arg5 : memref<512xi32, #tpu.memory_space<vmem>>)
      tpu.yield
    }) : () -> ()
    %dma_start3A = arith.constant 0 : i32
    %dma_start3A_5 = arith.constant 0 : i32
    %dma_start3A_6 = tpu.memref_slice %arg2[%dma_start3A, %dma_start3A_5] : memref<100x128xf32, #tpu.memory_space<hbm>> -> memref<100x128xf32, #tpu.memory_space<hbm>>
    tpu.enqueue_indirect_dma source(%dma_start3A_6 : memref<100x128xf32, #tpu.memory_space<hbm>>) target(%arg6 : memref<512x128xf32, #tpu.memory_space<vmem>>) offsets(%arg5 : memref<512xi32, #tpu.memory_space<vmem>>) semaphore(%arg7 : memref<!tpu.dma_semaphore, #tpu.memory_space<semaphore_mem>>)
    %dma_wait3A = arith.constant 0 : i32
    %dma_wait3A_7 = arith.constant 0 : i32
    %dma_wait3A_8 = tpu.memref_slice %arg2[%dma_wait3A, %dma_wait3A_7] : memref<100x128xf32, #tpu.memory_space<hbm>> -> memref<100x128xf32, #tpu.memory_space<hbm>>
    tpu.wait_indirect_dma semaphore(%arg7 : memref<!tpu.dma_semaphore, #tpu.memory_space<semaphore_mem>>) src(%dma_wait3A_8 : memref<100x128xf32, #tpu.memory_space<hbm>>) dst(%arg6 : memref<512x128xf32, #tpu.memory_space<vmem>>)
    "tpu.region"() ({
      %run_scoped3A = tpu.sem_alloc : memref<!tpu.dma_semaphore, #tpu.memory_space<semaphore_mem>>
      %dma_start3A_17 = arith.constant 0 : i32
      %dma_start3A_18 = tpu.memref_slice %arg4[%add3A_4, %dma_start3A_17] : memref<32768x128xf32, #tpu.memory_space<hbm>> -> memref<512x128xf32, #tpu.memory_space<hbm>>
      %dma_start3A_19 = arith.constant 0 : i32
      %dma_start3A_20 = tpu.memref_slice %arg4[%add3A_4, %dma_start3A_19] : memref<32768x128xf32, #tpu.memory_space<hbm>> -> memref<512x128xf32, #tpu.memory_space<hbm>>
      tpu.enqueue_dma source(%arg6 : memref<512x128xf32, #tpu.memory_space<vmem>>) target(%dma_start3A_20 : memref<512x128xf32, #tpu.memory_space<hbm>>) target_semaphore(%run_scoped3A : memref<!tpu.dma_semaphore, #tpu.memory_space<semaphore_mem>>)
      %dma_wait3A_21 = arith.constant 0 : i32
      %dma_wait3A_22 = tpu.memref_slice %arg4[%add3A_4, %dma_wait3A_21] : memref<32768x128xf32, #tpu.memory_space<hbm>> -> memref<512x128xf32, #tpu.memory_space<hbm>>
      %dma_wait3A_23 = arith.constant 0 : i32
      %dma_wait3A_24 = tpu.memref_slice %arg4[%add3A_4, %dma_wait3A_23] : memref<32768x128xf32, #tpu.memory_space<hbm>> -> memref<512x128xf32, #tpu.memory_space<hbm>>
      tpu.wait_dma2 semaphore(%run_scoped3A : memref<!tpu.dma_semaphore, #tpu.memory_space<semaphore_mem>>) src(%arg6 : memref<512x128xf32, #tpu.memory_space<vmem>>) dst(%dma_wait3A_24 : memref<512x128xf32, #tpu.memory_space<hbm>>)
      tpu.yield
    }) : () -> ()
    %add3A_9 = arith.constant 512 : i32
    %add3A_10 = arith.addi %mul3A_2, %add3A_9 : i32
    "tpu.region"() ({
      %run_scoped3A = tpu.sem_alloc : memref<!tpu.dma_semaphore, #tpu.memory_space<semaphore_mem>>
      %dma_start3A_17 = tpu.memref_slice %arg3[%add3A_10] : memref<32768xi32, #tpu.memory_space<hbm>> -> memref<512xi32, #tpu.memory_space<hbm>>
      %dma_start3A_18 = tpu.memref_slice %arg3[%add3A_10] : memref<32768xi32, #tpu.memory_space<hbm>> -> memref<512xi32, #tpu.memory_space<hbm>>
      tpu.enqueue_dma source(%dma_start3A_18 : memref<512xi32, #tpu.memory_space<hbm>>) target(%arg5 : memref<512xi32, #tpu.memory_space<vmem>>) target_semaphore(%run_scoped3A : memref<!tpu.dma_semaphore, #tpu.memory_space<semaphore_mem>>)
      %dma_wait3A_19 = tpu.memref_slice %arg3[%add3A_10] : memref<32768xi32, #tpu.memory_space<hbm>> -> memref<512xi32, #tpu.memory_space<hbm>>
      %dma_wait3A_20 = tpu.memref_slice %arg3[%add3A_10] : memref<32768xi32, #tpu.memory_space<hbm>> -> memref<512xi32, #tpu.memory_space<hbm>>
      tpu.wait_dma2 semaphore(%run_scoped3A : memref<!tpu.dma_semaphore, #tpu.memory_space<semaphore_mem>>) src(%dma_wait3A_20 : memref<512xi32, #tpu.memory_space<hbm>>) dst(%arg5 : memref<512xi32, #tpu.memory_space<vmem>>)
      tpu.yield
    }) : () -> ()
    %dma_start3A_11 = arith.constant 0 : i32
    %dma_start3A_12 = arith.constant 0 : i32
    %dma_start3A_13 = tpu.memref_slice %arg2[%dma_start3A_11, %dma_start3A_12] : memref<100x128xf32, #tpu.memory_space<hbm>> -> memref<100x128xf32, #tpu.memory_space<hbm>>
    tpu.enqueue_indirect_dma source(%dma_start3A_13 : memref<100x128xf32, #tpu.memory_space<hbm>>) target(%arg6 : memref<512x128xf32, #tpu.memory_space<vmem>>) offsets(%arg5 : memref<512xi32, #tpu.memory_space<vmem>>) semaphore(%arg7 : memref<!tpu.dma_semaphore, #tpu.memory_space<semaphore_mem>>)
    %dma_wait3A_14 = arith.constant 0 : i32
    %dma_wait3A_15 = arith.constant 0 : i32
    %dma_wait3A_16 = tpu.memref_slice %arg2[%dma_wait3A_14, %dma_wait3A_15] : memref<100x128xf32, #tpu.memory_space<hbm>> -> memref<100x128xf32, #tpu.memory_space<hbm>>
    tpu.wait_indirect_dma semaphore(%arg7 : memref<!tpu.dma_semaphore, #tpu.memory_space<semaphore_mem>>) src(%dma_wait3A_16 : memref<100x128xf32, #tpu.memory_space<hbm>>) dst(%arg6 : memref<512x128xf32, #tpu.memory_space<vmem>>)
    "tpu.region"() ({
      %run_scoped3A = tpu.sem_alloc : memref<!tpu.dma_semaphore, #tpu.memory_space<semaphore_mem>>
      %dma_start3A_17 = arith.constant 0 : i32
      %dma_start3A_18 = tpu.memref_slice %arg4[%add3A_10, %dma_start3A_17] : memref<32768x128xf32, #tpu.memory_space<hbm>> -> memref<512x128xf32, #tpu.memory_space<hbm>>
      %dma_start3A_19 = arith.constant 0 : i32
      %dma_start3A_20 = tpu.memref_slice %arg4[%add3A_10, %dma_start3A_19] : memref<32768x128xf32, #tpu.memory_space<hbm>> -> memref<512x128xf32, #tpu.memory_space<hbm>>
      tpu.enqueue_dma source(%arg6 : memref<512x128xf32, #tpu.memory_space<vmem>>) target(%dma_start3A_20 : memref<512x128xf32, #tpu.memory_space<hbm>>) target_semaphore(%run_scoped3A : memref<!tpu.dma_semaphore, #tpu.memory_space<semaphore_mem>>)
      %dma_wait3A_21 = arith.constant 0 : i32
      %dma_wait3A_22 = tpu.memref_slice %arg4[%add3A_10, %dma_wait3A_21] : memref<32768x128xf32, #tpu.memory_space<hbm>> -> memref<512x128xf32, #tpu.memory_space<hbm>>
      %dma_wait3A_23 = arith.constant 0 : i32
      %dma_wait3A_24 = tpu.memref_slice %arg4[%add3A_10, %dma_wait3A_23] : memref<32768x128xf32, #tpu.memory_space<hbm>> -> memref<512x128xf32, #tpu.memory_space<hbm>>
      tpu.wait_dma2 semaphore(%run_scoped3A : memref<!tpu.dma_semaphore, #tpu.memory_space<semaphore_mem>>) src(%arg6 : memref<512x128xf32, #tpu.memory_space<vmem>>) dst(%dma_wait3A_24 : memref<512x128xf32, #tpu.memory_space<hbm>>)
      tpu.yield
    }) : () -> ()
    return
  }
}

module attributes {stable_mosaic.version = 14 : i64} {
  func.func @_body(%arg0: i32, %arg1: memref<8x64x9xf32, #tpu.memory_space<vmem>>, %arg2: memref<8x64x3xf32, #tpu.memory_space<vmem>>, %arg3: memref<8x3x64xf32, #tpu.memory_space<vmem>>, %arg4: memref<8x64x64xf32, #tpu.memory_space<vmem>>, %arg5: memref<3x129x64xf32, #tpu.memory_space<vmem>>, %arg6: memref<3x64xf32, #tpu.memory_space<vmem>>, %arg7: memref<3x128x64xf32, #tpu.memory_space<vmem>>, %arg8: memref<3x64xf32, #tpu.memory_space<vmem>>, %arg9: memref<129x64xf32, #tpu.memory_space<vmem>>, %arg10: memref<1x64xf32, #tpu.memory_space<vmem>>, %arg11: memref<1x64xf32, #tpu.memory_space<vmem>>, %arg12: memref<1x1xf32, #tpu.memory_space<vmem>>, %arg13: memref<8x64x3xf32, #tpu.memory_space<vmem>>) attributes {dimension_semantics = [#tpu.dimension_semantics<arbitrary>], iteration_bounds = array<i64: 64>, scalar_prefetch = 0 : i64, scratch_operands = 0 : i64, tpu.core_type = #tpu.core_type<tc>, window_params = [{transform_indices = @transform_0, window_bounds = array<i64: 8, 64, 9>}, {transform_indices = @transform_1, window_bounds = array<i64: 8, 64, 3>}, {transform_indices = @transform_2, window_bounds = array<i64: 8, 3, 64>}, {transform_indices = @transform_3, window_bounds = array<i64: 8, 64, 64>}, {pipeline_mode = #tpu.pipeline_mode<synchronous>, transform_indices = @transform_4, window_bounds = array<i64: 3, 129, 64>}, {pipeline_mode = #tpu.pipeline_mode<synchronous>, transform_indices = @transform_5, window_bounds = array<i64: 3, 64>}, {pipeline_mode = #tpu.pipeline_mode<synchronous>, transform_indices = @transform_6, window_bounds = array<i64: 3, 128, 64>}, {pipeline_mode = #tpu.pipeline_mode<synchronous>, transform_indices = @transform_7, window_bounds = array<i64: 3, 64>}, {pipeline_mode = #tpu.pipeline_mode<synchronous>, transform_indices = @transform_8, window_bounds = array<i64: 129, 64>}, {pipeline_mode = #tpu.pipeline_mode<synchronous>, transform_indices = @transform_9, window_bounds = array<i64: 1, 64>}, {pipeline_mode = #tpu.pipeline_mode<synchronous>, transform_indices = @transform_10, window_bounds = array<i64: 1, 64>}, {pipeline_mode = #tpu.pipeline_mode<synchronous>, transform_indices = @transform_11, window_bounds = array<i64: 1, 1>}, {transform_indices = @transform_12, window_bounds = array<i64: 8, 64, 3>}]} {
    %get3A = arith.constant 0 : index
    %get3A_0 = arith.constant 0 : index
    %get3A_1 = arith.constant 0 : index
    %get3A_2 = vector.load %arg2[%get3A, %get3A_0, %get3A_1] : memref<8x64x3xf32, #tpu.memory_space<vmem>>, vector<8x64x3xf32>
    %reshape3A = vector.shape_cast %get3A_2 : vector<8x64x3xf32> to vector<512x3xf32>
    %floor3A = math.floor %reshape3A : vector<512x3xf32>
    %sub3A = arith.subf %reshape3A, %floor3A : vector<512x3xf32>
    %get3A_3 = arith.constant 0 : index
    %get3A_4 = arith.constant 0 : index
    %get3A_5 = arith.constant 0 : index
    %get3A_6 = vector.load %arg3[%get3A_3, %get3A_4, %get3A_5] : memref<8x3x64xf32, #tpu.memory_space<vmem>>, vector<8x3x64xf32>
    %floor3A_7 = math.floor %get3A_6 : vector<8x3x64xf32>
    %sub3A_8 = arith.subf %get3A_6, %floor3A_7 : vector<8x3x64xf32>
    %get3A_9 = arith.constant 0 : index
    %get3A_10 = arith.constant 0 : index
    %get3A_11 = arith.constant 0 : index
    %get3A_12 = vector.load %arg1[%get3A_9, %get3A_10, %get3A_11] : memref<8x64x9xf32, #tpu.memory_space<vmem>>, vector<8x64x9xf32>
    %reshape3A_13 = vector.shape_cast %get3A_12 : vector<8x64x9xf32> to vector<512x9xf32>
    %convert_element_type3A = arith.truncf %reshape3A_13 : vector<512x9xf32> to vector<512x9xbf16>
    %convert_element_type3A_14 = arith.extf %convert_element_type3A : vector<512x9xbf16> to vector<512x9xf32>
    %slice3A = vector.extract_strided_slice %sub3A_8 {offsets = [0, 0, 0], sizes = [8, 1, 64], strides = [1, 1, 1]} : vector<8x3x64xf32> to vector<8x1x64xf32>
    %broadcast_in_dim3A = vector.shape_cast %slice3A : vector<8x1x64xf32> to vector<8x1x64xf32>
    %broadcast_in_dim3A_15 = vector.broadcast %broadcast_in_dim3A : vector<8x1x64xf32> to vector<8x64x64xf32>
    %reshape3A_16 = vector.shape_cast %broadcast_in_dim3A_15 : vector<8x64x64xf32> to vector<512x64xf32>
    %slice3A_17 = vector.extract_strided_slice %sub3A {offsets = [0, 0], sizes = [512, 1], strides = [1, 1]} : vector<512x3xf32> to vector<512x1xf32>
    %sub3A_18 = vector.broadcast %slice3A_17 : vector<512x1xf32> to vector<512x64xf32>
    %sub3A_19 = arith.subf %sub3A_18, %reshape3A_16 : vector<512x64xf32>
    %round3A = math.roundeven %sub3A_19 : vector<512x64xf32>
    %sub3A_20 = arith.subf %sub3A_19, %round3A : vector<512x64xf32>
    %convert_element_type3A_21 = arith.truncf %sub3A_20 : vector<512x64xf32> to vector<512x64xbf16>
    %convert_element_type3A_22 = arith.extf %convert_element_type3A_21 : vector<512x64xbf16> to vector<512x64xf32>
    %slice3A_23 = vector.extract_strided_slice %sub3A_8 {offsets = [0, 1, 0], sizes = [8, 1, 64], strides = [1, 1, 1]} : vector<8x3x64xf32> to vector<8x1x64xf32>
    %broadcast_in_dim3A_24 = vector.shape_cast %slice3A_23 : vector<8x1x64xf32> to vector<8x1x64xf32>
    %broadcast_in_dim3A_25 = vector.broadcast %broadcast_in_dim3A_24 : vector<8x1x64xf32> to vector<8x64x64xf32>
    %reshape3A_26 = vector.shape_cast %broadcast_in_dim3A_25 : vector<8x64x64xf32> to vector<512x64xf32>
    %slice3A_27 = vector.extract_strided_slice %sub3A {offsets = [0, 1], sizes = [512, 1], strides = [1, 1]} : vector<512x3xf32> to vector<512x1xf32>
    %sub3A_28 = vector.broadcast %slice3A_27 : vector<512x1xf32> to vector<512x64xf32>
    %sub3A_29 = arith.subf %sub3A_28, %reshape3A_26 : vector<512x64xf32>
    %round3A_30 = math.roundeven %sub3A_29 : vector<512x64xf32>
    %sub3A_31 = arith.subf %sub3A_29, %round3A_30 : vector<512x64xf32>
    %convert_element_type3A_32 = arith.truncf %sub3A_31 : vector<512x64xf32> to vector<512x64xbf16>
    %convert_element_type3A_33 = arith.extf %convert_element_type3A_32 : vector<512x64xbf16> to vector<512x64xf32>
    %slice3A_34 = vector.extract_strided_slice %sub3A_8 {offsets = [0, 2, 0], sizes = [8, 1, 64], strides = [1, 1, 1]} : vector<8x3x64xf32> to vector<8x1x64xf32>
    %broadcast_in_dim3A_35 = vector.shape_cast %slice3A_34 : vector<8x1x64xf32> to vector<8x1x64xf32>
    %broadcast_in_dim3A_36 = vector.broadcast %broadcast_in_dim3A_35 : vector<8x1x64xf32> to vector<8x64x64xf32>
    %reshape3A_37 = vector.shape_cast %broadcast_in_dim3A_36 : vector<8x64x64xf32> to vector<512x64xf32>
    %slice3A_38 = vector.extract_strided_slice %sub3A {offsets = [0, 2], sizes = [512, 1], strides = [1, 1]} : vector<512x3xf32> to vector<512x1xf32>
    %sub3A_39 = vector.broadcast %slice3A_38 : vector<512x1xf32> to vector<512x64xf32>
    %sub3A_40 = arith.subf %sub3A_39, %reshape3A_37 : vector<512x64xf32>
    %round3A_41 = math.roundeven %sub3A_40 : vector<512x64xf32>
    %sub3A_42 = arith.subf %sub3A_40, %round3A_41 : vector<512x64xf32>
    %convert_element_type3A_43 = arith.truncf %sub3A_42 : vector<512x64xf32> to vector<512x64xbf16>
    %convert_element_type3A_44 = arith.extf %convert_element_type3A_43 : vector<512x64xbf16> to vector<512x64xf32>
    %slice3A_45 = vector.extract_strided_slice %convert_element_type3A_14 {offsets = [0, 0], sizes = [512, 1], strides = [1, 1]} : vector<512x9xf32> to vector<512x1xf32>
    %mul3A = vector.broadcast %slice3A_45 : vector<512x1xf32> to vector<512x64xf32>
    %mul3A_46 = arith.mulf %convert_element_type3A_22, %mul3A : vector<512x64xf32>
    %slice3A_47 = vector.extract_strided_slice %convert_element_type3A_14 {offsets = [0, 3], sizes = [512, 1], strides = [1, 1]} : vector<512x9xf32> to vector<512x1xf32>
    %mul3A_48 = vector.broadcast %slice3A_47 : vector<512x1xf32> to vector<512x64xf32>
    %mul3A_49 = arith.mulf %convert_element_type3A_33, %mul3A_48 : vector<512x64xf32>
    %add3A = arith.addf %mul3A_46, %mul3A_49 : vector<512x64xf32>
    %slice3A_50 = vector.extract_strided_slice %convert_element_type3A_14 {offsets = [0, 6], sizes = [512, 1], strides = [1, 1]} : vector<512x9xf32> to vector<512x1xf32>
    %mul3A_51 = vector.broadcast %slice3A_50 : vector<512x1xf32> to vector<512x64xf32>
    %mul3A_52 = arith.mulf %convert_element_type3A_44, %mul3A_51 : vector<512x64xf32>
    %add3A_53 = arith.addf %add3A, %mul3A_52 : vector<512x64xf32>
    %slice3A_54 = vector.extract_strided_slice %convert_element_type3A_14 {offsets = [0, 1], sizes = [512, 1], strides = [1, 1]} : vector<512x9xf32> to vector<512x1xf32>
    %mul3A_55 = vector.broadcast %slice3A_54 : vector<512x1xf32> to vector<512x64xf32>
    %mul3A_56 = arith.mulf %convert_element_type3A_22, %mul3A_55 : vector<512x64xf32>
    %slice3A_57 = vector.extract_strided_slice %convert_element_type3A_14 {offsets = [0, 4], sizes = [512, 1], strides = [1, 1]} : vector<512x9xf32> to vector<512x1xf32>
    %mul3A_58 = vector.broadcast %slice3A_57 : vector<512x1xf32> to vector<512x64xf32>
    %mul3A_59 = arith.mulf %convert_element_type3A_33, %mul3A_58 : vector<512x64xf32>
    %add3A_60 = arith.addf %mul3A_56, %mul3A_59 : vector<512x64xf32>
    %slice3A_61 = vector.extract_strided_slice %convert_element_type3A_14 {offsets = [0, 7], sizes = [512, 1], strides = [1, 1]} : vector<512x9xf32> to vector<512x1xf32>
    %mul3A_62 = vector.broadcast %slice3A_61 : vector<512x1xf32> to vector<512x64xf32>
    %mul3A_63 = arith.mulf %convert_element_type3A_44, %mul3A_62 : vector<512x64xf32>
    %add3A_64 = arith.addf %add3A_60, %mul3A_63 : vector<512x64xf32>
    %slice3A_65 = vector.extract_strided_slice %convert_element_type3A_14 {offsets = [0, 2], sizes = [512, 1], strides = [1, 1]} : vector<512x9xf32> to vector<512x1xf32>
    %mul3A_66 = vector.broadcast %slice3A_65 : vector<512x1xf32> to vector<512x64xf32>
    %mul3A_67 = arith.mulf %convert_element_type3A_22, %mul3A_66 : vector<512x64xf32>
    %slice3A_68 = vector.extract_strided_slice %convert_element_type3A_14 {offsets = [0, 5], sizes = [512, 1], strides = [1, 1]} : vector<512x9xf32> to vector<512x1xf32>
    %mul3A_69 = vector.broadcast %slice3A_68 : vector<512x1xf32> to vector<512x64xf32>
    %mul3A_70 = arith.mulf %convert_element_type3A_33, %mul3A_69 : vector<512x64xf32>
    %add3A_71 = arith.addf %mul3A_67, %mul3A_70 : vector<512x64xf32>
    %slice3A_72 = vector.extract_strided_slice %convert_element_type3A_14 {offsets = [0, 8], sizes = [512, 1], strides = [1, 1]} : vector<512x9xf32> to vector<512x1xf32>
    %mul3A_73 = vector.broadcast %slice3A_72 : vector<512x1xf32> to vector<512x64xf32>
    %mul3A_74 = arith.mulf %convert_element_type3A_44, %mul3A_73 : vector<512x64xf32>
    %add3A_75 = arith.addf %add3A_71, %mul3A_74 : vector<512x64xf32>
    %iota3A = tpu.iota {dimensions = array<i32: 1>} : vector<8x64x64xi32>
    %reshape3A_76 = vector.shape_cast %iota3A : vector<8x64x64xi32> to vector<512x64xi32>
    %iota3A_77 = tpu.iota {dimensions = array<i32: 1>} : vector<512x64xi32>
    %convert_element_type3A_78 = arith.sitofp %iota3A_77 : vector<512x64xi32> to vector<512x64xf32>
    %mul3A_79 = arith.mulf %add3A_53, %add3A_53 : vector<512x64xf32>
    %mul3A_80 = arith.mulf %add3A_64, %add3A_64 : vector<512x64xf32>
    %add3A_81 = arith.addf %mul3A_79, %mul3A_80 : vector<512x64xf32>
    %mul3A_82 = arith.mulf %add3A_75, %add3A_75 : vector<512x64xf32>
    %add3A_83 = arith.addf %add3A_81, %mul3A_82 : vector<512x64xf32>
    %eq3A = arith.cmpi eq, %reshape3A_76, %iota3A_77 : vector<512x64xi32>
    %jit3A = arith.constant 1.000000e+09 : f32
    %jit3A_84 = arith.constant 0.000000e+00 : f32
    %broadcast_in_dim3A_85 = vector.broadcast %jit3A : f32 to vector<512x64xf32>
    %broadcast_in_dim3A_86 = vector.broadcast %jit3A_84 : f32 to vector<512x64xf32>
    %select_n3A = arith.select %eq3A, %broadcast_in_dim3A_85, %broadcast_in_dim3A_86 : vector<512x64xi1>, vector<512x64xf32>
    %add3A_87 = arith.addf %add3A_83, %select_n3A : vector<512x64xf32>
    %reduce_min3A = arith.constant dense<0x7F800000> : vector<512xf32>
    %reduce_min3A_88 = vector.multi_reduction <minimumf>, %add3A_87, %reduce_min3A [1] : vector<512x64xf32> to vector<512xf32>
    %broadcast_in_dim3A_89 = vector.shape_cast %reduce_min3A_88 : vector<512xf32> to vector<512x1xf32>
    %eq3A_90 = vector.broadcast %broadcast_in_dim3A_89 : vector<512x1xf32> to vector<512x64xf32>
    %eq3A_91 = arith.cmpf oeq, %add3A_87, %eq3A_90 : vector<512x64xf32>
    %jit3A_92 = arith.constant 6.400000e+01 : f32
    %broadcast_in_dim3A_93 = vector.broadcast %jit3A_92 : f32 to vector<512x64xf32>
    %select_n3A_94 = arith.select %eq3A_91, %convert_element_type3A_78, %broadcast_in_dim3A_93 : vector<512x64xi1>, vector<512x64xf32>
    %reduce_min3A_95 = arith.constant dense<0x7F800000> : vector<512xf32>
    %reduce_min3A_96 = vector.multi_reduction <minimumf>, %select_n3A_94, %reduce_min3A_95 [1] : vector<512x64xf32> to vector<512xf32>
    %broadcast_in_dim3A_97 = vector.shape_cast %reduce_min3A_96 : vector<512xf32> to vector<512x1xf32>
    %eq3A_98 = vector.broadcast %broadcast_in_dim3A_97 : vector<512x1xf32> to vector<512x64xf32>
    %eq3A_99 = arith.cmpf oeq, %convert_element_type3A_78, %eq3A_98 : vector<512x64xf32>
    %convert_element_type3A_100 = arith.extui %eq3A_99 : vector<512x64xi1> to vector<512x64xi32>
    %convert_element_type3A_101 = arith.sitofp %convert_element_type3A_100 : vector<512x64xi32> to vector<512x64xf32>
    %max3A = arith.constant 9.99999996E-13 : f32
    %max3A_102 = vector.broadcast %max3A : f32 to vector<512x1xf32>
    %max3A_103 = arith.maximumf %broadcast_in_dim3A_89, %max3A_102 : vector<512x1xf32>
    %sqrt3A = math.sqrt %max3A_103 : vector<512x1xf32>
    %add3A_104 = arith.constant 9.99999971E-10 : f32
    %add3A_105 = vector.broadcast %add3A_104 : f32 to vector<512x1xf32>
    %add3A_106 = arith.addf %sqrt3A, %add3A_105 : vector<512x1xf32>
    %div3A = arith.constant 1.000000e+00 : f32
    %div3A_107 = vector.broadcast %div3A : f32 to vector<512x1xf32>
    %div3A_108 = arith.divf %div3A_107, %add3A_106 : vector<512x1xf32>
    %mul3A_109 = arith.mulf %convert_element_type3A_101, %add3A_53 : vector<512x64xf32>
    %reduce_sum3A = arith.constant dense<0.000000e+00> : vector<512xf32>
    %reduce_sum3A_110 = vector.multi_reduction <add>, %mul3A_109, %reduce_sum3A [1] : vector<512x64xf32> to vector<512xf32>
    %broadcast_in_dim3A_111 = vector.shape_cast %reduce_sum3A_110 : vector<512xf32> to vector<512x1xf32>
    %mul3A_112 = arith.mulf %broadcast_in_dim3A_111, %div3A_108 : vector<512x1xf32>
    %mul3A_113 = arith.mulf %convert_element_type3A_101, %add3A_64 : vector<512x64xf32>
    %reduce_sum3A_114 = arith.constant dense<0.000000e+00> : vector<512xf32>
    %reduce_sum3A_115 = vector.multi_reduction <add>, %mul3A_113, %reduce_sum3A_114 [1] : vector<512x64xf32> to vector<512xf32>
    %broadcast_in_dim3A_116 = vector.shape_cast %reduce_sum3A_115 : vector<512xf32> to vector<512x1xf32>
    %mul3A_117 = arith.mulf %broadcast_in_dim3A_116, %div3A_108 : vector<512x1xf32>
    %mul3A_118 = arith.mulf %convert_element_type3A_101, %add3A_75 : vector<512x64xf32>
    %reduce_sum3A_119 = arith.constant dense<0.000000e+00> : vector<512xf32>
    %reduce_sum3A_120 = vector.multi_reduction <add>, %mul3A_118, %reduce_sum3A_119 [1] : vector<512x64xf32> to vector<512xf32>
    %broadcast_in_dim3A_121 = vector.shape_cast %reduce_sum3A_120 : vector<512xf32> to vector<512x1xf32>
    %mul3A_122 = arith.mulf %broadcast_in_dim3A_121, %div3A_108 : vector<512x1xf32>
    %mul3A_123 = arith.constant 1.000000e+09 : f32
    %mul3A_124 = vector.broadcast %mul3A_123 : f32 to vector<512x64xf32>
    %mul3A_125 = arith.mulf %convert_element_type3A_101, %mul3A_124 : vector<512x64xf32>
    %add3A_126 = arith.addf %add3A_87, %mul3A_125 : vector<512x64xf32>
    %reduce_min3A_127 = arith.constant dense<0x7F800000> : vector<512xf32>
    %reduce_min3A_128 = vector.multi_reduction <minimumf>, %add3A_126, %reduce_min3A_127 [1] : vector<512x64xf32> to vector<512xf32>
    %broadcast_in_dim3A_129 = vector.shape_cast %reduce_min3A_128 : vector<512xf32> to vector<512x1xf32>
    %eq3A_130 = vector.broadcast %broadcast_in_dim3A_129 : vector<512x1xf32> to vector<512x64xf32>
    %eq3A_131 = arith.cmpf oeq, %add3A_126, %eq3A_130 : vector<512x64xf32>
    %jit3A_132 = arith.constant 6.400000e+01 : f32
    %broadcast_in_dim3A_133 = vector.broadcast %jit3A_132 : f32 to vector<512x64xf32>
    %select_n3A_134 = arith.select %eq3A_131, %convert_element_type3A_78, %broadcast_in_dim3A_133 : vector<512x64xi1>, vector<512x64xf32>
    %reduce_min3A_135 = arith.constant dense<0x7F800000> : vector<512xf32>
    %reduce_min3A_136 = vector.multi_reduction <minimumf>, %select_n3A_134, %reduce_min3A_135 [1] : vector<512x64xf32> to vector<512xf32>
    %broadcast_in_dim3A_137 = vector.shape_cast %reduce_min3A_136 : vector<512xf32> to vector<512x1xf32>
    %eq3A_138 = vector.broadcast %broadcast_in_dim3A_137 : vector<512x1xf32> to vector<512x64xf32>
    %eq3A_139 = arith.cmpf oeq, %convert_element_type3A_78, %eq3A_138 : vector<512x64xf32>
    %convert_element_type3A_140 = arith.extui %eq3A_139 : vector<512x64xi1> to vector<512x64xi32>
    %convert_element_type3A_141 = arith.sitofp %convert_element_type3A_140 : vector<512x64xi32> to vector<512x64xf32>
    %max3A_142 = arith.constant 9.99999996E-13 : f32
    %max3A_143 = vector.broadcast %max3A_142 : f32 to vector<512x1xf32>
    %max3A_144 = arith.maximumf %broadcast_in_dim3A_129, %max3A_143 : vector<512x1xf32>
    %sqrt3A_145 = math.sqrt %max3A_144 : vector<512x1xf32>
    %add3A_146 = arith.constant 9.99999971E-10 : f32
    %add3A_147 = vector.broadcast %add3A_146 : f32 to vector<512x1xf32>
    %add3A_148 = arith.addf %sqrt3A_145, %add3A_147 : vector<512x1xf32>
    %div3A_149 = arith.constant 1.000000e+00 : f32
    %div3A_150 = vector.broadcast %div3A_149 : f32 to vector<512x1xf32>
    %div3A_151 = arith.divf %div3A_150, %add3A_148 : vector<512x1xf32>
    %mul3A_152 = arith.mulf %convert_element_type3A_141, %add3A_53 : vector<512x64xf32>
    %reduce_sum3A_153 = arith.constant dense<0.000000e+00> : vector<512xf32>
    %reduce_sum3A_154 = vector.multi_reduction <add>, %mul3A_152, %reduce_sum3A_153 [1] : vector<512x64xf32> to vector<512xf32>
    %broadcast_in_dim3A_155 = vector.shape_cast %reduce_sum3A_154 : vector<512xf32> to vector<512x1xf32>
    %mul3A_156 = arith.mulf %broadcast_in_dim3A_155, %div3A_151 : vector<512x1xf32>
    %mul3A_157 = arith.mulf %convert_element_type3A_141, %add3A_64 : vector<512x64xf32>
    %reduce_sum3A_158 = arith.constant dense<0.000000e+00> : vector<512xf32>
    %reduce_sum3A_159 = vector.multi_reduction <add>, %mul3A_157, %reduce_sum3A_158 [1] : vector<512x64xf32> to vector<512xf32>
    %broadcast_in_dim3A_160 = vector.shape_cast %reduce_sum3A_159 : vector<512xf32> to vector<512x1xf32>
    %mul3A_161 = arith.mulf %broadcast_in_dim3A_160, %div3A_151 : vector<512x1xf32>
    %mul3A_162 = arith.mulf %convert_element_type3A_141, %add3A_75 : vector<512x64xf32>
    %reduce_sum3A_163 = arith.constant dense<0.000000e+00> : vector<512xf32>
    %reduce_sum3A_164 = vector.multi_reduction <add>, %mul3A_162, %reduce_sum3A_163 [1] : vector<512x64xf32> to vector<512xf32>
    %broadcast_in_dim3A_165 = vector.shape_cast %reduce_sum3A_164 : vector<512xf32> to vector<512x1xf32>
    %mul3A_166 = arith.mulf %broadcast_in_dim3A_165, %div3A_151 : vector<512x1xf32>
    %mul3A_167 = arith.constant 1.000000e+09 : f32
    %mul3A_168 = vector.broadcast %mul3A_167 : f32 to vector<512x64xf32>
    %mul3A_169 = arith.mulf %convert_element_type3A_141, %mul3A_168 : vector<512x64xf32>
    %add3A_170 = arith.addf %add3A_126, %mul3A_169 : vector<512x64xf32>
    %reduce_min3A_171 = arith.constant dense<0x7F800000> : vector<512xf32>
    %reduce_min3A_172 = vector.multi_reduction <minimumf>, %add3A_170, %reduce_min3A_171 [1] : vector<512x64xf32> to vector<512xf32>
    %broadcast_in_dim3A_173 = vector.shape_cast %reduce_min3A_172 : vector<512xf32> to vector<512x1xf32>
    %eq3A_174 = vector.broadcast %broadcast_in_dim3A_173 : vector<512x1xf32> to vector<512x64xf32>
    %eq3A_175 = arith.cmpf oeq, %add3A_170, %eq3A_174 : vector<512x64xf32>
    %jit3A_176 = arith.constant 6.400000e+01 : f32
    %broadcast_in_dim3A_177 = vector.broadcast %jit3A_176 : f32 to vector<512x64xf32>
    %select_n3A_178 = arith.select %eq3A_175, %convert_element_type3A_78, %broadcast_in_dim3A_177 : vector<512x64xi1>, vector<512x64xf32>
    %reduce_min3A_179 = arith.constant dense<0x7F800000> : vector<512xf32>
    %reduce_min3A_180 = vector.multi_reduction <minimumf>, %select_n3A_178, %reduce_min3A_179 [1] : vector<512x64xf32> to vector<512xf32>
    %broadcast_in_dim3A_181 = vector.shape_cast %reduce_min3A_180 : vector<512xf32> to vector<512x1xf32>
    %eq3A_182 = vector.broadcast %broadcast_in_dim3A_181 : vector<512x1xf32> to vector<512x64xf32>
    %eq3A_183 = arith.cmpf oeq, %convert_element_type3A_78, %eq3A_182 : vector<512x64xf32>
    %convert_element_type3A_184 = arith.extui %eq3A_183 : vector<512x64xi1> to vector<512x64xi32>
    %convert_element_type3A_185 = arith.sitofp %convert_element_type3A_184 : vector<512x64xi32> to vector<512x64xf32>
    %max3A_186 = arith.constant 9.99999996E-13 : f32
    %max3A_187 = vector.broadcast %max3A_186 : f32 to vector<512x1xf32>
    %max3A_188 = arith.maximumf %broadcast_in_dim3A_173, %max3A_187 : vector<512x1xf32>
    %sqrt3A_189 = math.sqrt %max3A_188 : vector<512x1xf32>
    %add3A_190 = arith.constant 9.99999971E-10 : f32
    %add3A_191 = vector.broadcast %add3A_190 : f32 to vector<512x1xf32>
    %add3A_192 = arith.addf %sqrt3A_189, %add3A_191 : vector<512x1xf32>
    %div3A_193 = arith.constant 1.000000e+00 : f32
    %div3A_194 = vector.broadcast %div3A_193 : f32 to vector<512x1xf32>
    %div3A_195 = arith.divf %div3A_194, %add3A_192 : vector<512x1xf32>
    %mul3A_196 = arith.mulf %convert_element_type3A_185, %add3A_53 : vector<512x64xf32>
    %reduce_sum3A_197 = arith.constant dense<0.000000e+00> : vector<512xf32>
    %reduce_sum3A_198 = vector.multi_reduction <add>, %mul3A_196, %reduce_sum3A_197 [1] : vector<512x64xf32> to vector<512xf32>
    %broadcast_in_dim3A_199 = vector.shape_cast %reduce_sum3A_198 : vector<512xf32> to vector<512x1xf32>
    %mul3A_200 = arith.mulf %broadcast_in_dim3A_199, %div3A_195 : vector<512x1xf32>
    %mul3A_201 = arith.mulf %convert_element_type3A_185, %add3A_64 : vector<512x64xf32>
    %reduce_sum3A_202 = arith.constant dense<0.000000e+00> : vector<512xf32>
    %reduce_sum3A_203 = vector.multi_reduction <add>, %mul3A_201, %reduce_sum3A_202 [1] : vector<512x64xf32> to vector<512xf32>
    %broadcast_in_dim3A_204 = vector.shape_cast %reduce_sum3A_203 : vector<512xf32> to vector<512x1xf32>
    %mul3A_205 = arith.mulf %broadcast_in_dim3A_204, %div3A_195 : vector<512x1xf32>
    %mul3A_206 = arith.mulf %convert_element_type3A_185, %add3A_75 : vector<512x64xf32>
    %reduce_sum3A_207 = arith.constant dense<0.000000e+00> : vector<512xf32>
    %reduce_sum3A_208 = vector.multi_reduction <add>, %mul3A_206, %reduce_sum3A_207 [1] : vector<512x64xf32> to vector<512xf32>
    %broadcast_in_dim3A_209 = vector.shape_cast %reduce_sum3A_208 : vector<512xf32> to vector<512x1xf32>
    %mul3A_210 = arith.mulf %broadcast_in_dim3A_209, %div3A_195 : vector<512x1xf32>
    %mul3A_211 = arith.constant 1.000000e+09 : f32
    %mul3A_212 = vector.broadcast %mul3A_211 : f32 to vector<512x64xf32>
    %mul3A_213 = arith.mulf %convert_element_type3A_185, %mul3A_212 : vector<512x64xf32>
    %add3A_214 = arith.addf %add3A_170, %mul3A_213 : vector<512x64xf32>
    %reduce_min3A_215 = arith.constant dense<0x7F800000> : vector<512xf32>
    %reduce_min3A_216 = vector.multi_reduction <minimumf>, %add3A_214, %reduce_min3A_215 [1] : vector<512x64xf32> to vector<512xf32>
    %broadcast_in_dim3A_217 = vector.shape_cast %reduce_min3A_216 : vector<512xf32> to vector<512x1xf32>
    %eq3A_218 = vector.broadcast %broadcast_in_dim3A_217 : vector<512x1xf32> to vector<512x64xf32>
    %eq3A_219 = arith.cmpf oeq, %add3A_214, %eq3A_218 : vector<512x64xf32>
    %jit3A_220 = arith.constant 6.400000e+01 : f32
    %broadcast_in_dim3A_221 = vector.broadcast %jit3A_220 : f32 to vector<512x64xf32>
    %select_n3A_222 = arith.select %eq3A_219, %convert_element_type3A_78, %broadcast_in_dim3A_221 : vector<512x64xi1>, vector<512x64xf32>
    %reduce_min3A_223 = arith.constant dense<0x7F800000> : vector<512xf32>
    %reduce_min3A_224 = vector.multi_reduction <minimumf>, %select_n3A_222, %reduce_min3A_223 [1] : vector<512x64xf32> to vector<512xf32>
    %broadcast_in_dim3A_225 = vector.shape_cast %reduce_min3A_224 : vector<512xf32> to vector<512x1xf32>
    %eq3A_226 = vector.broadcast %broadcast_in_dim3A_225 : vector<512x1xf32> to vector<512x64xf32>
    %eq3A_227 = arith.cmpf oeq, %convert_element_type3A_78, %eq3A_226 : vector<512x64xf32>
    %convert_element_type3A_228 = arith.extui %eq3A_227 : vector<512x64xi1> to vector<512x64xi32>
    %convert_element_type3A_229 = arith.sitofp %convert_element_type3A_228 : vector<512x64xi32> to vector<512x64xf32>
    %max3A_230 = arith.constant 9.99999996E-13 : f32
    %max3A_231 = vector.broadcast %max3A_230 : f32 to vector<512x1xf32>
    %max3A_232 = arith.maximumf %broadcast_in_dim3A_217, %max3A_231 : vector<512x1xf32>
    %sqrt3A_233 = math.sqrt %max3A_232 : vector<512x1xf32>
    %add3A_234 = arith.constant 9.99999971E-10 : f32
    %add3A_235 = vector.broadcast %add3A_234 : f32 to vector<512x1xf32>
    %add3A_236 = arith.addf %sqrt3A_233, %add3A_235 : vector<512x1xf32>
    %div3A_237 = arith.constant 1.000000e+00 : f32
    %div3A_238 = vector.broadcast %div3A_237 : f32 to vector<512x1xf32>
    %div3A_239 = arith.divf %div3A_238, %add3A_236 : vector<512x1xf32>
    %mul3A_240 = arith.mulf %convert_element_type3A_229, %add3A_53 : vector<512x64xf32>
    %reduce_sum3A_241 = arith.constant dense<0.000000e+00> : vector<512xf32>
    %reduce_sum3A_242 = vector.multi_reduction <add>, %mul3A_240, %reduce_sum3A_241 [1] : vector<512x64xf32> to vector<512xf32>
    %broadcast_in_dim3A_243 = vector.shape_cast %reduce_sum3A_242 : vector<512xf32> to vector<512x1xf32>
    %mul3A_244 = arith.mulf %broadcast_in_dim3A_243, %div3A_239 : vector<512x1xf32>
    %mul3A_245 = arith.mulf %convert_element_type3A_229, %add3A_64 : vector<512x64xf32>
    %reduce_sum3A_246 = arith.constant dense<0.000000e+00> : vector<512xf32>
    %reduce_sum3A_247 = vector.multi_reduction <add>, %mul3A_245, %reduce_sum3A_246 [1] : vector<512x64xf32> to vector<512xf32>
    %broadcast_in_dim3A_248 = vector.shape_cast %reduce_sum3A_247 : vector<512xf32> to vector<512x1xf32>
    %mul3A_249 = arith.mulf %broadcast_in_dim3A_248, %div3A_239 : vector<512x1xf32>
    %mul3A_250 = arith.mulf %convert_element_type3A_229, %add3A_75 : vector<512x64xf32>
    %reduce_sum3A_251 = arith.constant dense<0.000000e+00> : vector<512xf32>
    %reduce_sum3A_252 = vector.multi_reduction <add>, %mul3A_250, %reduce_sum3A_251 [1] : vector<512x64xf32> to vector<512xf32>
    %broadcast_in_dim3A_253 = vector.shape_cast %reduce_sum3A_252 : vector<512xf32> to vector<512x1xf32>
    %mul3A_254 = arith.mulf %broadcast_in_dim3A_253, %div3A_239 : vector<512x1xf32>
    %mul3A_255 = arith.constant 1.000000e+09 : f32
    %mul3A_256 = vector.broadcast %mul3A_255 : f32 to vector<512x64xf32>
    %mul3A_257 = arith.mulf %convert_element_type3A_229, %mul3A_256 : vector<512x64xf32>
    %add3A_258 = arith.addf %add3A_214, %mul3A_257 : vector<512x64xf32>
    %reduce_min3A_259 = arith.constant dense<0x7F800000> : vector<512xf32>
    %reduce_min3A_260 = vector.multi_reduction <minimumf>, %add3A_258, %reduce_min3A_259 [1] : vector<512x64xf32> to vector<512xf32>
    %broadcast_in_dim3A_261 = vector.shape_cast %reduce_min3A_260 : vector<512xf32> to vector<512x1xf32>
    %eq3A_262 = vector.broadcast %broadcast_in_dim3A_261 : vector<512x1xf32> to vector<512x64xf32>
    %eq3A_263 = arith.cmpf oeq, %add3A_258, %eq3A_262 : vector<512x64xf32>
    %jit3A_264 = arith.constant 6.400000e+01 : f32
    %broadcast_in_dim3A_265 = vector.broadcast %jit3A_264 : f32 to vector<512x64xf32>
    %select_n3A_266 = arith.select %eq3A_263, %convert_element_type3A_78, %broadcast_in_dim3A_265 : vector<512x64xi1>, vector<512x64xf32>
    %reduce_min3A_267 = arith.constant dense<0x7F800000> : vector<512xf32>
    %reduce_min3A_268 = vector.multi_reduction <minimumf>, %select_n3A_266, %reduce_min3A_267 [1] : vector<512x64xf32> to vector<512xf32>
    %broadcast_in_dim3A_269 = vector.shape_cast %reduce_min3A_268 : vector<512xf32> to vector<512x1xf32>
    %eq3A_270 = vector.broadcast %broadcast_in_dim3A_269 : vector<512x1xf32> to vector<512x64xf32>
    %eq3A_271 = arith.cmpf oeq, %convert_element_type3A_78, %eq3A_270 : vector<512x64xf32>
    %convert_element_type3A_272 = arith.extui %eq3A_271 : vector<512x64xi1> to vector<512x64xi32>
    %convert_element_type3A_273 = arith.sitofp %convert_element_type3A_272 : vector<512x64xi32> to vector<512x64xf32>
    %max3A_274 = arith.constant 9.99999996E-13 : f32
    %max3A_275 = vector.broadcast %max3A_274 : f32 to vector<512x1xf32>
    %max3A_276 = arith.maximumf %broadcast_in_dim3A_261, %max3A_275 : vector<512x1xf32>
    %sqrt3A_277 = math.sqrt %max3A_276 : vector<512x1xf32>
    %add3A_278 = arith.constant 9.99999971E-10 : f32
    %add3A_279 = vector.broadcast %add3A_278 : f32 to vector<512x1xf32>
    %add3A_280 = arith.addf %sqrt3A_277, %add3A_279 : vector<512x1xf32>
    %div3A_281 = arith.constant 1.000000e+00 : f32
    %div3A_282 = vector.broadcast %div3A_281 : f32 to vector<512x1xf32>
    %div3A_283 = arith.divf %div3A_282, %add3A_280 : vector<512x1xf32>
    %mul3A_284 = arith.mulf %convert_element_type3A_273, %add3A_53 : vector<512x64xf32>
    %reduce_sum3A_285 = arith.constant dense<0.000000e+00> : vector<512xf32>
    %reduce_sum3A_286 = vector.multi_reduction <add>, %mul3A_284, %reduce_sum3A_285 [1] : vector<512x64xf32> to vector<512xf32>
    %broadcast_in_dim3A_287 = vector.shape_cast %reduce_sum3A_286 : vector<512xf32> to vector<512x1xf32>
    %mul3A_288 = arith.mulf %broadcast_in_dim3A_287, %div3A_283 : vector<512x1xf32>
    %mul3A_289 = arith.mulf %convert_element_type3A_273, %add3A_64 : vector<512x64xf32>
    %reduce_sum3A_290 = arith.constant dense<0.000000e+00> : vector<512xf32>
    %reduce_sum3A_291 = vector.multi_reduction <add>, %mul3A_289, %reduce_sum3A_290 [1] : vector<512x64xf32> to vector<512xf32>
    %broadcast_in_dim3A_292 = vector.shape_cast %reduce_sum3A_291 : vector<512xf32> to vector<512x1xf32>
    %mul3A_293 = arith.mulf %broadcast_in_dim3A_292, %div3A_283 : vector<512x1xf32>
    %mul3A_294 = arith.mulf %convert_element_type3A_273, %add3A_75 : vector<512x64xf32>
    %reduce_sum3A_295 = arith.constant dense<0.000000e+00> : vector<512xf32>
    %reduce_sum3A_296 = vector.multi_reduction <add>, %mul3A_294, %reduce_sum3A_295 [1] : vector<512x64xf32> to vector<512xf32>
    %broadcast_in_dim3A_297 = vector.shape_cast %reduce_sum3A_296 : vector<512xf32> to vector<512x1xf32>
    %mul3A_298 = arith.mulf %broadcast_in_dim3A_297, %div3A_283 : vector<512x1xf32>
    %mul3A_299 = arith.constant 1.000000e+09 : f32
    %mul3A_300 = vector.broadcast %mul3A_299 : f32 to vector<512x64xf32>
    %mul3A_301 = arith.mulf %convert_element_type3A_273, %mul3A_300 : vector<512x64xf32>
    %add3A_302 = arith.addf %add3A_258, %mul3A_301 : vector<512x64xf32>
    %reduce_min3A_303 = arith.constant dense<0x7F800000> : vector<512xf32>
    %reduce_min3A_304 = vector.multi_reduction <minimumf>, %add3A_302, %reduce_min3A_303 [1] : vector<512x64xf32> to vector<512xf32>
    %broadcast_in_dim3A_305 = vector.shape_cast %reduce_min3A_304 : vector<512xf32> to vector<512x1xf32>
    %eq3A_306 = vector.broadcast %broadcast_in_dim3A_305 : vector<512x1xf32> to vector<512x64xf32>
    %eq3A_307 = arith.cmpf oeq, %add3A_302, %eq3A_306 : vector<512x64xf32>
    %jit3A_308 = arith.constant 6.400000e+01 : f32
    %broadcast_in_dim3A_309 = vector.broadcast %jit3A_308 : f32 to vector<512x64xf32>
    %select_n3A_310 = arith.select %eq3A_307, %convert_element_type3A_78, %broadcast_in_dim3A_309 : vector<512x64xi1>, vector<512x64xf32>
    %reduce_min3A_311 = arith.constant dense<0x7F800000> : vector<512xf32>
    %reduce_min3A_312 = vector.multi_reduction <minimumf>, %select_n3A_310, %reduce_min3A_311 [1] : vector<512x64xf32> to vector<512xf32>
    %broadcast_in_dim3A_313 = vector.shape_cast %reduce_min3A_312 : vector<512xf32> to vector<512x1xf32>
    %eq3A_314 = vector.broadcast %broadcast_in_dim3A_313 : vector<512x1xf32> to vector<512x64xf32>
    %eq3A_315 = arith.cmpf oeq, %convert_element_type3A_78, %eq3A_314 : vector<512x64xf32>
    %convert_element_type3A_316 = arith.extui %eq3A_315 : vector<512x64xi1> to vector<512x64xi32>
    %convert_element_type3A_317 = arith.sitofp %convert_element_type3A_316 : vector<512x64xi32> to vector<512x64xf32>
    %max3A_318 = arith.constant 9.99999996E-13 : f32
    %max3A_319 = vector.broadcast %max3A_318 : f32 to vector<512x1xf32>
    %max3A_320 = arith.maximumf %broadcast_in_dim3A_305, %max3A_319 : vector<512x1xf32>
    %sqrt3A_321 = math.sqrt %max3A_320 : vector<512x1xf32>
    %add3A_322 = arith.constant 9.99999971E-10 : f32
    %add3A_323 = vector.broadcast %add3A_322 : f32 to vector<512x1xf32>
    %add3A_324 = arith.addf %sqrt3A_321, %add3A_323 : vector<512x1xf32>
    %div3A_325 = arith.constant 1.000000e+00 : f32
    %div3A_326 = vector.broadcast %div3A_325 : f32 to vector<512x1xf32>
    %div3A_327 = arith.divf %div3A_326, %add3A_324 : vector<512x1xf32>
    %mul3A_328 = arith.mulf %convert_element_type3A_317, %add3A_53 : vector<512x64xf32>
    %reduce_sum3A_329 = arith.constant dense<0.000000e+00> : vector<512xf32>
    %reduce_sum3A_330 = vector.multi_reduction <add>, %mul3A_328, %reduce_sum3A_329 [1] : vector<512x64xf32> to vector<512xf32>
    %broadcast_in_dim3A_331 = vector.shape_cast %reduce_sum3A_330 : vector<512xf32> to vector<512x1xf32>
    %mul3A_332 = arith.mulf %broadcast_in_dim3A_331, %div3A_327 : vector<512x1xf32>
    %mul3A_333 = arith.mulf %convert_element_type3A_317, %add3A_64 : vector<512x64xf32>
    %reduce_sum3A_334 = arith.constant dense<0.000000e+00> : vector<512xf32>
    %reduce_sum3A_335 = vector.multi_reduction <add>, %mul3A_333, %reduce_sum3A_334 [1] : vector<512x64xf32> to vector<512xf32>
    %broadcast_in_dim3A_336 = vector.shape_cast %reduce_sum3A_335 : vector<512xf32> to vector<512x1xf32>
    %mul3A_337 = arith.mulf %broadcast_in_dim3A_336, %div3A_327 : vector<512x1xf32>
    %mul3A_338 = arith.mulf %convert_element_type3A_317, %add3A_75 : vector<512x64xf32>
    %reduce_sum3A_339 = arith.constant dense<0.000000e+00> : vector<512xf32>
    %reduce_sum3A_340 = vector.multi_reduction <add>, %mul3A_338, %reduce_sum3A_339 [1] : vector<512x64xf32> to vector<512xf32>
    %broadcast_in_dim3A_341 = vector.shape_cast %reduce_sum3A_340 : vector<512xf32> to vector<512x1xf32>
    %mul3A_342 = arith.mulf %broadcast_in_dim3A_341, %div3A_327 : vector<512x1xf32>
    %mul3A_343 = arith.constant 1.000000e+09 : f32
    %mul3A_344 = vector.broadcast %mul3A_343 : f32 to vector<512x64xf32>
    %mul3A_345 = arith.mulf %convert_element_type3A_317, %mul3A_344 : vector<512x64xf32>
    %add3A_346 = arith.addf %add3A_302, %mul3A_345 : vector<512x64xf32>
    %reduce_min3A_347 = arith.constant dense<0x7F800000> : vector<512xf32>
    %reduce_min3A_348 = vector.multi_reduction <minimumf>, %add3A_346, %reduce_min3A_347 [1] : vector<512x64xf32> to vector<512xf32>
    %broadcast_in_dim3A_349 = vector.shape_cast %reduce_min3A_348 : vector<512xf32> to vector<512x1xf32>
    %eq3A_350 = vector.broadcast %broadcast_in_dim3A_349 : vector<512x1xf32> to vector<512x64xf32>
    %eq3A_351 = arith.cmpf oeq, %add3A_346, %eq3A_350 : vector<512x64xf32>
    %jit3A_352 = arith.constant 6.400000e+01 : f32
    %broadcast_in_dim3A_353 = vector.broadcast %jit3A_352 : f32 to vector<512x64xf32>
    %select_n3A_354 = arith.select %eq3A_351, %convert_element_type3A_78, %broadcast_in_dim3A_353 : vector<512x64xi1>, vector<512x64xf32>
    %reduce_min3A_355 = arith.constant dense<0x7F800000> : vector<512xf32>
    %reduce_min3A_356 = vector.multi_reduction <minimumf>, %select_n3A_354, %reduce_min3A_355 [1] : vector<512x64xf32> to vector<512xf32>
    %broadcast_in_dim3A_357 = vector.shape_cast %reduce_min3A_356 : vector<512xf32> to vector<512x1xf32>
    %eq3A_358 = vector.broadcast %broadcast_in_dim3A_357 : vector<512x1xf32> to vector<512x64xf32>
    %eq3A_359 = arith.cmpf oeq, %convert_element_type3A_78, %eq3A_358 : vector<512x64xf32>
    %convert_element_type3A_360 = arith.extui %eq3A_359 : vector<512x64xi1> to vector<512x64xi32>
    %convert_element_type3A_361 = arith.sitofp %convert_element_type3A_360 : vector<512x64xi32> to vector<512x64xf32>
    %max3A_362 = arith.constant 9.99999996E-13 : f32
    %max3A_363 = vector.broadcast %max3A_362 : f32 to vector<512x1xf32>
    %max3A_364 = arith.maximumf %broadcast_in_dim3A_349, %max3A_363 : vector<512x1xf32>
    %sqrt3A_365 = math.sqrt %max3A_364 : vector<512x1xf32>
    %add3A_366 = arith.constant 9.99999971E-10 : f32
    %add3A_367 = vector.broadcast %add3A_366 : f32 to vector<512x1xf32>
    %add3A_368 = arith.addf %sqrt3A_365, %add3A_367 : vector<512x1xf32>
    %div3A_369 = arith.constant 1.000000e+00 : f32
    %div3A_370 = vector.broadcast %div3A_369 : f32 to vector<512x1xf32>
    %div3A_371 = arith.divf %div3A_370, %add3A_368 : vector<512x1xf32>
    %mul3A_372 = arith.mulf %convert_element_type3A_361, %add3A_53 : vector<512x64xf32>
    %reduce_sum3A_373 = arith.constant dense<0.000000e+00> : vector<512xf32>
    %reduce_sum3A_374 = vector.multi_reduction <add>, %mul3A_372, %reduce_sum3A_373 [1] : vector<512x64xf32> to vector<512xf32>
    %broadcast_in_dim3A_375 = vector.shape_cast %reduce_sum3A_374 : vector<512xf32> to vector<512x1xf32>
    %mul3A_376 = arith.mulf %broadcast_in_dim3A_375, %div3A_371 : vector<512x1xf32>
    %mul3A_377 = arith.mulf %convert_element_type3A_361, %add3A_64 : vector<512x64xf32>
    %reduce_sum3A_378 = arith.constant dense<0.000000e+00> : vector<512xf32>
    %reduce_sum3A_379 = vector.multi_reduction <add>, %mul3A_377, %reduce_sum3A_378 [1] : vector<512x64xf32> to vector<512xf32>
    %broadcast_in_dim3A_380 = vector.shape_cast %reduce_sum3A_379 : vector<512xf32> to vector<512x1xf32>
    %mul3A_381 = arith.mulf %broadcast_in_dim3A_380, %div3A_371 : vector<512x1xf32>
    %mul3A_382 = arith.mulf %convert_element_type3A_361, %add3A_75 : vector<512x64xf32>
    %reduce_sum3A_383 = arith.constant dense<0.000000e+00> : vector<512xf32>
    %reduce_sum3A_384 = vector.multi_reduction <add>, %mul3A_382, %reduce_sum3A_383 [1] : vector<512x64xf32> to vector<512xf32>
    %broadcast_in_dim3A_385 = vector.shape_cast %reduce_sum3A_384 : vector<512xf32> to vector<512x1xf32>
    %mul3A_386 = arith.mulf %broadcast_in_dim3A_385, %div3A_371 : vector<512x1xf32>
    %mul3A_387 = arith.constant 1.000000e+09 : f32
    %mul3A_388 = vector.broadcast %mul3A_387 : f32 to vector<512x64xf32>
    %mul3A_389 = arith.mulf %convert_element_type3A_361, %mul3A_388 : vector<512x64xf32>
    %add3A_390 = arith.addf %add3A_346, %mul3A_389 : vector<512x64xf32>
    %reduce_min3A_391 = arith.constant dense<0x7F800000> : vector<512xf32>
    %reduce_min3A_392 = vector.multi_reduction <minimumf>, %add3A_390, %reduce_min3A_391 [1] : vector<512x64xf32> to vector<512xf32>
    %broadcast_in_dim3A_393 = vector.shape_cast %reduce_min3A_392 : vector<512xf32> to vector<512x1xf32>
    %eq3A_394 = vector.broadcast %broadcast_in_dim3A_393 : vector<512x1xf32> to vector<512x64xf32>
    %eq3A_395 = arith.cmpf oeq, %add3A_390, %eq3A_394 : vector<512x64xf32>
    %jit3A_396 = arith.constant 6.400000e+01 : f32
    %broadcast_in_dim3A_397 = vector.broadcast %jit3A_396 : f32 to vector<512x64xf32>
    %select_n3A_398 = arith.select %eq3A_395, %convert_element_type3A_78, %broadcast_in_dim3A_397 : vector<512x64xi1>, vector<512x64xf32>
    %reduce_min3A_399 = arith.constant dense<0x7F800000> : vector<512xf32>
    %reduce_min3A_400 = vector.multi_reduction <minimumf>, %select_n3A_398, %reduce_min3A_399 [1] : vector<512x64xf32> to vector<512xf32>
    %broadcast_in_dim3A_401 = vector.shape_cast %reduce_min3A_400 : vector<512xf32> to vector<512x1xf32>
    %eq3A_402 = vector.broadcast %broadcast_in_dim3A_401 : vector<512x1xf32> to vector<512x64xf32>
    %eq3A_403 = arith.cmpf oeq, %convert_element_type3A_78, %eq3A_402 : vector<512x64xf32>
    %convert_element_type3A_404 = arith.extui %eq3A_403 : vector<512x64xi1> to vector<512x64xi32>
    %convert_element_type3A_405 = arith.sitofp %convert_element_type3A_404 : vector<512x64xi32> to vector<512x64xf32>
    %max3A_406 = arith.constant 9.99999996E-13 : f32
    %max3A_407 = vector.broadcast %max3A_406 : f32 to vector<512x1xf32>
    %max3A_408 = arith.maximumf %broadcast_in_dim3A_393, %max3A_407 : vector<512x1xf32>
    %sqrt3A_409 = math.sqrt %max3A_408 : vector<512x1xf32>
    %add3A_410 = arith.constant 9.99999971E-10 : f32
    %add3A_411 = vector.broadcast %add3A_410 : f32 to vector<512x1xf32>
    %add3A_412 = arith.addf %sqrt3A_409, %add3A_411 : vector<512x1xf32>
    %div3A_413 = arith.constant 1.000000e+00 : f32
    %div3A_414 = vector.broadcast %div3A_413 : f32 to vector<512x1xf32>
    %div3A_415 = arith.divf %div3A_414, %add3A_412 : vector<512x1xf32>
    %mul3A_416 = arith.mulf %convert_element_type3A_405, %add3A_53 : vector<512x64xf32>
    %reduce_sum3A_417 = arith.constant dense<0.000000e+00> : vector<512xf32>
    %reduce_sum3A_418 = vector.multi_reduction <add>, %mul3A_416, %reduce_sum3A_417 [1] : vector<512x64xf32> to vector<512xf32>
    %broadcast_in_dim3A_419 = vector.shape_cast %reduce_sum3A_418 : vector<512xf32> to vector<512x1xf32>
    %mul3A_420 = arith.mulf %broadcast_in_dim3A_419, %div3A_415 : vector<512x1xf32>
    %mul3A_421 = arith.mulf %convert_element_type3A_405, %add3A_64 : vector<512x64xf32>
    %reduce_sum3A_422 = arith.constant dense<0.000000e+00> : vector<512xf32>
    %reduce_sum3A_423 = vector.multi_reduction <add>, %mul3A_421, %reduce_sum3A_422 [1] : vector<512x64xf32> to vector<512xf32>
    %broadcast_in_dim3A_424 = vector.shape_cast %reduce_sum3A_423 : vector<512xf32> to vector<512x1xf32>
    %mul3A_425 = arith.mulf %broadcast_in_dim3A_424, %div3A_415 : vector<512x1xf32>
    %mul3A_426 = arith.mulf %convert_element_type3A_405, %add3A_75 : vector<512x64xf32>
    %reduce_sum3A_427 = arith.constant dense<0.000000e+00> : vector<512xf32>
    %reduce_sum3A_428 = vector.multi_reduction <add>, %mul3A_426, %reduce_sum3A_427 [1] : vector<512x64xf32> to vector<512xf32>
    %broadcast_in_dim3A_429 = vector.shape_cast %reduce_sum3A_428 : vector<512xf32> to vector<512x1xf32>
    %mul3A_430 = arith.mulf %broadcast_in_dim3A_429, %div3A_415 : vector<512x1xf32>
    %mul3A_431 = arith.constant 1.000000e+09 : f32
    %mul3A_432 = vector.broadcast %mul3A_431 : f32 to vector<512x64xf32>
    %mul3A_433 = arith.mulf %convert_element_type3A_405, %mul3A_432 : vector<512x64xf32>
    %add3A_434 = arith.addf %add3A_390, %mul3A_433 : vector<512x64xf32>
    %reduce_min3A_435 = arith.constant dense<0x7F800000> : vector<512xf32>
    %reduce_min3A_436 = vector.multi_reduction <minimumf>, %add3A_434, %reduce_min3A_435 [1] : vector<512x64xf32> to vector<512xf32>
    %broadcast_in_dim3A_437 = vector.shape_cast %reduce_min3A_436 : vector<512xf32> to vector<512x1xf32>
    %eq3A_438 = vector.broadcast %broadcast_in_dim3A_437 : vector<512x1xf32> to vector<512x64xf32>
    %eq3A_439 = arith.cmpf oeq, %add3A_434, %eq3A_438 : vector<512x64xf32>
    %jit3A_440 = arith.constant 6.400000e+01 : f32
    %broadcast_in_dim3A_441 = vector.broadcast %jit3A_440 : f32 to vector<512x64xf32>
    %select_n3A_442 = arith.select %eq3A_439, %convert_element_type3A_78, %broadcast_in_dim3A_441 : vector<512x64xi1>, vector<512x64xf32>
    %reduce_min3A_443 = arith.constant dense<0x7F800000> : vector<512xf32>
    %reduce_min3A_444 = vector.multi_reduction <minimumf>, %select_n3A_442, %reduce_min3A_443 [1] : vector<512x64xf32> to vector<512xf32>
    %broadcast_in_dim3A_445 = vector.shape_cast %reduce_min3A_444 : vector<512xf32> to vector<512x1xf32>
    %eq3A_446 = vector.broadcast %broadcast_in_dim3A_445 : vector<512x1xf32> to vector<512x64xf32>
    %eq3A_447 = arith.cmpf oeq, %convert_element_type3A_78, %eq3A_446 : vector<512x64xf32>
    %convert_element_type3A_448 = arith.extui %eq3A_447 : vector<512x64xi1> to vector<512x64xi32>
    %convert_element_type3A_449 = arith.sitofp %convert_element_type3A_448 : vector<512x64xi32> to vector<512x64xf32>
    %max3A_450 = arith.constant 9.99999996E-13 : f32
    %max3A_451 = vector.broadcast %max3A_450 : f32 to vector<512x1xf32>
    %max3A_452 = arith.maximumf %broadcast_in_dim3A_437, %max3A_451 : vector<512x1xf32>
    %sqrt3A_453 = math.sqrt %max3A_452 : vector<512x1xf32>
    %add3A_454 = arith.constant 9.99999971E-10 : f32
    %add3A_455 = vector.broadcast %add3A_454 : f32 to vector<512x1xf32>
    %add3A_456 = arith.addf %sqrt3A_453, %add3A_455 : vector<512x1xf32>
    %div3A_457 = arith.constant 1.000000e+00 : f32
    %div3A_458 = vector.broadcast %div3A_457 : f32 to vector<512x1xf32>
    %div3A_459 = arith.divf %div3A_458, %add3A_456 : vector<512x1xf32>
    %mul3A_460 = arith.mulf %convert_element_type3A_449, %add3A_53 : vector<512x64xf32>
    %reduce_sum3A_461 = arith.constant dense<0.000000e+00> : vector<512xf32>
    %reduce_sum3A_462 = vector.multi_reduction <add>, %mul3A_460, %reduce_sum3A_461 [1] : vector<512x64xf32> to vector<512xf32>
    %broadcast_in_dim3A_463 = vector.shape_cast %reduce_sum3A_462 : vector<512xf32> to vector<512x1xf32>
    %mul3A_464 = arith.mulf %broadcast_in_dim3A_463, %div3A_459 : vector<512x1xf32>
    %mul3A_465 = arith.mulf %convert_element_type3A_449, %add3A_64 : vector<512x64xf32>
    %reduce_sum3A_466 = arith.constant dense<0.000000e+00> : vector<512xf32>
    %reduce_sum3A_467 = vector.multi_reduction <add>, %mul3A_465, %reduce_sum3A_466 [1] : vector<512x64xf32> to vector<512xf32>
    %broadcast_in_dim3A_468 = vector.shape_cast %reduce_sum3A_467 : vector<512xf32> to vector<512x1xf32>
    %mul3A_469 = arith.mulf %broadcast_in_dim3A_468, %div3A_459 : vector<512x1xf32>
    %mul3A_470 = arith.mulf %convert_element_type3A_449, %add3A_75 : vector<512x64xf32>
    %reduce_sum3A_471 = arith.constant dense<0.000000e+00> : vector<512xf32>
    %reduce_sum3A_472 = vector.multi_reduction <add>, %mul3A_470, %reduce_sum3A_471 [1] : vector<512x64xf32> to vector<512xf32>
    %broadcast_in_dim3A_473 = vector.shape_cast %reduce_sum3A_472 : vector<512xf32> to vector<512x1xf32>
    %mul3A_474 = arith.mulf %broadcast_in_dim3A_473, %div3A_459 : vector<512x1xf32>
    %mul3A_475 = arith.constant 1.000000e+09 : f32
    %mul3A_476 = vector.broadcast %mul3A_475 : f32 to vector<512x64xf32>
    %mul3A_477 = arith.mulf %convert_element_type3A_449, %mul3A_476 : vector<512x64xf32>
    %add3A_478 = arith.addf %add3A_434, %mul3A_477 : vector<512x64xf32>
    %reduce_min3A_479 = arith.constant dense<0x7F800000> : vector<512xf32>
    %reduce_min3A_480 = vector.multi_reduction <minimumf>, %add3A_478, %reduce_min3A_479 [1] : vector<512x64xf32> to vector<512xf32>
    %broadcast_in_dim3A_481 = vector.shape_cast %reduce_min3A_480 : vector<512xf32> to vector<512x1xf32>
    %eq3A_482 = vector.broadcast %broadcast_in_dim3A_481 : vector<512x1xf32> to vector<512x64xf32>
    %eq3A_483 = arith.cmpf oeq, %add3A_478, %eq3A_482 : vector<512x64xf32>
    %jit3A_484 = arith.constant 6.400000e+01 : f32
    %broadcast_in_dim3A_485 = vector.broadcast %jit3A_484 : f32 to vector<512x64xf32>
    %select_n3A_486 = arith.select %eq3A_483, %convert_element_type3A_78, %broadcast_in_dim3A_485 : vector<512x64xi1>, vector<512x64xf32>
    %reduce_min3A_487 = arith.constant dense<0x7F800000> : vector<512xf32>
    %reduce_min3A_488 = vector.multi_reduction <minimumf>, %select_n3A_486, %reduce_min3A_487 [1] : vector<512x64xf32> to vector<512xf32>
    %broadcast_in_dim3A_489 = vector.shape_cast %reduce_min3A_488 : vector<512xf32> to vector<512x1xf32>
    %eq3A_490 = vector.broadcast %broadcast_in_dim3A_489 : vector<512x1xf32> to vector<512x64xf32>
    %eq3A_491 = arith.cmpf oeq, %convert_element_type3A_78, %eq3A_490 : vector<512x64xf32>
    %convert_element_type3A_492 = arith.extui %eq3A_491 : vector<512x64xi1> to vector<512x64xi32>
    %convert_element_type3A_493 = arith.sitofp %convert_element_type3A_492 : vector<512x64xi32> to vector<512x64xf32>
    %max3A_494 = arith.constant 9.99999996E-13 : f32
    %max3A_495 = vector.broadcast %max3A_494 : f32 to vector<512x1xf32>
    %max3A_496 = arith.maximumf %broadcast_in_dim3A_481, %max3A_495 : vector<512x1xf32>
    %sqrt3A_497 = math.sqrt %max3A_496 : vector<512x1xf32>
    %add3A_498 = arith.constant 9.99999971E-10 : f32
    %add3A_499 = vector.broadcast %add3A_498 : f32 to vector<512x1xf32>
    %add3A_500 = arith.addf %sqrt3A_497, %add3A_499 : vector<512x1xf32>
    %div3A_501 = arith.constant 1.000000e+00 : f32
    %div3A_502 = vector.broadcast %div3A_501 : f32 to vector<512x1xf32>
    %div3A_503 = arith.divf %div3A_502, %add3A_500 : vector<512x1xf32>
    %mul3A_504 = arith.mulf %convert_element_type3A_493, %add3A_53 : vector<512x64xf32>
    %reduce_sum3A_505 = arith.constant dense<0.000000e+00> : vector<512xf32>
    %reduce_sum3A_506 = vector.multi_reduction <add>, %mul3A_504, %reduce_sum3A_505 [1] : vector<512x64xf32> to vector<512xf32>
    %broadcast_in_dim3A_507 = vector.shape_cast %reduce_sum3A_506 : vector<512xf32> to vector<512x1xf32>
    %mul3A_508 = arith.mulf %broadcast_in_dim3A_507, %div3A_503 : vector<512x1xf32>
    %mul3A_509 = arith.mulf %convert_element_type3A_493, %add3A_64 : vector<512x64xf32>
    %reduce_sum3A_510 = arith.constant dense<0.000000e+00> : vector<512xf32>
    %reduce_sum3A_511 = vector.multi_reduction <add>, %mul3A_509, %reduce_sum3A_510 [1] : vector<512x64xf32> to vector<512xf32>
    %broadcast_in_dim3A_512 = vector.shape_cast %reduce_sum3A_511 : vector<512xf32> to vector<512x1xf32>
    %mul3A_513 = arith.mulf %broadcast_in_dim3A_512, %div3A_503 : vector<512x1xf32>
    %mul3A_514 = arith.mulf %convert_element_type3A_493, %add3A_75 : vector<512x64xf32>
    %reduce_sum3A_515 = arith.constant dense<0.000000e+00> : vector<512xf32>
    %reduce_sum3A_516 = vector.multi_reduction <add>, %mul3A_514, %reduce_sum3A_515 [1] : vector<512x64xf32> to vector<512xf32>
    %broadcast_in_dim3A_517 = vector.shape_cast %reduce_sum3A_516 : vector<512xf32> to vector<512x1xf32>
    %mul3A_518 = arith.mulf %broadcast_in_dim3A_517, %div3A_503 : vector<512x1xf32>
    %mul3A_519 = arith.constant 1.000000e+09 : f32
    %mul3A_520 = vector.broadcast %mul3A_519 : f32 to vector<512x64xf32>
    %mul3A_521 = arith.mulf %convert_element_type3A_493, %mul3A_520 : vector<512x64xf32>
    %add3A_522 = arith.addf %add3A_478, %mul3A_521 : vector<512x64xf32>
    %reduce_min3A_523 = arith.constant dense<0x7F800000> : vector<512xf32>
    %reduce_min3A_524 = vector.multi_reduction <minimumf>, %add3A_522, %reduce_min3A_523 [1] : vector<512x64xf32> to vector<512xf32>
    %broadcast_in_dim3A_525 = vector.shape_cast %reduce_min3A_524 : vector<512xf32> to vector<512x1xf32>
    %eq3A_526 = vector.broadcast %broadcast_in_dim3A_525 : vector<512x1xf32> to vector<512x64xf32>
    %eq3A_527 = arith.cmpf oeq, %add3A_522, %eq3A_526 : vector<512x64xf32>
    %jit3A_528 = arith.constant 6.400000e+01 : f32
    %broadcast_in_dim3A_529 = vector.broadcast %jit3A_528 : f32 to vector<512x64xf32>
    %select_n3A_530 = arith.select %eq3A_527, %convert_element_type3A_78, %broadcast_in_dim3A_529 : vector<512x64xi1>, vector<512x64xf32>
    %reduce_min3A_531 = arith.constant dense<0x7F800000> : vector<512xf32>
    %reduce_min3A_532 = vector.multi_reduction <minimumf>, %select_n3A_530, %reduce_min3A_531 [1] : vector<512x64xf32> to vector<512xf32>
    %broadcast_in_dim3A_533 = vector.shape_cast %reduce_min3A_532 : vector<512xf32> to vector<512x1xf32>
    %eq3A_534 = vector.broadcast %broadcast_in_dim3A_533 : vector<512x1xf32> to vector<512x64xf32>
    %eq3A_535 = arith.cmpf oeq, %convert_element_type3A_78, %eq3A_534 : vector<512x64xf32>
    %convert_element_type3A_536 = arith.extui %eq3A_535 : vector<512x64xi1> to vector<512x64xi32>
    %convert_element_type3A_537 = arith.sitofp %convert_element_type3A_536 : vector<512x64xi32> to vector<512x64xf32>
    %max3A_538 = arith.constant 9.99999996E-13 : f32
    %max3A_539 = vector.broadcast %max3A_538 : f32 to vector<512x1xf32>
    %max3A_540 = arith.maximumf %broadcast_in_dim3A_525, %max3A_539 : vector<512x1xf32>
    %sqrt3A_541 = math.sqrt %max3A_540 : vector<512x1xf32>
    %add3A_542 = arith.constant 9.99999971E-10 : f32
    %add3A_543 = vector.broadcast %add3A_542 : f32 to vector<512x1xf32>
    %add3A_544 = arith.addf %sqrt3A_541, %add3A_543 : vector<512x1xf32>
    %div3A_545 = arith.constant 1.000000e+00 : f32
    %div3A_546 = vector.broadcast %div3A_545 : f32 to vector<512x1xf32>
    %div3A_547 = arith.divf %div3A_546, %add3A_544 : vector<512x1xf32>
    %mul3A_548 = arith.mulf %convert_element_type3A_537, %add3A_53 : vector<512x64xf32>
    %reduce_sum3A_549 = arith.constant dense<0.000000e+00> : vector<512xf32>
    %reduce_sum3A_550 = vector.multi_reduction <add>, %mul3A_548, %reduce_sum3A_549 [1] : vector<512x64xf32> to vector<512xf32>
    %broadcast_in_dim3A_551 = vector.shape_cast %reduce_sum3A_550 : vector<512xf32> to vector<512x1xf32>
    %mul3A_552 = arith.mulf %broadcast_in_dim3A_551, %div3A_547 : vector<512x1xf32>
    %mul3A_553 = arith.mulf %convert_element_type3A_537, %add3A_64 : vector<512x64xf32>
    %reduce_sum3A_554 = arith.constant dense<0.000000e+00> : vector<512xf32>
    %reduce_sum3A_555 = vector.multi_reduction <add>, %mul3A_553, %reduce_sum3A_554 [1] : vector<512x64xf32> to vector<512xf32>
    %broadcast_in_dim3A_556 = vector.shape_cast %reduce_sum3A_555 : vector<512xf32> to vector<512x1xf32>
    %mul3A_557 = arith.mulf %broadcast_in_dim3A_556, %div3A_547 : vector<512x1xf32>
    %mul3A_558 = arith.mulf %convert_element_type3A_537, %add3A_75 : vector<512x64xf32>
    %reduce_sum3A_559 = arith.constant dense<0.000000e+00> : vector<512xf32>
    %reduce_sum3A_560 = vector.multi_reduction <add>, %mul3A_558, %reduce_sum3A_559 [1] : vector<512x64xf32> to vector<512xf32>
    %broadcast_in_dim3A_561 = vector.shape_cast %reduce_sum3A_560 : vector<512xf32> to vector<512x1xf32>
    %mul3A_562 = arith.mulf %broadcast_in_dim3A_561, %div3A_547 : vector<512x1xf32>
    %mul3A_563 = arith.constant 1.000000e+09 : f32
    %mul3A_564 = vector.broadcast %mul3A_563 : f32 to vector<512x64xf32>
    %mul3A_565 = arith.mulf %convert_element_type3A_537, %mul3A_564 : vector<512x64xf32>
    %add3A_566 = arith.addf %add3A_522, %mul3A_565 : vector<512x64xf32>
    %reduce_min3A_567 = arith.constant dense<0x7F800000> : vector<512xf32>
    %reduce_min3A_568 = vector.multi_reduction <minimumf>, %add3A_566, %reduce_min3A_567 [1] : vector<512x64xf32> to vector<512xf32>
    %broadcast_in_dim3A_569 = vector.shape_cast %reduce_min3A_568 : vector<512xf32> to vector<512x1xf32>
    %eq3A_570 = vector.broadcast %broadcast_in_dim3A_569 : vector<512x1xf32> to vector<512x64xf32>
    %eq3A_571 = arith.cmpf oeq, %add3A_566, %eq3A_570 : vector<512x64xf32>
    %jit3A_572 = arith.constant 6.400000e+01 : f32
    %broadcast_in_dim3A_573 = vector.broadcast %jit3A_572 : f32 to vector<512x64xf32>
    %select_n3A_574 = arith.select %eq3A_571, %convert_element_type3A_78, %broadcast_in_dim3A_573 : vector<512x64xi1>, vector<512x64xf32>
    %reduce_min3A_575 = arith.constant dense<0x7F800000> : vector<512xf32>
    %reduce_min3A_576 = vector.multi_reduction <minimumf>, %select_n3A_574, %reduce_min3A_575 [1] : vector<512x64xf32> to vector<512xf32>
    %broadcast_in_dim3A_577 = vector.shape_cast %reduce_min3A_576 : vector<512xf32> to vector<512x1xf32>
    %eq3A_578 = vector.broadcast %broadcast_in_dim3A_577 : vector<512x1xf32> to vector<512x64xf32>
    %eq3A_579 = arith.cmpf oeq, %convert_element_type3A_78, %eq3A_578 : vector<512x64xf32>
    %convert_element_type3A_580 = arith.extui %eq3A_579 : vector<512x64xi1> to vector<512x64xi32>
    %convert_element_type3A_581 = arith.sitofp %convert_element_type3A_580 : vector<512x64xi32> to vector<512x64xf32>
    %max3A_582 = arith.constant 9.99999996E-13 : f32
    %max3A_583 = vector.broadcast %max3A_582 : f32 to vector<512x1xf32>
    %max3A_584 = arith.maximumf %broadcast_in_dim3A_569, %max3A_583 : vector<512x1xf32>
    %sqrt3A_585 = math.sqrt %max3A_584 : vector<512x1xf32>
    %add3A_586 = arith.constant 9.99999971E-10 : f32
    %add3A_587 = vector.broadcast %add3A_586 : f32 to vector<512x1xf32>
    %add3A_588 = arith.addf %sqrt3A_585, %add3A_587 : vector<512x1xf32>
    %div3A_589 = arith.constant 1.000000e+00 : f32
    %div3A_590 = vector.broadcast %div3A_589 : f32 to vector<512x1xf32>
    %div3A_591 = arith.divf %div3A_590, %add3A_588 : vector<512x1xf32>
    %mul3A_592 = arith.mulf %convert_element_type3A_581, %add3A_53 : vector<512x64xf32>
    %reduce_sum3A_593 = arith.constant dense<0.000000e+00> : vector<512xf32>
    %reduce_sum3A_594 = vector.multi_reduction <add>, %mul3A_592, %reduce_sum3A_593 [1] : vector<512x64xf32> to vector<512xf32>
    %broadcast_in_dim3A_595 = vector.shape_cast %reduce_sum3A_594 : vector<512xf32> to vector<512x1xf32>
    %mul3A_596 = arith.mulf %broadcast_in_dim3A_595, %div3A_591 : vector<512x1xf32>
    %mul3A_597 = arith.mulf %convert_element_type3A_581, %add3A_64 : vector<512x64xf32>
    %reduce_sum3A_598 = arith.constant dense<0.000000e+00> : vector<512xf32>
    %reduce_sum3A_599 = vector.multi_reduction <add>, %mul3A_597, %reduce_sum3A_598 [1] : vector<512x64xf32> to vector<512xf32>
    %broadcast_in_dim3A_600 = vector.shape_cast %reduce_sum3A_599 : vector<512xf32> to vector<512x1xf32>
    %mul3A_601 = arith.mulf %broadcast_in_dim3A_600, %div3A_591 : vector<512x1xf32>
    %mul3A_602 = arith.mulf %convert_element_type3A_581, %add3A_75 : vector<512x64xf32>
    %reduce_sum3A_603 = arith.constant dense<0.000000e+00> : vector<512xf32>
    %reduce_sum3A_604 = vector.multi_reduction <add>, %mul3A_602, %reduce_sum3A_603 [1] : vector<512x64xf32> to vector<512xf32>
    %broadcast_in_dim3A_605 = vector.shape_cast %reduce_sum3A_604 : vector<512xf32> to vector<512x1xf32>
    %mul3A_606 = arith.mulf %broadcast_in_dim3A_605, %div3A_591 : vector<512x1xf32>
    %mul3A_607 = arith.constant 1.000000e+09 : f32
    %mul3A_608 = vector.broadcast %mul3A_607 : f32 to vector<512x64xf32>
    %mul3A_609 = arith.mulf %convert_element_type3A_581, %mul3A_608 : vector<512x64xf32>
    %add3A_610 = arith.addf %add3A_566, %mul3A_609 : vector<512x64xf32>
    %reduce_min3A_611 = arith.constant dense<0x7F800000> : vector<512xf32>
    %reduce_min3A_612 = vector.multi_reduction <minimumf>, %add3A_610, %reduce_min3A_611 [1] : vector<512x64xf32> to vector<512xf32>
    %broadcast_in_dim3A_613 = vector.shape_cast %reduce_min3A_612 : vector<512xf32> to vector<512x1xf32>
    %eq3A_614 = vector.broadcast %broadcast_in_dim3A_613 : vector<512x1xf32> to vector<512x64xf32>
    %eq3A_615 = arith.cmpf oeq, %add3A_610, %eq3A_614 : vector<512x64xf32>
    %jit3A_616 = arith.constant 6.400000e+01 : f32
    %broadcast_in_dim3A_617 = vector.broadcast %jit3A_616 : f32 to vector<512x64xf32>
    %select_n3A_618 = arith.select %eq3A_615, %convert_element_type3A_78, %broadcast_in_dim3A_617 : vector<512x64xi1>, vector<512x64xf32>
    %reduce_min3A_619 = arith.constant dense<0x7F800000> : vector<512xf32>
    %reduce_min3A_620 = vector.multi_reduction <minimumf>, %select_n3A_618, %reduce_min3A_619 [1] : vector<512x64xf32> to vector<512xf32>
    %broadcast_in_dim3A_621 = vector.shape_cast %reduce_min3A_620 : vector<512xf32> to vector<512x1xf32>
    %eq3A_622 = vector.broadcast %broadcast_in_dim3A_621 : vector<512x1xf32> to vector<512x64xf32>
    %eq3A_623 = arith.cmpf oeq, %convert_element_type3A_78, %eq3A_622 : vector<512x64xf32>
    %convert_element_type3A_624 = arith.extui %eq3A_623 : vector<512x64xi1> to vector<512x64xi32>
    %convert_element_type3A_625 = arith.sitofp %convert_element_type3A_624 : vector<512x64xi32> to vector<512x64xf32>
    %max3A_626 = arith.constant 9.99999996E-13 : f32
    %max3A_627 = vector.broadcast %max3A_626 : f32 to vector<512x1xf32>
    %max3A_628 = arith.maximumf %broadcast_in_dim3A_613, %max3A_627 : vector<512x1xf32>
    %sqrt3A_629 = math.sqrt %max3A_628 : vector<512x1xf32>
    %add3A_630 = arith.constant 9.99999971E-10 : f32
    %add3A_631 = vector.broadcast %add3A_630 : f32 to vector<512x1xf32>
    %add3A_632 = arith.addf %sqrt3A_629, %add3A_631 : vector<512x1xf32>
    %div3A_633 = arith.constant 1.000000e+00 : f32
    %div3A_634 = vector.broadcast %div3A_633 : f32 to vector<512x1xf32>
    %div3A_635 = arith.divf %div3A_634, %add3A_632 : vector<512x1xf32>
    %mul3A_636 = arith.mulf %convert_element_type3A_625, %add3A_53 : vector<512x64xf32>
    %reduce_sum3A_637 = arith.constant dense<0.000000e+00> : vector<512xf32>
    %reduce_sum3A_638 = vector.multi_reduction <add>, %mul3A_636, %reduce_sum3A_637 [1] : vector<512x64xf32> to vector<512xf32>
    %broadcast_in_dim3A_639 = vector.shape_cast %reduce_sum3A_638 : vector<512xf32> to vector<512x1xf32>
    %mul3A_640 = arith.mulf %broadcast_in_dim3A_639, %div3A_635 : vector<512x1xf32>
    %mul3A_641 = arith.mulf %convert_element_type3A_625, %add3A_64 : vector<512x64xf32>
    %reduce_sum3A_642 = arith.constant dense<0.000000e+00> : vector<512xf32>
    %reduce_sum3A_643 = vector.multi_reduction <add>, %mul3A_641, %reduce_sum3A_642 [1] : vector<512x64xf32> to vector<512xf32>
    %broadcast_in_dim3A_644 = vector.shape_cast %reduce_sum3A_643 : vector<512xf32> to vector<512x1xf32>
    %mul3A_645 = arith.mulf %broadcast_in_dim3A_644, %div3A_635 : vector<512x1xf32>
    %mul3A_646 = arith.mulf %convert_element_type3A_625, %add3A_75 : vector<512x64xf32>
    %reduce_sum3A_647 = arith.constant dense<0.000000e+00> : vector<512xf32>
    %reduce_sum3A_648 = vector.multi_reduction <add>, %mul3A_646, %reduce_sum3A_647 [1] : vector<512x64xf32> to vector<512xf32>
    %broadcast_in_dim3A_649 = vector.shape_cast %reduce_sum3A_648 : vector<512xf32> to vector<512x1xf32>
    %mul3A_650 = arith.mulf %broadcast_in_dim3A_649, %div3A_635 : vector<512x1xf32>
    %mul3A_651 = arith.constant 1.000000e+09 : f32
    %mul3A_652 = vector.broadcast %mul3A_651 : f32 to vector<512x64xf32>
    %mul3A_653 = arith.mulf %convert_element_type3A_625, %mul3A_652 : vector<512x64xf32>
    %add3A_654 = arith.addf %add3A_610, %mul3A_653 : vector<512x64xf32>
    %reduce_min3A_655 = arith.constant dense<0x7F800000> : vector<512xf32>
    %reduce_min3A_656 = vector.multi_reduction <minimumf>, %add3A_654, %reduce_min3A_655 [1] : vector<512x64xf32> to vector<512xf32>
    %broadcast_in_dim3A_657 = vector.shape_cast %reduce_min3A_656 : vector<512xf32> to vector<512x1xf32>
    %eq3A_658 = vector.broadcast %broadcast_in_dim3A_657 : vector<512x1xf32> to vector<512x64xf32>
    %eq3A_659 = arith.cmpf oeq, %add3A_654, %eq3A_658 : vector<512x64xf32>
    %jit3A_660 = arith.constant 6.400000e+01 : f32
    %broadcast_in_dim3A_661 = vector.broadcast %jit3A_660 : f32 to vector<512x64xf32>
    %select_n3A_662 = arith.select %eq3A_659, %convert_element_type3A_78, %broadcast_in_dim3A_661 : vector<512x64xi1>, vector<512x64xf32>
    %reduce_min3A_663 = arith.constant dense<0x7F800000> : vector<512xf32>
    %reduce_min3A_664 = vector.multi_reduction <minimumf>, %select_n3A_662, %reduce_min3A_663 [1] : vector<512x64xf32> to vector<512xf32>
    %broadcast_in_dim3A_665 = vector.shape_cast %reduce_min3A_664 : vector<512xf32> to vector<512x1xf32>
    %eq3A_666 = vector.broadcast %broadcast_in_dim3A_665 : vector<512x1xf32> to vector<512x64xf32>
    %eq3A_667 = arith.cmpf oeq, %convert_element_type3A_78, %eq3A_666 : vector<512x64xf32>
    %convert_element_type3A_668 = arith.extui %eq3A_667 : vector<512x64xi1> to vector<512x64xi32>
    %convert_element_type3A_669 = arith.sitofp %convert_element_type3A_668 : vector<512x64xi32> to vector<512x64xf32>
    %max3A_670 = arith.constant 9.99999996E-13 : f32
    %max3A_671 = vector.broadcast %max3A_670 : f32 to vector<512x1xf32>
    %max3A_672 = arith.maximumf %broadcast_in_dim3A_657, %max3A_671 : vector<512x1xf32>
    %sqrt3A_673 = math.sqrt %max3A_672 : vector<512x1xf32>
    %add3A_674 = arith.constant 9.99999971E-10 : f32
    %add3A_675 = vector.broadcast %add3A_674 : f32 to vector<512x1xf32>
    %add3A_676 = arith.addf %sqrt3A_673, %add3A_675 : vector<512x1xf32>
    %div3A_677 = arith.constant 1.000000e+00 : f32
    %div3A_678 = vector.broadcast %div3A_677 : f32 to vector<512x1xf32>
    %div3A_679 = arith.divf %div3A_678, %add3A_676 : vector<512x1xf32>
    %mul3A_680 = arith.mulf %convert_element_type3A_669, %add3A_53 : vector<512x64xf32>
    %reduce_sum3A_681 = arith.constant dense<0.000000e+00> : vector<512xf32>
    %reduce_sum3A_682 = vector.multi_reduction <add>, %mul3A_680, %reduce_sum3A_681 [1] : vector<512x64xf32> to vector<512xf32>
    %broadcast_in_dim3A_683 = vector.shape_cast %reduce_sum3A_682 : vector<512xf32> to vector<512x1xf32>
    %mul3A_684 = arith.mulf %broadcast_in_dim3A_683, %div3A_679 : vector<512x1xf32>
    %mul3A_685 = arith.mulf %convert_element_type3A_669, %add3A_64 : vector<512x64xf32>
    %reduce_sum3A_686 = arith.constant dense<0.000000e+00> : vector<512xf32>
    %reduce_sum3A_687 = vector.multi_reduction <add>, %mul3A_685, %reduce_sum3A_686 [1] : vector<512x64xf32> to vector<512xf32>
    %broadcast_in_dim3A_688 = vector.shape_cast %reduce_sum3A_687 : vector<512xf32> to vector<512x1xf32>
    %mul3A_689 = arith.mulf %broadcast_in_dim3A_688, %div3A_679 : vector<512x1xf32>
    %mul3A_690 = arith.mulf %convert_element_type3A_669, %add3A_75 : vector<512x64xf32>
    %reduce_sum3A_691 = arith.constant dense<0.000000e+00> : vector<512xf32>
    %reduce_sum3A_692 = vector.multi_reduction <add>, %mul3A_690, %reduce_sum3A_691 [1] : vector<512x64xf32> to vector<512xf32>
    %broadcast_in_dim3A_693 = vector.shape_cast %reduce_sum3A_692 : vector<512xf32> to vector<512x1xf32>
    %mul3A_694 = arith.mulf %broadcast_in_dim3A_693, %div3A_679 : vector<512x1xf32>
    %mul3A_695 = arith.constant 1.000000e+09 : f32
    %mul3A_696 = vector.broadcast %mul3A_695 : f32 to vector<512x64xf32>
    %mul3A_697 = arith.mulf %convert_element_type3A_669, %mul3A_696 : vector<512x64xf32>
    %add3A_698 = arith.addf %add3A_654, %mul3A_697 : vector<512x64xf32>
    %reduce_min3A_699 = arith.constant dense<0x7F800000> : vector<512xf32>
    %reduce_min3A_700 = vector.multi_reduction <minimumf>, %add3A_698, %reduce_min3A_699 [1] : vector<512x64xf32> to vector<512xf32>
    %broadcast_in_dim3A_701 = vector.shape_cast %reduce_min3A_700 : vector<512xf32> to vector<512x1xf32>
    %eq3A_702 = vector.broadcast %broadcast_in_dim3A_701 : vector<512x1xf32> to vector<512x64xf32>
    %eq3A_703 = arith.cmpf oeq, %add3A_698, %eq3A_702 : vector<512x64xf32>
    %jit3A_704 = arith.constant 6.400000e+01 : f32
    %broadcast_in_dim3A_705 = vector.broadcast %jit3A_704 : f32 to vector<512x64xf32>
    %select_n3A_706 = arith.select %eq3A_703, %convert_element_type3A_78, %broadcast_in_dim3A_705 : vector<512x64xi1>, vector<512x64xf32>
    %reduce_min3A_707 = arith.constant dense<0x7F800000> : vector<512xf32>
    %reduce_min3A_708 = vector.multi_reduction <minimumf>, %select_n3A_706, %reduce_min3A_707 [1] : vector<512x64xf32> to vector<512xf32>
    %broadcast_in_dim3A_709 = vector.shape_cast %reduce_min3A_708 : vector<512xf32> to vector<512x1xf32>
    %eq3A_710 = vector.broadcast %broadcast_in_dim3A_709 : vector<512x1xf32> to vector<512x64xf32>
    %eq3A_711 = arith.cmpf oeq, %convert_element_type3A_78, %eq3A_710 : vector<512x64xf32>
    %convert_element_type3A_712 = arith.extui %eq3A_711 : vector<512x64xi1> to vector<512x64xi32>
    %convert_element_type3A_713 = arith.sitofp %convert_element_type3A_712 : vector<512x64xi32> to vector<512x64xf32>
    %max3A_714 = arith.constant 9.99999996E-13 : f32
    %max3A_715 = vector.broadcast %max3A_714 : f32 to vector<512x1xf32>
    %max3A_716 = arith.maximumf %broadcast_in_dim3A_701, %max3A_715 : vector<512x1xf32>
    %sqrt3A_717 = math.sqrt %max3A_716 : vector<512x1xf32>
    %add3A_718 = arith.constant 9.99999971E-10 : f32
    %add3A_719 = vector.broadcast %add3A_718 : f32 to vector<512x1xf32>
    %add3A_720 = arith.addf %sqrt3A_717, %add3A_719 : vector<512x1xf32>
    %div3A_721 = arith.constant 1.000000e+00 : f32
    %div3A_722 = vector.broadcast %div3A_721 : f32 to vector<512x1xf32>
    %div3A_723 = arith.divf %div3A_722, %add3A_720 : vector<512x1xf32>
    %mul3A_724 = arith.mulf %convert_element_type3A_713, %add3A_53 : vector<512x64xf32>
    %reduce_sum3A_725 = arith.constant dense<0.000000e+00> : vector<512xf32>
    %reduce_sum3A_726 = vector.multi_reduction <add>, %mul3A_724, %reduce_sum3A_725 [1] : vector<512x64xf32> to vector<512xf32>
    %broadcast_in_dim3A_727 = vector.shape_cast %reduce_sum3A_726 : vector<512xf32> to vector<512x1xf32>
    %mul3A_728 = arith.mulf %broadcast_in_dim3A_727, %div3A_723 : vector<512x1xf32>
    %mul3A_729 = arith.mulf %convert_element_type3A_713, %add3A_64 : vector<512x64xf32>
    %reduce_sum3A_730 = arith.constant dense<0.000000e+00> : vector<512xf32>
    %reduce_sum3A_731 = vector.multi_reduction <add>, %mul3A_729, %reduce_sum3A_730 [1] : vector<512x64xf32> to vector<512xf32>
    %broadcast_in_dim3A_732 = vector.shape_cast %reduce_sum3A_731 : vector<512xf32> to vector<512x1xf32>
    %mul3A_733 = arith.mulf %broadcast_in_dim3A_732, %div3A_723 : vector<512x1xf32>
    %mul3A_734 = arith.mulf %convert_element_type3A_713, %add3A_75 : vector<512x64xf32>
    %reduce_sum3A_735 = arith.constant dense<0.000000e+00> : vector<512xf32>
    %reduce_sum3A_736 = vector.multi_reduction <add>, %mul3A_734, %reduce_sum3A_735 [1] : vector<512x64xf32> to vector<512xf32>
    %broadcast_in_dim3A_737 = vector.shape_cast %reduce_sum3A_736 : vector<512xf32> to vector<512x1xf32>
    %mul3A_738 = arith.mulf %broadcast_in_dim3A_737, %div3A_723 : vector<512x1xf32>
    %mul3A_739 = arith.constant 1.000000e+09 : f32
    %mul3A_740 = vector.broadcast %mul3A_739 : f32 to vector<512x64xf32>
    %mul3A_741 = arith.mulf %convert_element_type3A_713, %mul3A_740 : vector<512x64xf32>
    %add3A_742 = arith.addf %add3A_698, %mul3A_741 : vector<512x64xf32>
    %reduce_min3A_743 = arith.constant dense<0x7F800000> : vector<512xf32>
    %reduce_min3A_744 = vector.multi_reduction <minimumf>, %add3A_742, %reduce_min3A_743 [1] : vector<512x64xf32> to vector<512xf32>
    %broadcast_in_dim3A_745 = vector.shape_cast %reduce_min3A_744 : vector<512xf32> to vector<512x1xf32>
    %eq3A_746 = vector.broadcast %broadcast_in_dim3A_745 : vector<512x1xf32> to vector<512x64xf32>
    %eq3A_747 = arith.cmpf oeq, %add3A_742, %eq3A_746 : vector<512x64xf32>
    %jit3A_748 = arith.constant 6.400000e+01 : f32
    %broadcast_in_dim3A_749 = vector.broadcast %jit3A_748 : f32 to vector<512x64xf32>
    %select_n3A_750 = arith.select %eq3A_747, %convert_element_type3A_78, %broadcast_in_dim3A_749 : vector<512x64xi1>, vector<512x64xf32>
    %reduce_min3A_751 = arith.constant dense<0x7F800000> : vector<512xf32>
    %reduce_min3A_752 = vector.multi_reduction <minimumf>, %select_n3A_750, %reduce_min3A_751 [1] : vector<512x64xf32> to vector<512xf32>
    %broadcast_in_dim3A_753 = vector.shape_cast %reduce_min3A_752 : vector<512xf32> to vector<512x1xf32>
    %eq3A_754 = vector.broadcast %broadcast_in_dim3A_753 : vector<512x1xf32> to vector<512x64xf32>
    %eq3A_755 = arith.cmpf oeq, %convert_element_type3A_78, %eq3A_754 : vector<512x64xf32>
    %convert_element_type3A_756 = arith.extui %eq3A_755 : vector<512x64xi1> to vector<512x64xi32>
    %convert_element_type3A_757 = arith.sitofp %convert_element_type3A_756 : vector<512x64xi32> to vector<512x64xf32>
    %max3A_758 = arith.constant 9.99999996E-13 : f32
    %max3A_759 = vector.broadcast %max3A_758 : f32 to vector<512x1xf32>
    %max3A_760 = arith.maximumf %broadcast_in_dim3A_745, %max3A_759 : vector<512x1xf32>
    %sqrt3A_761 = math.sqrt %max3A_760 : vector<512x1xf32>
    %add3A_762 = arith.constant 9.99999971E-10 : f32
    %add3A_763 = vector.broadcast %add3A_762 : f32 to vector<512x1xf32>
    %add3A_764 = arith.addf %sqrt3A_761, %add3A_763 : vector<512x1xf32>
    %div3A_765 = arith.constant 1.000000e+00 : f32
    %div3A_766 = vector.broadcast %div3A_765 : f32 to vector<512x1xf32>
    %div3A_767 = arith.divf %div3A_766, %add3A_764 : vector<512x1xf32>
    %mul3A_768 = arith.mulf %convert_element_type3A_757, %add3A_53 : vector<512x64xf32>
    %reduce_sum3A_769 = arith.constant dense<0.000000e+00> : vector<512xf32>
    %reduce_sum3A_770 = vector.multi_reduction <add>, %mul3A_768, %reduce_sum3A_769 [1] : vector<512x64xf32> to vector<512xf32>
    %broadcast_in_dim3A_771 = vector.shape_cast %reduce_sum3A_770 : vector<512xf32> to vector<512x1xf32>
    %mul3A_772 = arith.mulf %broadcast_in_dim3A_771, %div3A_767 : vector<512x1xf32>
    %mul3A_773 = arith.mulf %convert_element_type3A_757, %add3A_64 : vector<512x64xf32>
    %reduce_sum3A_774 = arith.constant dense<0.000000e+00> : vector<512xf32>
    %reduce_sum3A_775 = vector.multi_reduction <add>, %mul3A_773, %reduce_sum3A_774 [1] : vector<512x64xf32> to vector<512xf32>
    %broadcast_in_dim3A_776 = vector.shape_cast %reduce_sum3A_775 : vector<512xf32> to vector<512x1xf32>
    %mul3A_777 = arith.mulf %broadcast_in_dim3A_776, %div3A_767 : vector<512x1xf32>
    %mul3A_778 = arith.mulf %convert_element_type3A_757, %add3A_75 : vector<512x64xf32>
    %reduce_sum3A_779 = arith.constant dense<0.000000e+00> : vector<512xf32>
    %reduce_sum3A_780 = vector.multi_reduction <add>, %mul3A_778, %reduce_sum3A_779 [1] : vector<512x64xf32> to vector<512xf32>
    %broadcast_in_dim3A_781 = vector.shape_cast %reduce_sum3A_780 : vector<512xf32> to vector<512x1xf32>
    %mul3A_782 = arith.mulf %broadcast_in_dim3A_781, %div3A_767 : vector<512x1xf32>
    %concatenate3A = tpu.concatenate %sqrt3A, %sqrt3A_145, %sqrt3A_189, %sqrt3A_233, %sqrt3A_277, %sqrt3A_321, %sqrt3A_365, %sqrt3A_409 in 0 : vector<512x1xf32>, vector<512x1xf32>, vector<512x1xf32>, vector<512x1xf32>, vector<512x1xf32>, vector<512x1xf32>, vector<512x1xf32>, vector<512x1xf32> -> vector<4096x1xf32>
    %convert_element_type3A_783 = arith.truncf %concatenate3A : vector<4096x1xf32> to vector<4096x1xbf16>
    %convert_element_type3A_784 = arith.extf %convert_element_type3A_783 : vector<4096x1xbf16> to vector<4096x1xf32>
    %concatenate3A_785 = tpu.concatenate %sqrt3A_453, %sqrt3A_497, %sqrt3A_541, %sqrt3A_585, %sqrt3A_629, %sqrt3A_673, %sqrt3A_717, %sqrt3A_761 in 0 : vector<512x1xf32>, vector<512x1xf32>, vector<512x1xf32>, vector<512x1xf32>, vector<512x1xf32>, vector<512x1xf32>, vector<512x1xf32>, vector<512x1xf32> -> vector<4096x1xf32>
    %convert_element_type3A_786 = arith.truncf %concatenate3A_785 : vector<4096x1xf32> to vector<4096x1xbf16>
    %convert_element_type3A_787 = arith.extf %convert_element_type3A_786 : vector<4096x1xbf16> to vector<4096x1xf32>
    %concatenate3A_788 = tpu.concatenate %mul3A_112, %mul3A_156, %mul3A_200, %mul3A_244, %mul3A_288, %mul3A_332, %mul3A_376, %mul3A_420, %mul3A_464, %mul3A_508, %mul3A_552, %mul3A_596, %mul3A_640, %mul3A_684, %mul3A_728, %mul3A_772 in 0 : vector<512x1xf32>, vector<512x1xf32>, vector<512x1xf32>, vector<512x1xf32>, vector<512x1xf32>, vector<512x1xf32>, vector<512x1xf32>, vector<512x1xf32>, vector<512x1xf32>, vector<512x1xf32>, vector<512x1xf32>, vector<512x1xf32>, vector<512x1xf32>, vector<512x1xf32>, vector<512x1xf32>, vector<512x1xf32> -> vector<8192x1xf32>
    %concatenate3A_789 = tpu.concatenate %mul3A_117, %mul3A_161, %mul3A_205, %mul3A_249, %mul3A_293, %mul3A_337, %mul3A_381, %mul3A_425, %mul3A_469, %mul3A_513, %mul3A_557, %mul3A_601, %mul3A_645, %mul3A_689, %mul3A_733, %mul3A_777 in 0 : vector<512x1xf32>, vector<512x1xf32>, vector<512x1xf32>, vector<512x1xf32>, vector<512x1xf32>, vector<512x1xf32>, vector<512x1xf32>, vector<512x1xf32>, vector<512x1xf32>, vector<512x1xf32>, vector<512x1xf32>, vector<512x1xf32>, vector<512x1xf32>, vector<512x1xf32>, vector<512x1xf32>, vector<512x1xf32> -> vector<8192x1xf32>
    %concatenate3A_790 = tpu.concatenate %mul3A_122, %mul3A_166, %mul3A_210, %mul3A_254, %mul3A_298, %mul3A_342, %mul3A_386, %mul3A_430, %mul3A_474, %mul3A_518, %mul3A_562, %mul3A_606, %mul3A_650, %mul3A_694, %mul3A_738, %mul3A_782 in 0 : vector<512x1xf32>, vector<512x1xf32>, vector<512x1xf32>, vector<512x1xf32>, vector<512x1xf32>, vector<512x1xf32>, vector<512x1xf32>, vector<512x1xf32>, vector<512x1xf32>, vector<512x1xf32>, vector<512x1xf32>, vector<512x1xf32>, vector<512x1xf32>, vector<512x1xf32>, vector<512x1xf32>, vector<512x1xf32> -> vector<8192x1xf32>
    %slice3A_791 = vector.extract_strided_slice %convert_element_type3A_101 {offsets = [0, 0], sizes = [64, 64], strides = [1, 1]} : vector<512x64xf32> to vector<64x64xf32>
    %slice3A_792 = vector.extract_strided_slice %convert_element_type3A_141 {offsets = [0, 0], sizes = [64, 64], strides = [1, 1]} : vector<512x64xf32> to vector<64x64xf32>
    %slice3A_793 = vector.extract_strided_slice %convert_element_type3A_185 {offsets = [0, 0], sizes = [64, 64], strides = [1, 1]} : vector<512x64xf32> to vector<64x64xf32>
    %slice3A_794 = vector.extract_strided_slice %convert_element_type3A_229 {offsets = [0, 0], sizes = [64, 64], strides = [1, 1]} : vector<512x64xf32> to vector<64x64xf32>
    %slice3A_795 = vector.extract_strided_slice %convert_element_type3A_273 {offsets = [0, 0], sizes = [64, 64], strides = [1, 1]} : vector<512x64xf32> to vector<64x64xf32>
    %slice3A_796 = vector.extract_strided_slice %convert_element_type3A_317 {offsets = [0, 0], sizes = [64, 64], strides = [1, 1]} : vector<512x64xf32> to vector<64x64xf32>
    %slice3A_797 = vector.extract_strided_slice %convert_element_type3A_361 {offsets = [0, 0], sizes = [64, 64], strides = [1, 1]} : vector<512x64xf32> to vector<64x64xf32>
    %slice3A_798 = vector.extract_strided_slice %convert_element_type3A_405 {offsets = [0, 0], sizes = [64, 64], strides = [1, 1]} : vector<512x64xf32> to vector<64x64xf32>
    %slice3A_799 = vector.extract_strided_slice %convert_element_type3A_449 {offsets = [0, 0], sizes = [64, 64], strides = [1, 1]} : vector<512x64xf32> to vector<64x64xf32>
    %slice3A_800 = vector.extract_strided_slice %convert_element_type3A_493 {offsets = [0, 0], sizes = [64, 64], strides = [1, 1]} : vector<512x64xf32> to vector<64x64xf32>
    %slice3A_801 = vector.extract_strided_slice %convert_element_type3A_537 {offsets = [0, 0], sizes = [64, 64], strides = [1, 1]} : vector<512x64xf32> to vector<64x64xf32>
    %slice3A_802 = vector.extract_strided_slice %convert_element_type3A_581 {offsets = [0, 0], sizes = [64, 64], strides = [1, 1]} : vector<512x64xf32> to vector<64x64xf32>
    %slice3A_803 = vector.extract_strided_slice %convert_element_type3A_625 {offsets = [0, 0], sizes = [64, 64], strides = [1, 1]} : vector<512x64xf32> to vector<64x64xf32>
    %slice3A_804 = vector.extract_strided_slice %convert_element_type3A_669 {offsets = [0, 0], sizes = [64, 64], strides = [1, 1]} : vector<512x64xf32> to vector<64x64xf32>
    %slice3A_805 = vector.extract_strided_slice %convert_element_type3A_713 {offsets = [0, 0], sizes = [64, 64], strides = [1, 1]} : vector<512x64xf32> to vector<64x64xf32>
    %slice3A_806 = vector.extract_strided_slice %convert_element_type3A_757 {offsets = [0, 0], sizes = [64, 64], strides = [1, 1]} : vector<512x64xf32> to vector<64x64xf32>
    %concatenate3A_807 = tpu.concatenate %slice3A_791, %slice3A_792, %slice3A_793, %slice3A_794, %slice3A_795, %slice3A_796, %slice3A_797, %slice3A_798, %slice3A_799, %slice3A_800, %slice3A_801, %slice3A_802, %slice3A_803, %slice3A_804, %slice3A_805, %slice3A_806 in 0 : vector<64x64xf32>, vector<64x64xf32>, vector<64x64xf32>, vector<64x64xf32>, vector<64x64xf32>, vector<64x64xf32>, vector<64x64xf32>, vector<64x64xf32>, vector<64x64xf32>, vector<64x64xf32>, vector<64x64xf32>, vector<64x64xf32>, vector<64x64xf32>, vector<64x64xf32>, vector<64x64xf32>, vector<64x64xf32> -> vector<1024x64xf32>
    %slice3A_808 = vector.extract_strided_slice %convert_element_type3A_101 {offsets = [64, 0], sizes = [64, 64], strides = [1, 1]} : vector<512x64xf32> to vector<64x64xf32>
    %slice3A_809 = vector.extract_strided_slice %convert_element_type3A_141 {offsets = [64, 0], sizes = [64, 64], strides = [1, 1]} : vector<512x64xf32> to vector<64x64xf32>
    %slice3A_810 = vector.extract_strided_slice %convert_element_type3A_185 {offsets = [64, 0], sizes = [64, 64], strides = [1, 1]} : vector<512x64xf32> to vector<64x64xf32>
    %slice3A_811 = vector.extract_strided_slice %convert_element_type3A_229 {offsets = [64, 0], sizes = [64, 64], strides = [1, 1]} : vector<512x64xf32> to vector<64x64xf32>
    %slice3A_812 = vector.extract_strided_slice %convert_element_type3A_273 {offsets = [64, 0], sizes = [64, 64], strides = [1, 1]} : vector<512x64xf32> to vector<64x64xf32>
    %slice3A_813 = vector.extract_strided_slice %convert_element_type3A_317 {offsets = [64, 0], sizes = [64, 64], strides = [1, 1]} : vector<512x64xf32> to vector<64x64xf32>
    %slice3A_814 = vector.extract_strided_slice %convert_element_type3A_361 {offsets = [64, 0], sizes = [64, 64], strides = [1, 1]} : vector<512x64xf32> to vector<64x64xf32>
    %slice3A_815 = vector.extract_strided_slice %convert_element_type3A_405 {offsets = [64, 0], sizes = [64, 64], strides = [1, 1]} : vector<512x64xf32> to vector<64x64xf32>
    %slice3A_816 = vector.extract_strided_slice %convert_element_type3A_449 {offsets = [64, 0], sizes = [64, 64], strides = [1, 1]} : vector<512x64xf32> to vector<64x64xf32>
    %slice3A_817 = vector.extract_strided_slice %convert_element_type3A_493 {offsets = [64, 0], sizes = [64, 64], strides = [1, 1]} : vector<512x64xf32> to vector<64x64xf32>
    %slice3A_818 = vector.extract_strided_slice %convert_element_type3A_537 {offsets = [64, 0], sizes = [64, 64], strides = [1, 1]} : vector<512x64xf32> to vector<64x64xf32>
    %slice3A_819 = vector.extract_strided_slice %convert_element_type3A_581 {offsets = [64, 0], sizes = [64, 64], strides = [1, 1]} : vector<512x64xf32> to vector<64x64xf32>
    %slice3A_820 = vector.extract_strided_slice %convert_element_type3A_625 {offsets = [64, 0], sizes = [64, 64], strides = [1, 1]} : vector<512x64xf32> to vector<64x64xf32>
    %slice3A_821 = vector.extract_strided_slice %convert_element_type3A_669 {offsets = [64, 0], sizes = [64, 64], strides = [1, 1]} : vector<512x64xf32> to vector<64x64xf32>
    %slice3A_822 = vector.extract_strided_slice %convert_element_type3A_713 {offsets = [64, 0], sizes = [64, 64], strides = [1, 1]} : vector<512x64xf32> to vector<64x64xf32>
    %slice3A_823 = vector.extract_strided_slice %convert_element_type3A_757 {offsets = [64, 0], sizes = [64, 64], strides = [1, 1]} : vector<512x64xf32> to vector<64x64xf32>
    %concatenate3A_824 = tpu.concatenate %slice3A_808, %slice3A_809, %slice3A_810, %slice3A_811, %slice3A_812, %slice3A_813, %slice3A_814, %slice3A_815, %slice3A_816, %slice3A_817, %slice3A_818, %slice3A_819, %slice3A_820, %slice3A_821, %slice3A_822, %slice3A_823 in 0 : vector<64x64xf32>, vector<64x64xf32>, vector<64x64xf32>, vector<64x64xf32>, vector<64x64xf32>, vector<64x64xf32>, vector<64x64xf32>, vector<64x64xf32>, vector<64x64xf32>, vector<64x64xf32>, vector<64x64xf32>, vector<64x64xf32>, vector<64x64xf32>, vector<64x64xf32>, vector<64x64xf32>, vector<64x64xf32> -> vector<1024x64xf32>
    %slice3A_825 = vector.extract_strided_slice %convert_element_type3A_101 {offsets = [128, 0], sizes = [64, 64], strides = [1, 1]} : vector<512x64xf32> to vector<64x64xf32>
    %slice3A_826 = vector.extract_strided_slice %convert_element_type3A_141 {offsets = [128, 0], sizes = [64, 64], strides = [1, 1]} : vector<512x64xf32> to vector<64x64xf32>
    %slice3A_827 = vector.extract_strided_slice %convert_element_type3A_185 {offsets = [128, 0], sizes = [64, 64], strides = [1, 1]} : vector<512x64xf32> to vector<64x64xf32>
    %slice3A_828 = vector.extract_strided_slice %convert_element_type3A_229 {offsets = [128, 0], sizes = [64, 64], strides = [1, 1]} : vector<512x64xf32> to vector<64x64xf32>
    %slice3A_829 = vector.extract_strided_slice %convert_element_type3A_273 {offsets = [128, 0], sizes = [64, 64], strides = [1, 1]} : vector<512x64xf32> to vector<64x64xf32>
    %slice3A_830 = vector.extract_strided_slice %convert_element_type3A_317 {offsets = [128, 0], sizes = [64, 64], strides = [1, 1]} : vector<512x64xf32> to vector<64x64xf32>
    %slice3A_831 = vector.extract_strided_slice %convert_element_type3A_361 {offsets = [128, 0], sizes = [64, 64], strides = [1, 1]} : vector<512x64xf32> to vector<64x64xf32>
    %slice3A_832 = vector.extract_strided_slice %convert_element_type3A_405 {offsets = [128, 0], sizes = [64, 64], strides = [1, 1]} : vector<512x64xf32> to vector<64x64xf32>
    %slice3A_833 = vector.extract_strided_slice %convert_element_type3A_449 {offsets = [128, 0], sizes = [64, 64], strides = [1, 1]} : vector<512x64xf32> to vector<64x64xf32>
    %slice3A_834 = vector.extract_strided_slice %convert_element_type3A_493 {offsets = [128, 0], sizes = [64, 64], strides = [1, 1]} : vector<512x64xf32> to vector<64x64xf32>
    %slice3A_835 = vector.extract_strided_slice %convert_element_type3A_537 {offsets = [128, 0], sizes = [64, 64], strides = [1, 1]} : vector<512x64xf32> to vector<64x64xf32>
    %slice3A_836 = vector.extract_strided_slice %convert_element_type3A_581 {offsets = [128, 0], sizes = [64, 64], strides = [1, 1]} : vector<512x64xf32> to vector<64x64xf32>
    %slice3A_837 = vector.extract_strided_slice %convert_element_type3A_625 {offsets = [128, 0], sizes = [64, 64], strides = [1, 1]} : vector<512x64xf32> to vector<64x64xf32>
    %slice3A_838 = vector.extract_strided_slice %convert_element_type3A_669 {offsets = [128, 0], sizes = [64, 64], strides = [1, 1]} : vector<512x64xf32> to vector<64x64xf32>
    %slice3A_839 = vector.extract_strided_slice %convert_element_type3A_713 {offsets = [128, 0], sizes = [64, 64], strides = [1, 1]} : vector<512x64xf32> to vector<64x64xf32>
    %slice3A_840 = vector.extract_strided_slice %convert_element_type3A_757 {offsets = [128, 0], sizes = [64, 64], strides = [1, 1]} : vector<512x64xf32> to vector<64x64xf32>
    %concatenate3A_841 = tpu.concatenate %slice3A_825, %slice3A_826, %slice3A_827, %slice3A_828, %slice3A_829, %slice3A_830, %slice3A_831, %slice3A_832, %slice3A_833, %slice3A_834, %slice3A_835, %slice3A_836, %slice3A_837, %slice3A_838, %slice3A_839, %slice3A_840 in 0 : vector<64x64xf32>, vector<64x64xf32>, vector<64x64xf32>, vector<64x64xf32>, vector<64x64xf32>, vector<64x64xf32>, vector<64x64xf32>, vector<64x64xf32>, vector<64x64xf32>, vector<64x64xf32>, vector<64x64xf32>, vector<64x64xf32>, vector<64x64xf32>, vector<64x64xf32>, vector<64x64xf32>, vector<64x64xf32> -> vector<1024x64xf32>
    %slice3A_842 = vector.extract_strided_slice %convert_element_type3A_101 {offsets = [192, 0], sizes = [64, 64], strides = [1, 1]} : vector<512x64xf32> to vector<64x64xf32>
    %slice3A_843 = vector.extract_strided_slice %convert_element_type3A_141 {offsets = [192, 0], sizes = [64, 64], strides = [1, 1]} : vector<512x64xf32> to vector<64x64xf32>
    %slice3A_844 = vector.extract_strided_slice %convert_element_type3A_185 {offsets = [192, 0], sizes = [64, 64], strides = [1, 1]} : vector<512x64xf32> to vector<64x64xf32>
    %slice3A_845 = vector.extract_strided_slice %convert_element_type3A_229 {offsets = [192, 0], sizes = [64, 64], strides = [1, 1]} : vector<512x64xf32> to vector<64x64xf32>
    %slice3A_846 = vector.extract_strided_slice %convert_element_type3A_273 {offsets = [192, 0], sizes = [64, 64], strides = [1, 1]} : vector<512x64xf32> to vector<64x64xf32>
    %slice3A_847 = vector.extract_strided_slice %convert_element_type3A_317 {offsets = [192, 0], sizes = [64, 64], strides = [1, 1]} : vector<512x64xf32> to vector<64x64xf32>
    %slice3A_848 = vector.extract_strided_slice %convert_element_type3A_361 {offsets = [192, 0], sizes = [64, 64], strides = [1, 1]} : vector<512x64xf32> to vector<64x64xf32>
    %slice3A_849 = vector.extract_strided_slice %convert_element_type3A_405 {offsets = [192, 0], sizes = [64, 64], strides = [1, 1]} : vector<512x64xf32> to vector<64x64xf32>
    %slice3A_850 = vector.extract_strided_slice %convert_element_type3A_449 {offsets = [192, 0], sizes = [64, 64], strides = [1, 1]} : vector<512x64xf32> to vector<64x64xf32>
    %slice3A_851 = vector.extract_strided_slice %convert_element_type3A_493 {offsets = [192, 0], sizes = [64, 64], strides = [1, 1]} : vector<512x64xf32> to vector<64x64xf32>
    %slice3A_852 = vector.extract_strided_slice %convert_element_type3A_537 {offsets = [192, 0], sizes = [64, 64], strides = [1, 1]} : vector<512x64xf32> to vector<64x64xf32>
    %slice3A_853 = vector.extract_strided_slice %convert_element_type3A_581 {offsets = [192, 0], sizes = [64, 64], strides = [1, 1]} : vector<512x64xf32> to vector<64x64xf32>
    %slice3A_854 = vector.extract_strided_slice %convert_element_type3A_625 {offsets = [192, 0], sizes = [64, 64], strides = [1, 1]} : vector<512x64xf32> to vector<64x64xf32>
    %slice3A_855 = vector.extract_strided_slice %convert_element_type3A_669 {offsets = [192, 0], sizes = [64, 64], strides = [1, 1]} : vector<512x64xf32> to vector<64x64xf32>
    %slice3A_856 = vector.extract_strided_slice %convert_element_type3A_713 {offsets = [192, 0], sizes = [64, 64], strides = [1, 1]} : vector<512x64xf32> to vector<64x64xf32>
    %slice3A_857 = vector.extract_strided_slice %convert_element_type3A_757 {offsets = [192, 0], sizes = [64, 64], strides = [1, 1]} : vector<512x64xf32> to vector<64x64xf32>
    %concatenate3A_858 = tpu.concatenate %slice3A_842, %slice3A_843, %slice3A_844, %slice3A_845, %slice3A_846, %slice3A_847, %slice3A_848, %slice3A_849, %slice3A_850, %slice3A_851, %slice3A_852, %slice3A_853, %slice3A_854, %slice3A_855, %slice3A_856, %slice3A_857 in 0 : vector<64x64xf32>, vector<64x64xf32>, vector<64x64xf32>, vector<64x64xf32>, vector<64x64xf32>, vector<64x64xf32>, vector<64x64xf32>, vector<64x64xf32>, vector<64x64xf32>, vector<64x64xf32>, vector<64x64xf32>, vector<64x64xf32>, vector<64x64xf32>, vector<64x64xf32>, vector<64x64xf32>, vector<64x64xf32> -> vector<1024x64xf32>
    %slice3A_859 = vector.extract_strided_slice %convert_element_type3A_101 {offsets = [256, 0], sizes = [64, 64], strides = [1, 1]} : vector<512x64xf32> to vector<64x64xf32>
    %slice3A_860 = vector.extract_strided_slice %convert_element_type3A_141 {offsets = [256, 0], sizes = [64, 64], strides = [1, 1]} : vector<512x64xf32> to vector<64x64xf32>
    %slice3A_861 = vector.extract_strided_slice %convert_element_type3A_185 {offsets = [256, 0], sizes = [64, 64], strides = [1, 1]} : vector<512x64xf32> to vector<64x64xf32>
    %slice3A_862 = vector.extract_strided_slice %convert_element_type3A_229 {offsets = [256, 0], sizes = [64, 64], strides = [1, 1]} : vector<512x64xf32> to vector<64x64xf32>
    %slice3A_863 = vector.extract_strided_slice %convert_element_type3A_273 {offsets = [256, 0], sizes = [64, 64], strides = [1, 1]} : vector<512x64xf32> to vector<64x64xf32>
    %slice3A_864 = vector.extract_strided_slice %convert_element_type3A_317 {offsets = [256, 0], sizes = [64, 64], strides = [1, 1]} : vector<512x64xf32> to vector<64x64xf32>
    %slice3A_865 = vector.extract_strided_slice %convert_element_type3A_361 {offsets = [256, 0], sizes = [64, 64], strides = [1, 1]} : vector<512x64xf32> to vector<64x64xf32>
    %slice3A_866 = vector.extract_strided_slice %convert_element_type3A_405 {offsets = [256, 0], sizes = [64, 64], strides = [1, 1]} : vector<512x64xf32> to vector<64x64xf32>
    %slice3A_867 = vector.extract_strided_slice %convert_element_type3A_449 {offsets = [256, 0], sizes = [64, 64], strides = [1, 1]} : vector<512x64xf32> to vector<64x64xf32>
    %slice3A_868 = vector.extract_strided_slice %convert_element_type3A_493 {offsets = [256, 0], sizes = [64, 64], strides = [1, 1]} : vector<512x64xf32> to vector<64x64xf32>
    %slice3A_869 = vector.extract_strided_slice %convert_element_type3A_537 {offsets = [256, 0], sizes = [64, 64], strides = [1, 1]} : vector<512x64xf32> to vector<64x64xf32>
    %slice3A_870 = vector.extract_strided_slice %convert_element_type3A_581 {offsets = [256, 0], sizes = [64, 64], strides = [1, 1]} : vector<512x64xf32> to vector<64x64xf32>
    %slice3A_871 = vector.extract_strided_slice %convert_element_type3A_625 {offsets = [256, 0], sizes = [64, 64], strides = [1, 1]} : vector<512x64xf32> to vector<64x64xf32>
    %slice3A_872 = vector.extract_strided_slice %convert_element_type3A_669 {offsets = [256, 0], sizes = [64, 64], strides = [1, 1]} : vector<512x64xf32> to vector<64x64xf32>
    %slice3A_873 = vector.extract_strided_slice %convert_element_type3A_713 {offsets = [256, 0], sizes = [64, 64], strides = [1, 1]} : vector<512x64xf32> to vector<64x64xf32>
    %slice3A_874 = vector.extract_strided_slice %convert_element_type3A_757 {offsets = [256, 0], sizes = [64, 64], strides = [1, 1]} : vector<512x64xf32> to vector<64x64xf32>
    %concatenate3A_875 = tpu.concatenate %slice3A_859, %slice3A_860, %slice3A_861, %slice3A_862, %slice3A_863, %slice3A_864, %slice3A_865, %slice3A_866, %slice3A_867, %slice3A_868, %slice3A_869, %slice3A_870, %slice3A_871, %slice3A_872, %slice3A_873, %slice3A_874 in 0 : vector<64x64xf32>, vector<64x64xf32>, vector<64x64xf32>, vector<64x64xf32>, vector<64x64xf32>, vector<64x64xf32>, vector<64x64xf32>, vector<64x64xf32>, vector<64x64xf32>, vector<64x64xf32>, vector<64x64xf32>, vector<64x64xf32>, vector<64x64xf32>, vector<64x64xf32>, vector<64x64xf32>, vector<64x64xf32> -> vector<1024x64xf32>
    %slice3A_876 = vector.extract_strided_slice %convert_element_type3A_101 {offsets = [320, 0], sizes = [64, 64], strides = [1, 1]} : vector<512x64xf32> to vector<64x64xf32>
    %slice3A_877 = vector.extract_strided_slice %convert_element_type3A_141 {offsets = [320, 0], sizes = [64, 64], strides = [1, 1]} : vector<512x64xf32> to vector<64x64xf32>
    %slice3A_878 = vector.extract_strided_slice %convert_element_type3A_185 {offsets = [320, 0], sizes = [64, 64], strides = [1, 1]} : vector<512x64xf32> to vector<64x64xf32>
    %slice3A_879 = vector.extract_strided_slice %convert_element_type3A_229 {offsets = [320, 0], sizes = [64, 64], strides = [1, 1]} : vector<512x64xf32> to vector<64x64xf32>
    %slice3A_880 = vector.extract_strided_slice %convert_element_type3A_273 {offsets = [320, 0], sizes = [64, 64], strides = [1, 1]} : vector<512x64xf32> to vector<64x64xf32>
    %slice3A_881 = vector.extract_strided_slice %convert_element_type3A_317 {offsets = [320, 0], sizes = [64, 64], strides = [1, 1]} : vector<512x64xf32> to vector<64x64xf32>
    %slice3A_882 = vector.extract_strided_slice %convert_element_type3A_361 {offsets = [320, 0], sizes = [64, 64], strides = [1, 1]} : vector<512x64xf32> to vector<64x64xf32>
    %slice3A_883 = vector.extract_strided_slice %convert_element_type3A_405 {offsets = [320, 0], sizes = [64, 64], strides = [1, 1]} : vector<512x64xf32> to vector<64x64xf32>
    %slice3A_884 = vector.extract_strided_slice %convert_element_type3A_449 {offsets = [320, 0], sizes = [64, 64], strides = [1, 1]} : vector<512x64xf32> to vector<64x64xf32>
    %slice3A_885 = vector.extract_strided_slice %convert_element_type3A_493 {offsets = [320, 0], sizes = [64, 64], strides = [1, 1]} : vector<512x64xf32> to vector<64x64xf32>
    %slice3A_886 = vector.extract_strided_slice %convert_element_type3A_537 {offsets = [320, 0], sizes = [64, 64], strides = [1, 1]} : vector<512x64xf32> to vector<64x64xf32>
    %slice3A_887 = vector.extract_strided_slice %convert_element_type3A_581 {offsets = [320, 0], sizes = [64, 64], strides = [1, 1]} : vector<512x64xf32> to vector<64x64xf32>
    %slice3A_888 = vector.extract_strided_slice %convert_element_type3A_625 {offsets = [320, 0], sizes = [64, 64], strides = [1, 1]} : vector<512x64xf32> to vector<64x64xf32>
    %slice3A_889 = vector.extract_strided_slice %convert_element_type3A_669 {offsets = [320, 0], sizes = [64, 64], strides = [1, 1]} : vector<512x64xf32> to vector<64x64xf32>
    %slice3A_890 = vector.extract_strided_slice %convert_element_type3A_713 {offsets = [320, 0], sizes = [64, 64], strides = [1, 1]} : vector<512x64xf32> to vector<64x64xf32>
    %slice3A_891 = vector.extract_strided_slice %convert_element_type3A_757 {offsets = [320, 0], sizes = [64, 64], strides = [1, 1]} : vector<512x64xf32> to vector<64x64xf32>
    %concatenate3A_892 = tpu.concatenate %slice3A_876, %slice3A_877, %slice3A_878, %slice3A_879, %slice3A_880, %slice3A_881, %slice3A_882, %slice3A_883, %slice3A_884, %slice3A_885, %slice3A_886, %slice3A_887, %slice3A_888, %slice3A_889, %slice3A_890, %slice3A_891 in 0 : vector<64x64xf32>, vector<64x64xf32>, vector<64x64xf32>, vector<64x64xf32>, vector<64x64xf32>, vector<64x64xf32>, vector<64x64xf32>, vector<64x64xf32>, vector<64x64xf32>, vector<64x64xf32>, vector<64x64xf32>, vector<64x64xf32>, vector<64x64xf32>, vector<64x64xf32>, vector<64x64xf32>, vector<64x64xf32> -> vector<1024x64xf32>
    %slice3A_893 = vector.extract_strided_slice %convert_element_type3A_101 {offsets = [384, 0], sizes = [64, 64], strides = [1, 1]} : vector<512x64xf32> to vector<64x64xf32>
    %slice3A_894 = vector.extract_strided_slice %convert_element_type3A_141 {offsets = [384, 0], sizes = [64, 64], strides = [1, 1]} : vector<512x64xf32> to vector<64x64xf32>
    %slice3A_895 = vector.extract_strided_slice %convert_element_type3A_185 {offsets = [384, 0], sizes = [64, 64], strides = [1, 1]} : vector<512x64xf32> to vector<64x64xf32>
    %slice3A_896 = vector.extract_strided_slice %convert_element_type3A_229 {offsets = [384, 0], sizes = [64, 64], strides = [1, 1]} : vector<512x64xf32> to vector<64x64xf32>
    %slice3A_897 = vector.extract_strided_slice %convert_element_type3A_273 {offsets = [384, 0], sizes = [64, 64], strides = [1, 1]} : vector<512x64xf32> to vector<64x64xf32>
    %slice3A_898 = vector.extract_strided_slice %convert_element_type3A_317 {offsets = [384, 0], sizes = [64, 64], strides = [1, 1]} : vector<512x64xf32> to vector<64x64xf32>
    %slice3A_899 = vector.extract_strided_slice %convert_element_type3A_361 {offsets = [384, 0], sizes = [64, 64], strides = [1, 1]} : vector<512x64xf32> to vector<64x64xf32>
    %slice3A_900 = vector.extract_strided_slice %convert_element_type3A_405 {offsets = [384, 0], sizes = [64, 64], strides = [1, 1]} : vector<512x64xf32> to vector<64x64xf32>
    %slice3A_901 = vector.extract_strided_slice %convert_element_type3A_449 {offsets = [384, 0], sizes = [64, 64], strides = [1, 1]} : vector<512x64xf32> to vector<64x64xf32>
    %slice3A_902 = vector.extract_strided_slice %convert_element_type3A_493 {offsets = [384, 0], sizes = [64, 64], strides = [1, 1]} : vector<512x64xf32> to vector<64x64xf32>
    %slice3A_903 = vector.extract_strided_slice %convert_element_type3A_537 {offsets = [384, 0], sizes = [64, 64], strides = [1, 1]} : vector<512x64xf32> to vector<64x64xf32>
    %slice3A_904 = vector.extract_strided_slice %convert_element_type3A_581 {offsets = [384, 0], sizes = [64, 64], strides = [1, 1]} : vector<512x64xf32> to vector<64x64xf32>
    %slice3A_905 = vector.extract_strided_slice %convert_element_type3A_625 {offsets = [384, 0], sizes = [64, 64], strides = [1, 1]} : vector<512x64xf32> to vector<64x64xf32>
    %slice3A_906 = vector.extract_strided_slice %convert_element_type3A_669 {offsets = [384, 0], sizes = [64, 64], strides = [1, 1]} : vector<512x64xf32> to vector<64x64xf32>
    %slice3A_907 = vector.extract_strided_slice %convert_element_type3A_713 {offsets = [384, 0], sizes = [64, 64], strides = [1, 1]} : vector<512x64xf32> to vector<64x64xf32>
    %slice3A_908 = vector.extract_strided_slice %convert_element_type3A_757 {offsets = [384, 0], sizes = [64, 64], strides = [1, 1]} : vector<512x64xf32> to vector<64x64xf32>
    %concatenate3A_909 = tpu.concatenate %slice3A_893, %slice3A_894, %slice3A_895, %slice3A_896, %slice3A_897, %slice3A_898, %slice3A_899, %slice3A_900, %slice3A_901, %slice3A_902, %slice3A_903, %slice3A_904, %slice3A_905, %slice3A_906, %slice3A_907, %slice3A_908 in 0 : vector<64x64xf32>, vector<64x64xf32>, vector<64x64xf32>, vector<64x64xf32>, vector<64x64xf32>, vector<64x64xf32>, vector<64x64xf32>, vector<64x64xf32>, vector<64x64xf32>, vector<64x64xf32>, vector<64x64xf32>, vector<64x64xf32>, vector<64x64xf32>, vector<64x64xf32>, vector<64x64xf32>, vector<64x64xf32> -> vector<1024x64xf32>
    %slice3A_910 = vector.extract_strided_slice %convert_element_type3A_101 {offsets = [448, 0], sizes = [64, 64], strides = [1, 1]} : vector<512x64xf32> to vector<64x64xf32>
    %slice3A_911 = vector.extract_strided_slice %convert_element_type3A_141 {offsets = [448, 0], sizes = [64, 64], strides = [1, 1]} : vector<512x64xf32> to vector<64x64xf32>
    %slice3A_912 = vector.extract_strided_slice %convert_element_type3A_185 {offsets = [448, 0], sizes = [64, 64], strides = [1, 1]} : vector<512x64xf32> to vector<64x64xf32>
    %slice3A_913 = vector.extract_strided_slice %convert_element_type3A_229 {offsets = [448, 0], sizes = [64, 64], strides = [1, 1]} : vector<512x64xf32> to vector<64x64xf32>
    %slice3A_914 = vector.extract_strided_slice %convert_element_type3A_273 {offsets = [448, 0], sizes = [64, 64], strides = [1, 1]} : vector<512x64xf32> to vector<64x64xf32>
    %slice3A_915 = vector.extract_strided_slice %convert_element_type3A_317 {offsets = [448, 0], sizes = [64, 64], strides = [1, 1]} : vector<512x64xf32> to vector<64x64xf32>
    %slice3A_916 = vector.extract_strided_slice %convert_element_type3A_361 {offsets = [448, 0], sizes = [64, 64], strides = [1, 1]} : vector<512x64xf32> to vector<64x64xf32>
    %slice3A_917 = vector.extract_strided_slice %convert_element_type3A_405 {offsets = [448, 0], sizes = [64, 64], strides = [1, 1]} : vector<512x64xf32> to vector<64x64xf32>
    %slice3A_918 = vector.extract_strided_slice %convert_element_type3A_449 {offsets = [448, 0], sizes = [64, 64], strides = [1, 1]} : vector<512x64xf32> to vector<64x64xf32>
    %slice3A_919 = vector.extract_strided_slice %convert_element_type3A_493 {offsets = [448, 0], sizes = [64, 64], strides = [1, 1]} : vector<512x64xf32> to vector<64x64xf32>
    %slice3A_920 = vector.extract_strided_slice %convert_element_type3A_537 {offsets = [448, 0], sizes = [64, 64], strides = [1, 1]} : vector<512x64xf32> to vector<64x64xf32>
    %slice3A_921 = vector.extract_strided_slice %convert_element_type3A_581 {offsets = [448, 0], sizes = [64, 64], strides = [1, 1]} : vector<512x64xf32> to vector<64x64xf32>
    %slice3A_922 = vector.extract_strided_slice %convert_element_type3A_625 {offsets = [448, 0], sizes = [64, 64], strides = [1, 1]} : vector<512x64xf32> to vector<64x64xf32>
    %slice3A_923 = vector.extract_strided_slice %convert_element_type3A_669 {offsets = [448, 0], sizes = [64, 64], strides = [1, 1]} : vector<512x64xf32> to vector<64x64xf32>
    %slice3A_924 = vector.extract_strided_slice %convert_element_type3A_713 {offsets = [448, 0], sizes = [64, 64], strides = [1, 1]} : vector<512x64xf32> to vector<64x64xf32>
    %slice3A_925 = vector.extract_strided_slice %convert_element_type3A_757 {offsets = [448, 0], sizes = [64, 64], strides = [1, 1]} : vector<512x64xf32> to vector<64x64xf32>
    %concatenate3A_926 = tpu.concatenate %slice3A_910, %slice3A_911, %slice3A_912, %slice3A_913, %slice3A_914, %slice3A_915, %slice3A_916, %slice3A_917, %slice3A_918, %slice3A_919, %slice3A_920, %slice3A_921, %slice3A_922, %slice3A_923, %slice3A_924, %slice3A_925 in 0 : vector<64x64xf32>, vector<64x64xf32>, vector<64x64xf32>, vector<64x64xf32>, vector<64x64xf32>, vector<64x64xf32>, vector<64x64xf32>, vector<64x64xf32>, vector<64x64xf32>, vector<64x64xf32>, vector<64x64xf32>, vector<64x64xf32>, vector<64x64xf32>, vector<64x64xf32>, vector<64x64xf32>, vector<64x64xf32> -> vector<1024x64xf32>
    %get3A_927 = arith.constant 0 : index
    %get3A_928 = arith.constant 0 : index
    %get3A_929 = arith.constant 0 : index
    %get3A_930 = vector.load %arg4[%get3A_927, %get3A_928, %get3A_929] : memref<8x64x64xf32, #tpu.memory_space<vmem>>, vector<8x64x64xf32>
    %reshape3A_931 = vector.shape_cast %get3A_930 : vector<8x64x64xf32> to vector<512x64xf32>
    %get3A_932 = arith.constant 0 : index
    %get3A_933 = arith.constant 0 : index
    %get3A_934 = arith.constant 0 : index
    %get3A_935 = vector.load %arg5[%get3A_932, %get3A_933, %get3A_934] : memref<3x129x64xf32, #tpu.memory_space<vmem>>, vector<1x64x64xf32>
    %get3A_936 = vector.shape_cast %get3A_935 : vector<1x64x64xf32> to vector<64x64xf32>
    %get3A_937 = arith.constant 0 : index
    %get3A_938 = arith.constant 64 : index
    %get3A_939 = arith.constant 0 : index
    %get3A_940 = vector.load %arg5[%get3A_937, %get3A_938, %get3A_939] : memref<3x129x64xf32, #tpu.memory_space<vmem>>, vector<1x64x64xf32>
    %get3A_941 = vector.shape_cast %get3A_940 : vector<1x64x64xf32> to vector<64x64xf32>
    %get3A_942 = arith.constant 0 : index
    %get3A_943 = arith.constant 128 : index
    %get3A_944 = arith.constant 0 : index
    %get3A_945 = vector.load %arg5[%get3A_942, %get3A_943, %get3A_944] : memref<3x129x64xf32, #tpu.memory_space<vmem>>, vector<1x1x64xf32>
    %get3A_946 = vector.shape_cast %get3A_945 : vector<1x1x64xf32> to vector<1x64xf32>
    %get3A_947 = arith.constant 0 : index
    %get3A_948 = arith.constant 0 : index
    %get3A_949 = vector.load %arg6[%get3A_947, %get3A_948] : memref<3x64xf32, #tpu.memory_space<vmem>>, vector<1x64xf32>
    %convert_element_type3A_950 = arith.truncf %reshape3A_931 : vector<512x64xf32> to vector<512x64xbf16>
    %convert_element_type3A_951 = arith.extf %convert_element_type3A_950 : vector<512x64xbf16> to vector<512x64xf32>
    %convert_element_type3A_952 = arith.truncf %get3A_936 : vector<64x64xf32> to vector<64x64xbf16>
    %convert_element_type3A_953 = arith.extf %convert_element_type3A_952 : vector<64x64xbf16> to vector<64x64xf32>
    %dot_general3A = arith.constant dense<0.000000e+00> : vector<512x64xf32>
    %dot_general3A_954 = tpu.matmul %convert_element_type3A_951, %convert_element_type3A_953, %dot_general3A {dimension_numbers = #tpu.dot_dimension_numbers<[1], [0], [0], [1], [0, 0, 1, 1], [], []>, transpose_lhs_hint = false} : vector<512x64xf32>, vector<64x64xf32>, vector<512x64xf32> -> vector<512x64xf32>
    %convert_element_type3A_955 = arith.truncf %get3A_941 : vector<64x64xf32> to vector<64x64xbf16>
    %convert_element_type3A_956 = arith.extf %convert_element_type3A_955 : vector<64x64xbf16> to vector<64x64xf32>
    %dot_general3A_957 = arith.constant dense<0.000000e+00> : vector<512x64xf32>
    %dot_general3A_958 = tpu.matmul %convert_element_type3A_951, %convert_element_type3A_956, %dot_general3A_957 {dimension_numbers = #tpu.dot_dimension_numbers<[1], [0], [0], [1], [0, 0, 1, 1], [], []>, transpose_lhs_hint = false} : vector<512x64xf32>, vector<64x64xf32>, vector<512x64xf32> -> vector<512x64xf32>
    %convert_element_type3A_959 = arith.truncf %dot_general3A_958 : vector<512x64xf32> to vector<512x64xbf16>
    %convert_element_type3A_960 = arith.extf %convert_element_type3A_959 : vector<512x64xbf16> to vector<512x64xf32>
    %sub3A_961 = arith.subf %dot_general3A_958, %convert_element_type3A_960 : vector<512x64xf32>
    %slice3A_962 = vector.extract_strided_slice %convert_element_type3A_960 {offsets = [0, 0], sizes = [64, 64], strides = [1, 1]} : vector<512x64xf32> to vector<64x64xf32>
    %dot_general3A_963 = arith.constant dense<0.000000e+00> : vector<1024x64xf32>
    %dot_general3A_964 = tpu.matmul %concatenate3A_807, %slice3A_962, %dot_general3A_963 {dimension_numbers = #tpu.dot_dimension_numbers<[1], [0], [0], [1], [0, 0, 1, 1], [], []>, transpose_lhs_hint = false} : vector<1024x64xf32>, vector<64x64xf32>, vector<1024x64xf32> -> vector<1024x64xf32>
    %slice3A_965 = vector.extract_strided_slice %sub3A_961 {offsets = [0, 0], sizes = [64, 64], strides = [1, 1]} : vector<512x64xf32> to vector<64x64xf32>
    %dot_general3A_966 = arith.constant dense<0.000000e+00> : vector<1024x64xf32>
    %dot_general3A_967 = tpu.matmul %concatenate3A_807, %slice3A_965, %dot_general3A_966 {dimension_numbers = #tpu.dot_dimension_numbers<[1], [0], [0], [1], [0, 0, 1, 1], [], []>, transpose_lhs_hint = false} : vector<1024x64xf32>, vector<64x64xf32>, vector<1024x64xf32> -> vector<1024x64xf32>
    %add3A_968 = arith.addf %dot_general3A_964, %dot_general3A_967 : vector<1024x64xf32>
    %slice3A_969 = vector.extract_strided_slice %convert_element_type3A_960 {offsets = [64, 0], sizes = [64, 64], strides = [1, 1]} : vector<512x64xf32> to vector<64x64xf32>
    %dot_general3A_970 = arith.constant dense<0.000000e+00> : vector<1024x64xf32>
    %dot_general3A_971 = tpu.matmul %concatenate3A_824, %slice3A_969, %dot_general3A_970 {dimension_numbers = #tpu.dot_dimension_numbers<[1], [0], [0], [1], [0, 0, 1, 1], [], []>, transpose_lhs_hint = false} : vector<1024x64xf32>, vector<64x64xf32>, vector<1024x64xf32> -> vector<1024x64xf32>
    %slice3A_972 = vector.extract_strided_slice %sub3A_961 {offsets = [64, 0], sizes = [64, 64], strides = [1, 1]} : vector<512x64xf32> to vector<64x64xf32>
    %dot_general3A_973 = arith.constant dense<0.000000e+00> : vector<1024x64xf32>
    %dot_general3A_974 = tpu.matmul %concatenate3A_824, %slice3A_972, %dot_general3A_973 {dimension_numbers = #tpu.dot_dimension_numbers<[1], [0], [0], [1], [0, 0, 1, 1], [], []>, transpose_lhs_hint = false} : vector<1024x64xf32>, vector<64x64xf32>, vector<1024x64xf32> -> vector<1024x64xf32>
    %add3A_975 = arith.addf %dot_general3A_971, %dot_general3A_974 : vector<1024x64xf32>
    %slice3A_976 = vector.extract_strided_slice %convert_element_type3A_960 {offsets = [128, 0], sizes = [64, 64], strides = [1, 1]} : vector<512x64xf32> to vector<64x64xf32>
    %dot_general3A_977 = arith.constant dense<0.000000e+00> : vector<1024x64xf32>
    %dot_general3A_978 = tpu.matmul %concatenate3A_841, %slice3A_976, %dot_general3A_977 {dimension_numbers = #tpu.dot_dimension_numbers<[1], [0], [0], [1], [0, 0, 1, 1], [], []>, transpose_lhs_hint = false} : vector<1024x64xf32>, vector<64x64xf32>, vector<1024x64xf32> -> vector<1024x64xf32>
    %slice3A_979 = vector.extract_strided_slice %sub3A_961 {offsets = [128, 0], sizes = [64, 64], strides = [1, 1]} : vector<512x64xf32> to vector<64x64xf32>
    %dot_general3A_980 = arith.constant dense<0.000000e+00> : vector<1024x64xf32>
    %dot_general3A_981 = tpu.matmul %concatenate3A_841, %slice3A_979, %dot_general3A_980 {dimension_numbers = #tpu.dot_dimension_numbers<[1], [0], [0], [1], [0, 0, 1, 1], [], []>, transpose_lhs_hint = false} : vector<1024x64xf32>, vector<64x64xf32>, vector<1024x64xf32> -> vector<1024x64xf32>
    %add3A_982 = arith.addf %dot_general3A_978, %dot_general3A_981 : vector<1024x64xf32>
    %slice3A_983 = vector.extract_strided_slice %convert_element_type3A_960 {offsets = [192, 0], sizes = [64, 64], strides = [1, 1]} : vector<512x64xf32> to vector<64x64xf32>
    %dot_general3A_984 = arith.constant dense<0.000000e+00> : vector<1024x64xf32>
    %dot_general3A_985 = tpu.matmul %concatenate3A_858, %slice3A_983, %dot_general3A_984 {dimension_numbers = #tpu.dot_dimension_numbers<[1], [0], [0], [1], [0, 0, 1, 1], [], []>, transpose_lhs_hint = false} : vector<1024x64xf32>, vector<64x64xf32>, vector<1024x64xf32> -> vector<1024x64xf32>
    %slice3A_986 = vector.extract_strided_slice %sub3A_961 {offsets = [192, 0], sizes = [64, 64], strides = [1, 1]} : vector<512x64xf32> to vector<64x64xf32>
    %dot_general3A_987 = arith.constant dense<0.000000e+00> : vector<1024x64xf32>
    %dot_general3A_988 = tpu.matmul %concatenate3A_858, %slice3A_986, %dot_general3A_987 {dimension_numbers = #tpu.dot_dimension_numbers<[1], [0], [0], [1], [0, 0, 1, 1], [], []>, transpose_lhs_hint = false} : vector<1024x64xf32>, vector<64x64xf32>, vector<1024x64xf32> -> vector<1024x64xf32>
    %add3A_989 = arith.addf %dot_general3A_985, %dot_general3A_988 : vector<1024x64xf32>
    %slice3A_990 = vector.extract_strided_slice %convert_element_type3A_960 {offsets = [256, 0], sizes = [64, 64], strides = [1, 1]} : vector<512x64xf32> to vector<64x64xf32>
    %dot_general3A_991 = arith.constant dense<0.000000e+00> : vector<1024x64xf32>
    %dot_general3A_992 = tpu.matmul %concatenate3A_875, %slice3A_990, %dot_general3A_991 {dimension_numbers = #tpu.dot_dimension_numbers<[1], [0], [0], [1], [0, 0, 1, 1], [], []>, transpose_lhs_hint = false} : vector<1024x64xf32>, vector<64x64xf32>, vector<1024x64xf32> -> vector<1024x64xf32>
    %slice3A_993 = vector.extract_strided_slice %sub3A_961 {offsets = [256, 0], sizes = [64, 64], strides = [1, 1]} : vector<512x64xf32> to vector<64x64xf32>
    %dot_general3A_994 = arith.constant dense<0.000000e+00> : vector<1024x64xf32>
    %dot_general3A_995 = tpu.matmul %concatenate3A_875, %slice3A_993, %dot_general3A_994 {dimension_numbers = #tpu.dot_dimension_numbers<[1], [0], [0], [1], [0, 0, 1, 1], [], []>, transpose_lhs_hint = false} : vector<1024x64xf32>, vector<64x64xf32>, vector<1024x64xf32> -> vector<1024x64xf32>
    %add3A_996 = arith.addf %dot_general3A_992, %dot_general3A_995 : vector<1024x64xf32>
    %slice3A_997 = vector.extract_strided_slice %convert_element_type3A_960 {offsets = [320, 0], sizes = [64, 64], strides = [1, 1]} : vector<512x64xf32> to vector<64x64xf32>
    %dot_general3A_998 = arith.constant dense<0.000000e+00> : vector<1024x64xf32>
    %dot_general3A_999 = tpu.matmul %concatenate3A_892, %slice3A_997, %dot_general3A_998 {dimension_numbers = #tpu.dot_dimension_numbers<[1], [0], [0], [1], [0, 0, 1, 1], [], []>, transpose_lhs_hint = false} : vector<1024x64xf32>, vector<64x64xf32>, vector<1024x64xf32> -> vector<1024x64xf32>
    %slice3A_1000 = vector.extract_strided_slice %sub3A_961 {offsets = [320, 0], sizes = [64, 64], strides = [1, 1]} : vector<512x64xf32> to vector<64x64xf32>
    %dot_general3A_1001 = arith.constant dense<0.000000e+00> : vector<1024x64xf32>
    %dot_general3A_1002 = tpu.matmul %concatenate3A_892, %slice3A_1000, %dot_general3A_1001 {dimension_numbers = #tpu.dot_dimension_numbers<[1], [0], [0], [1], [0, 0, 1, 1], [], []>, transpose_lhs_hint = false} : vector<1024x64xf32>, vector<64x64xf32>, vector<1024x64xf32> -> vector<1024x64xf32>
    %add3A_1003 = arith.addf %dot_general3A_999, %dot_general3A_1002 : vector<1024x64xf32>
    %slice3A_1004 = vector.extract_strided_slice %convert_element_type3A_960 {offsets = [384, 0], sizes = [64, 64], strides = [1, 1]} : vector<512x64xf32> to vector<64x64xf32>
    %dot_general3A_1005 = arith.constant dense<0.000000e+00> : vector<1024x64xf32>
    %dot_general3A_1006 = tpu.matmul %concatenate3A_909, %slice3A_1004, %dot_general3A_1005 {dimension_numbers = #tpu.dot_dimension_numbers<[1], [0], [0], [1], [0, 0, 1, 1], [], []>, transpose_lhs_hint = false} : vector<1024x64xf32>, vector<64x64xf32>, vector<1024x64xf32> -> vector<1024x64xf32>
    %slice3A_1007 = vector.extract_strided_slice %sub3A_961 {offsets = [384, 0], sizes = [64, 64], strides = [1, 1]} : vector<512x64xf32> to vector<64x64xf32>
    %dot_general3A_1008 = arith.constant dense<0.000000e+00> : vector<1024x64xf32>
    %dot_general3A_1009 = tpu.matmul %concatenate3A_909, %slice3A_1007, %dot_general3A_1008 {dimension_numbers = #tpu.dot_dimension_numbers<[1], [0], [0], [1], [0, 0, 1, 1], [], []>, transpose_lhs_hint = false} : vector<1024x64xf32>, vector<64x64xf32>, vector<1024x64xf32> -> vector<1024x64xf32>
    %add3A_1010 = arith.addf %dot_general3A_1006, %dot_general3A_1009 : vector<1024x64xf32>
    %slice3A_1011 = vector.extract_strided_slice %convert_element_type3A_960 {offsets = [448, 0], sizes = [64, 64], strides = [1, 1]} : vector<512x64xf32> to vector<64x64xf32>
    %dot_general3A_1012 = arith.constant dense<0.000000e+00> : vector<1024x64xf32>
    %dot_general3A_1013 = tpu.matmul %concatenate3A_926, %slice3A_1011, %dot_general3A_1012 {dimension_numbers = #tpu.dot_dimension_numbers<[1], [0], [0], [1], [0, 0, 1, 1], [], []>, transpose_lhs_hint = false} : vector<1024x64xf32>, vector<64x64xf32>, vector<1024x64xf32> -> vector<1024x64xf32>
    %slice3A_1014 = vector.extract_strided_slice %sub3A_961 {offsets = [448, 0], sizes = [64, 64], strides = [1, 1]} : vector<512x64xf32> to vector<64x64xf32>
    %dot_general3A_1015 = arith.constant dense<0.000000e+00> : vector<1024x64xf32>
    %dot_general3A_1016 = tpu.matmul %concatenate3A_926, %slice3A_1014, %dot_general3A_1015 {dimension_numbers = #tpu.dot_dimension_numbers<[1], [0], [0], [1], [0, 0, 1, 1], [], []>, transpose_lhs_hint = false} : vector<1024x64xf32>, vector<64x64xf32>, vector<1024x64xf32> -> vector<1024x64xf32>
    %add3A_1017 = arith.addf %dot_general3A_1013, %dot_general3A_1016 : vector<1024x64xf32>
    %slice3A_1018 = vector.extract_strided_slice %add3A_968 {offsets = [0, 0], sizes = [64, 64], strides = [1, 1]} : vector<1024x64xf32> to vector<64x64xf32>
    %slice3A_1019 = vector.extract_strided_slice %add3A_975 {offsets = [0, 0], sizes = [64, 64], strides = [1, 1]} : vector<1024x64xf32> to vector<64x64xf32>
    %slice3A_1020 = vector.extract_strided_slice %add3A_982 {offsets = [0, 0], sizes = [64, 64], strides = [1, 1]} : vector<1024x64xf32> to vector<64x64xf32>
    %slice3A_1021 = vector.extract_strided_slice %add3A_989 {offsets = [0, 0], sizes = [64, 64], strides = [1, 1]} : vector<1024x64xf32> to vector<64x64xf32>
    %slice3A_1022 = vector.extract_strided_slice %add3A_996 {offsets = [0, 0], sizes = [64, 64], strides = [1, 1]} : vector<1024x64xf32> to vector<64x64xf32>
    %slice3A_1023 = vector.extract_strided_slice %add3A_1003 {offsets = [0, 0], sizes = [64, 64], strides = [1, 1]} : vector<1024x64xf32> to vector<64x64xf32>
    %slice3A_1024 = vector.extract_strided_slice %add3A_1010 {offsets = [0, 0], sizes = [64, 64], strides = [1, 1]} : vector<1024x64xf32> to vector<64x64xf32>
    %slice3A_1025 = vector.extract_strided_slice %add3A_1017 {offsets = [0, 0], sizes = [64, 64], strides = [1, 1]} : vector<1024x64xf32> to vector<64x64xf32>
    %slice3A_1026 = vector.extract_strided_slice %add3A_968 {offsets = [64, 0], sizes = [64, 64], strides = [1, 1]} : vector<1024x64xf32> to vector<64x64xf32>
    %slice3A_1027 = vector.extract_strided_slice %add3A_975 {offsets = [64, 0], sizes = [64, 64], strides = [1, 1]} : vector<1024x64xf32> to vector<64x64xf32>
    %slice3A_1028 = vector.extract_strided_slice %add3A_982 {offsets = [64, 0], sizes = [64, 64], strides = [1, 1]} : vector<1024x64xf32> to vector<64x64xf32>
    %slice3A_1029 = vector.extract_strided_slice %add3A_989 {offsets = [64, 0], sizes = [64, 64], strides = [1, 1]} : vector<1024x64xf32> to vector<64x64xf32>
    %slice3A_1030 = vector.extract_strided_slice %add3A_996 {offsets = [64, 0], sizes = [64, 64], strides = [1, 1]} : vector<1024x64xf32> to vector<64x64xf32>
    %slice3A_1031 = vector.extract_strided_slice %add3A_1003 {offsets = [64, 0], sizes = [64, 64], strides = [1, 1]} : vector<1024x64xf32> to vector<64x64xf32>
    %slice3A_1032 = vector.extract_strided_slice %add3A_1010 {offsets = [64, 0], sizes = [64, 64], strides = [1, 1]} : vector<1024x64xf32> to vector<64x64xf32>
    %slice3A_1033 = vector.extract_strided_slice %add3A_1017 {offsets = [64, 0], sizes = [64, 64], strides = [1, 1]} : vector<1024x64xf32> to vector<64x64xf32>
    %slice3A_1034 = vector.extract_strided_slice %add3A_968 {offsets = [128, 0], sizes = [64, 64], strides = [1, 1]} : vector<1024x64xf32> to vector<64x64xf32>
    %slice3A_1035 = vector.extract_strided_slice %add3A_975 {offsets = [128, 0], sizes = [64, 64], strides = [1, 1]} : vector<1024x64xf32> to vector<64x64xf32>
    %slice3A_1036 = vector.extract_strided_slice %add3A_982 {offsets = [128, 0], sizes = [64, 64], strides = [1, 1]} : vector<1024x64xf32> to vector<64x64xf32>
    %slice3A_1037 = vector.extract_strided_slice %add3A_989 {offsets = [128, 0], sizes = [64, 64], strides = [1, 1]} : vector<1024x64xf32> to vector<64x64xf32>
    %slice3A_1038 = vector.extract_strided_slice %add3A_996 {offsets = [128, 0], sizes = [64, 64], strides = [1, 1]} : vector<1024x64xf32> to vector<64x64xf32>
    %slice3A_1039 = vector.extract_strided_slice %add3A_1003 {offsets = [128, 0], sizes = [64, 64], strides = [1, 1]} : vector<1024x64xf32> to vector<64x64xf32>
    %slice3A_1040 = vector.extract_strided_slice %add3A_1010 {offsets = [128, 0], sizes = [64, 64], strides = [1, 1]} : vector<1024x64xf32> to vector<64x64xf32>
    %slice3A_1041 = vector.extract_strided_slice %add3A_1017 {offsets = [128, 0], sizes = [64, 64], strides = [1, 1]} : vector<1024x64xf32> to vector<64x64xf32>
    %slice3A_1042 = vector.extract_strided_slice %add3A_968 {offsets = [192, 0], sizes = [64, 64], strides = [1, 1]} : vector<1024x64xf32> to vector<64x64xf32>
    %slice3A_1043 = vector.extract_strided_slice %add3A_975 {offsets = [192, 0], sizes = [64, 64], strides = [1, 1]} : vector<1024x64xf32> to vector<64x64xf32>
    %slice3A_1044 = vector.extract_strided_slice %add3A_982 {offsets = [192, 0], sizes = [64, 64], strides = [1, 1]} : vector<1024x64xf32> to vector<64x64xf32>
    %slice3A_1045 = vector.extract_strided_slice %add3A_989 {offsets = [192, 0], sizes = [64, 64], strides = [1, 1]} : vector<1024x64xf32> to vector<64x64xf32>
    %slice3A_1046 = vector.extract_strided_slice %add3A_996 {offsets = [192, 0], sizes = [64, 64], strides = [1, 1]} : vector<1024x64xf32> to vector<64x64xf32>
    %slice3A_1047 = vector.extract_strided_slice %add3A_1003 {offsets = [192, 0], sizes = [64, 64], strides = [1, 1]} : vector<1024x64xf32> to vector<64x64xf32>
    %slice3A_1048 = vector.extract_strided_slice %add3A_1010 {offsets = [192, 0], sizes = [64, 64], strides = [1, 1]} : vector<1024x64xf32> to vector<64x64xf32>
    %slice3A_1049 = vector.extract_strided_slice %add3A_1017 {offsets = [192, 0], sizes = [64, 64], strides = [1, 1]} : vector<1024x64xf32> to vector<64x64xf32>
    %slice3A_1050 = vector.extract_strided_slice %add3A_968 {offsets = [256, 0], sizes = [64, 64], strides = [1, 1]} : vector<1024x64xf32> to vector<64x64xf32>
    %slice3A_1051 = vector.extract_strided_slice %add3A_975 {offsets = [256, 0], sizes = [64, 64], strides = [1, 1]} : vector<1024x64xf32> to vector<64x64xf32>
    %slice3A_1052 = vector.extract_strided_slice %add3A_982 {offsets = [256, 0], sizes = [64, 64], strides = [1, 1]} : vector<1024x64xf32> to vector<64x64xf32>
    %slice3A_1053 = vector.extract_strided_slice %add3A_989 {offsets = [256, 0], sizes = [64, 64], strides = [1, 1]} : vector<1024x64xf32> to vector<64x64xf32>
    %slice3A_1054 = vector.extract_strided_slice %add3A_996 {offsets = [256, 0], sizes = [64, 64], strides = [1, 1]} : vector<1024x64xf32> to vector<64x64xf32>
    %slice3A_1055 = vector.extract_strided_slice %add3A_1003 {offsets = [256, 0], sizes = [64, 64], strides = [1, 1]} : vector<1024x64xf32> to vector<64x64xf32>
    %slice3A_1056 = vector.extract_strided_slice %add3A_1010 {offsets = [256, 0], sizes = [64, 64], strides = [1, 1]} : vector<1024x64xf32> to vector<64x64xf32>
    %slice3A_1057 = vector.extract_strided_slice %add3A_1017 {offsets = [256, 0], sizes = [64, 64], strides = [1, 1]} : vector<1024x64xf32> to vector<64x64xf32>
    %slice3A_1058 = vector.extract_strided_slice %add3A_968 {offsets = [320, 0], sizes = [64, 64], strides = [1, 1]} : vector<1024x64xf32> to vector<64x64xf32>
    %slice3A_1059 = vector.extract_strided_slice %add3A_975 {offsets = [320, 0], sizes = [64, 64], strides = [1, 1]} : vector<1024x64xf32> to vector<64x64xf32>
    %slice3A_1060 = vector.extract_strided_slice %add3A_982 {offsets = [320, 0], sizes = [64, 64], strides = [1, 1]} : vector<1024x64xf32> to vector<64x64xf32>
    %slice3A_1061 = vector.extract_strided_slice %add3A_989 {offsets = [320, 0], sizes = [64, 64], strides = [1, 1]} : vector<1024x64xf32> to vector<64x64xf32>
    %slice3A_1062 = vector.extract_strided_slice %add3A_996 {offsets = [320, 0], sizes = [64, 64], strides = [1, 1]} : vector<1024x64xf32> to vector<64x64xf32>
    %slice3A_1063 = vector.extract_strided_slice %add3A_1003 {offsets = [320, 0], sizes = [64, 64], strides = [1, 1]} : vector<1024x64xf32> to vector<64x64xf32>
    %slice3A_1064 = vector.extract_strided_slice %add3A_1010 {offsets = [320, 0], sizes = [64, 64], strides = [1, 1]} : vector<1024x64xf32> to vector<64x64xf32>
    %slice3A_1065 = vector.extract_strided_slice %add3A_1017 {offsets = [320, 0], sizes = [64, 64], strides = [1, 1]} : vector<1024x64xf32> to vector<64x64xf32>
    %slice3A_1066 = vector.extract_strided_slice %add3A_968 {offsets = [384, 0], sizes = [64, 64], strides = [1, 1]} : vector<1024x64xf32> to vector<64x64xf32>
    %slice3A_1067 = vector.extract_strided_slice %add3A_975 {offsets = [384, 0], sizes = [64, 64], strides = [1, 1]} : vector<1024x64xf32> to vector<64x64xf32>
    %slice3A_1068 = vector.extract_strided_slice %add3A_982 {offsets = [384, 0], sizes = [64, 64], strides = [1, 1]} : vector<1024x64xf32> to vector<64x64xf32>
    %slice3A_1069 = vector.extract_strided_slice %add3A_989 {offsets = [384, 0], sizes = [64, 64], strides = [1, 1]} : vector<1024x64xf32> to vector<64x64xf32>
    %slice3A_1070 = vector.extract_strided_slice %add3A_996 {offsets = [384, 0], sizes = [64, 64], strides = [1, 1]} : vector<1024x64xf32> to vector<64x64xf32>
    %slice3A_1071 = vector.extract_strided_slice %add3A_1003 {offsets = [384, 0], sizes = [64, 64], strides = [1, 1]} : vector<1024x64xf32> to vector<64x64xf32>
    %slice3A_1072 = vector.extract_strided_slice %add3A_1010 {offsets = [384, 0], sizes = [64, 64], strides = [1, 1]} : vector<1024x64xf32> to vector<64x64xf32>
    %slice3A_1073 = vector.extract_strided_slice %add3A_1017 {offsets = [384, 0], sizes = [64, 64], strides = [1, 1]} : vector<1024x64xf32> to vector<64x64xf32>
    %slice3A_1074 = vector.extract_strided_slice %add3A_968 {offsets = [448, 0], sizes = [64, 64], strides = [1, 1]} : vector<1024x64xf32> to vector<64x64xf32>
    %slice3A_1075 = vector.extract_strided_slice %add3A_975 {offsets = [448, 0], sizes = [64, 64], strides = [1, 1]} : vector<1024x64xf32> to vector<64x64xf32>
    %slice3A_1076 = vector.extract_strided_slice %add3A_982 {offsets = [448, 0], sizes = [64, 64], strides = [1, 1]} : vector<1024x64xf32> to vector<64x64xf32>
    %slice3A_1077 = vector.extract_strided_slice %add3A_989 {offsets = [448, 0], sizes = [64, 64], strides = [1, 1]} : vector<1024x64xf32> to vector<64x64xf32>
    %slice3A_1078 = vector.extract_strided_slice %add3A_996 {offsets = [448, 0], sizes = [64, 64], strides = [1, 1]} : vector<1024x64xf32> to vector<64x64xf32>
    %slice3A_1079 = vector.extract_strided_slice %add3A_1003 {offsets = [448, 0], sizes = [64, 64], strides = [1, 1]} : vector<1024x64xf32> to vector<64x64xf32>
    %slice3A_1080 = vector.extract_strided_slice %add3A_1010 {offsets = [448, 0], sizes = [64, 64], strides = [1, 1]} : vector<1024x64xf32> to vector<64x64xf32>
    %slice3A_1081 = vector.extract_strided_slice %add3A_1017 {offsets = [448, 0], sizes = [64, 64], strides = [1, 1]} : vector<1024x64xf32> to vector<64x64xf32>
    %slice3A_1082 = vector.extract_strided_slice %add3A_968 {offsets = [512, 0], sizes = [64, 64], strides = [1, 1]} : vector<1024x64xf32> to vector<64x64xf32>
    %slice3A_1083 = vector.extract_strided_slice %add3A_975 {offsets = [512, 0], sizes = [64, 64], strides = [1, 1]} : vector<1024x64xf32> to vector<64x64xf32>
    %slice3A_1084 = vector.extract_strided_slice %add3A_982 {offsets = [512, 0], sizes = [64, 64], strides = [1, 1]} : vector<1024x64xf32> to vector<64x64xf32>
    %slice3A_1085 = vector.extract_strided_slice %add3A_989 {offsets = [512, 0], sizes = [64, 64], strides = [1, 1]} : vector<1024x64xf32> to vector<64x64xf32>
    %slice3A_1086 = vector.extract_strided_slice %add3A_996 {offsets = [512, 0], sizes = [64, 64], strides = [1, 1]} : vector<1024x64xf32> to vector<64x64xf32>
    %slice3A_1087 = vector.extract_strided_slice %add3A_1003 {offsets = [512, 0], sizes = [64, 64], strides = [1, 1]} : vector<1024x64xf32> to vector<64x64xf32>
    %slice3A_1088 = vector.extract_strided_slice %add3A_1010 {offsets = [512, 0], sizes = [64, 64], strides = [1, 1]} : vector<1024x64xf32> to vector<64x64xf32>
    %slice3A_1089 = vector.extract_strided_slice %add3A_1017 {offsets = [512, 0], sizes = [64, 64], strides = [1, 1]} : vector<1024x64xf32> to vector<64x64xf32>
    %slice3A_1090 = vector.extract_strided_slice %add3A_968 {offsets = [576, 0], sizes = [64, 64], strides = [1, 1]} : vector<1024x64xf32> to vector<64x64xf32>
    %slice3A_1091 = vector.extract_strided_slice %add3A_975 {offsets = [576, 0], sizes = [64, 64], strides = [1, 1]} : vector<1024x64xf32> to vector<64x64xf32>
    %slice3A_1092 = vector.extract_strided_slice %add3A_982 {offsets = [576, 0], sizes = [64, 64], strides = [1, 1]} : vector<1024x64xf32> to vector<64x64xf32>
    %slice3A_1093 = vector.extract_strided_slice %add3A_989 {offsets = [576, 0], sizes = [64, 64], strides = [1, 1]} : vector<1024x64xf32> to vector<64x64xf32>
    %slice3A_1094 = vector.extract_strided_slice %add3A_996 {offsets = [576, 0], sizes = [64, 64], strides = [1, 1]} : vector<1024x64xf32> to vector<64x64xf32>
    %slice3A_1095 = vector.extract_strided_slice %add3A_1003 {offsets = [576, 0], sizes = [64, 64], strides = [1, 1]} : vector<1024x64xf32> to vector<64x64xf32>
    %slice3A_1096 = vector.extract_strided_slice %add3A_1010 {offsets = [576, 0], sizes = [64, 64], strides = [1, 1]} : vector<1024x64xf32> to vector<64x64xf32>
    %slice3A_1097 = vector.extract_strided_slice %add3A_1017 {offsets = [576, 0], sizes = [64, 64], strides = [1, 1]} : vector<1024x64xf32> to vector<64x64xf32>
    %slice3A_1098 = vector.extract_strided_slice %add3A_968 {offsets = [640, 0], sizes = [64, 64], strides = [1, 1]} : vector<1024x64xf32> to vector<64x64xf32>
    %slice3A_1099 = vector.extract_strided_slice %add3A_975 {offsets = [640, 0], sizes = [64, 64], strides = [1, 1]} : vector<1024x64xf32> to vector<64x64xf32>
    %slice3A_1100 = vector.extract_strided_slice %add3A_982 {offsets = [640, 0], sizes = [64, 64], strides = [1, 1]} : vector<1024x64xf32> to vector<64x64xf32>
    %slice3A_1101 = vector.extract_strided_slice %add3A_989 {offsets = [640, 0], sizes = [64, 64], strides = [1, 1]} : vector<1024x64xf32> to vector<64x64xf32>
    %slice3A_1102 = vector.extract_strided_slice %add3A_996 {offsets = [640, 0], sizes = [64, 64], strides = [1, 1]} : vector<1024x64xf32> to vector<64x64xf32>
    %slice3A_1103 = vector.extract_strided_slice %add3A_1003 {offsets = [640, 0], sizes = [64, 64], strides = [1, 1]} : vector<1024x64xf32> to vector<64x64xf32>
    %slice3A_1104 = vector.extract_strided_slice %add3A_1010 {offsets = [640, 0], sizes = [64, 64], strides = [1, 1]} : vector<1024x64xf32> to vector<64x64xf32>
    %slice3A_1105 = vector.extract_strided_slice %add3A_1017 {offsets = [640, 0], sizes = [64, 64], strides = [1, 1]} : vector<1024x64xf32> to vector<64x64xf32>
    %slice3A_1106 = vector.extract_strided_slice %add3A_968 {offsets = [704, 0], sizes = [64, 64], strides = [1, 1]} : vector<1024x64xf32> to vector<64x64xf32>
    %slice3A_1107 = vector.extract_strided_slice %add3A_975 {offsets = [704, 0], sizes = [64, 64], strides = [1, 1]} : vector<1024x64xf32> to vector<64x64xf32>
    %slice3A_1108 = vector.extract_strided_slice %add3A_982 {offsets = [704, 0], sizes = [64, 64], strides = [1, 1]} : vector<1024x64xf32> to vector<64x64xf32>
    %slice3A_1109 = vector.extract_strided_slice %add3A_989 {offsets = [704, 0], sizes = [64, 64], strides = [1, 1]} : vector<1024x64xf32> to vector<64x64xf32>
    %slice3A_1110 = vector.extract_strided_slice %add3A_996 {offsets = [704, 0], sizes = [64, 64], strides = [1, 1]} : vector<1024x64xf32> to vector<64x64xf32>
    %slice3A_1111 = vector.extract_strided_slice %add3A_1003 {offsets = [704, 0], sizes = [64, 64], strides = [1, 1]} : vector<1024x64xf32> to vector<64x64xf32>
    %slice3A_1112 = vector.extract_strided_slice %add3A_1010 {offsets = [704, 0], sizes = [64, 64], strides = [1, 1]} : vector<1024x64xf32> to vector<64x64xf32>
    %slice3A_1113 = vector.extract_strided_slice %add3A_1017 {offsets = [704, 0], sizes = [64, 64], strides = [1, 1]} : vector<1024x64xf32> to vector<64x64xf32>
    %slice3A_1114 = vector.extract_strided_slice %add3A_968 {offsets = [768, 0], sizes = [64, 64], strides = [1, 1]} : vector<1024x64xf32> to vector<64x64xf32>
    %slice3A_1115 = vector.extract_strided_slice %add3A_975 {offsets = [768, 0], sizes = [64, 64], strides = [1, 1]} : vector<1024x64xf32> to vector<64x64xf32>
    %slice3A_1116 = vector.extract_strided_slice %add3A_982 {offsets = [768, 0], sizes = [64, 64], strides = [1, 1]} : vector<1024x64xf32> to vector<64x64xf32>
    %slice3A_1117 = vector.extract_strided_slice %add3A_989 {offsets = [768, 0], sizes = [64, 64], strides = [1, 1]} : vector<1024x64xf32> to vector<64x64xf32>
    %slice3A_1118 = vector.extract_strided_slice %add3A_996 {offsets = [768, 0], sizes = [64, 64], strides = [1, 1]} : vector<1024x64xf32> to vector<64x64xf32>
    %slice3A_1119 = vector.extract_strided_slice %add3A_1003 {offsets = [768, 0], sizes = [64, 64], strides = [1, 1]} : vector<1024x64xf32> to vector<64x64xf32>
    %slice3A_1120 = vector.extract_strided_slice %add3A_1010 {offsets = [768, 0], sizes = [64, 64], strides = [1, 1]} : vector<1024x64xf32> to vector<64x64xf32>
    %slice3A_1121 = vector.extract_strided_slice %add3A_1017 {offsets = [768, 0], sizes = [64, 64], strides = [1, 1]} : vector<1024x64xf32> to vector<64x64xf32>
    %slice3A_1122 = vector.extract_strided_slice %add3A_968 {offsets = [832, 0], sizes = [64, 64], strides = [1, 1]} : vector<1024x64xf32> to vector<64x64xf32>
    %slice3A_1123 = vector.extract_strided_slice %add3A_975 {offsets = [832, 0], sizes = [64, 64], strides = [1, 1]} : vector<1024x64xf32> to vector<64x64xf32>
    %slice3A_1124 = vector.extract_strided_slice %add3A_982 {offsets = [832, 0], sizes = [64, 64], strides = [1, 1]} : vector<1024x64xf32> to vector<64x64xf32>
    %slice3A_1125 = vector.extract_strided_slice %add3A_989 {offsets = [832, 0], sizes = [64, 64], strides = [1, 1]} : vector<1024x64xf32> to vector<64x64xf32>
    %slice3A_1126 = vector.extract_strided_slice %add3A_996 {offsets = [832, 0], sizes = [64, 64], strides = [1, 1]} : vector<1024x64xf32> to vector<64x64xf32>
    %slice3A_1127 = vector.extract_strided_slice %add3A_1003 {offsets = [832, 0], sizes = [64, 64], strides = [1, 1]} : vector<1024x64xf32> to vector<64x64xf32>
    %slice3A_1128 = vector.extract_strided_slice %add3A_1010 {offsets = [832, 0], sizes = [64, 64], strides = [1, 1]} : vector<1024x64xf32> to vector<64x64xf32>
    %slice3A_1129 = vector.extract_strided_slice %add3A_1017 {offsets = [832, 0], sizes = [64, 64], strides = [1, 1]} : vector<1024x64xf32> to vector<64x64xf32>
    %slice3A_1130 = vector.extract_strided_slice %add3A_968 {offsets = [896, 0], sizes = [64, 64], strides = [1, 1]} : vector<1024x64xf32> to vector<64x64xf32>
    %slice3A_1131 = vector.extract_strided_slice %add3A_975 {offsets = [896, 0], sizes = [64, 64], strides = [1, 1]} : vector<1024x64xf32> to vector<64x64xf32>
    %slice3A_1132 = vector.extract_strided_slice %add3A_982 {offsets = [896, 0], sizes = [64, 64], strides = [1, 1]} : vector<1024x64xf32> to vector<64x64xf32>
    %slice3A_1133 = vector.extract_strided_slice %add3A_989 {offsets = [896, 0], sizes = [64, 64], strides = [1, 1]} : vector<1024x64xf32> to vector<64x64xf32>
    %slice3A_1134 = vector.extract_strided_slice %add3A_996 {offsets = [896, 0], sizes = [64, 64], strides = [1, 1]} : vector<1024x64xf32> to vector<64x64xf32>
    %slice3A_1135 = vector.extract_strided_slice %add3A_1003 {offsets = [896, 0], sizes = [64, 64], strides = [1, 1]} : vector<1024x64xf32> to vector<64x64xf32>
    %slice3A_1136 = vector.extract_strided_slice %add3A_1010 {offsets = [896, 0], sizes = [64, 64], strides = [1, 1]} : vector<1024x64xf32> to vector<64x64xf32>
    %slice3A_1137 = vector.extract_strided_slice %add3A_1017 {offsets = [896, 0], sizes = [64, 64], strides = [1, 1]} : vector<1024x64xf32> to vector<64x64xf32>
    %slice3A_1138 = vector.extract_strided_slice %add3A_968 {offsets = [960, 0], sizes = [64, 64], strides = [1, 1]} : vector<1024x64xf32> to vector<64x64xf32>
    %slice3A_1139 = vector.extract_strided_slice %add3A_975 {offsets = [960, 0], sizes = [64, 64], strides = [1, 1]} : vector<1024x64xf32> to vector<64x64xf32>
    %slice3A_1140 = vector.extract_strided_slice %add3A_982 {offsets = [960, 0], sizes = [64, 64], strides = [1, 1]} : vector<1024x64xf32> to vector<64x64xf32>
    %slice3A_1141 = vector.extract_strided_slice %add3A_989 {offsets = [960, 0], sizes = [64, 64], strides = [1, 1]} : vector<1024x64xf32> to vector<64x64xf32>
    %slice3A_1142 = vector.extract_strided_slice %add3A_996 {offsets = [960, 0], sizes = [64, 64], strides = [1, 1]} : vector<1024x64xf32> to vector<64x64xf32>
    %slice3A_1143 = vector.extract_strided_slice %add3A_1003 {offsets = [960, 0], sizes = [64, 64], strides = [1, 1]} : vector<1024x64xf32> to vector<64x64xf32>
    %slice3A_1144 = vector.extract_strided_slice %add3A_1010 {offsets = [960, 0], sizes = [64, 64], strides = [1, 1]} : vector<1024x64xf32> to vector<64x64xf32>
    %slice3A_1145 = vector.extract_strided_slice %add3A_1017 {offsets = [960, 0], sizes = [64, 64], strides = [1, 1]} : vector<1024x64xf32> to vector<64x64xf32>
    %concatenate3A_1146 = tpu.concatenate %slice3A_1018, %slice3A_1019, %slice3A_1020, %slice3A_1021, %slice3A_1022, %slice3A_1023, %slice3A_1024, %slice3A_1025, %slice3A_1026, %slice3A_1027, %slice3A_1028, %slice3A_1029, %slice3A_1030, %slice3A_1031, %slice3A_1032, %slice3A_1033, %slice3A_1034, %slice3A_1035, %slice3A_1036, %slice3A_1037, %slice3A_1038, %slice3A_1039, %slice3A_1040, %slice3A_1041, %slice3A_1042, %slice3A_1043, %slice3A_1044, %slice3A_1045, %slice3A_1046, %slice3A_1047, %slice3A_1048, %slice3A_1049, %slice3A_1050, %slice3A_1051, %slice3A_1052, %slice3A_1053, %slice3A_1054, %slice3A_1055, %slice3A_1056, %slice3A_1057, %slice3A_1058, %slice3A_1059, %slice3A_1060, %slice3A_1061, %slice3A_1062, %slice3A_1063, %slice3A_1064, %slice3A_1065, %slice3A_1066, %slice3A_1067, %slice3A_1068, %slice3A_1069, %slice3A_1070, %slice3A_1071, %slice3A_1072, %slice3A_1073, %slice3A_1074, %slice3A_1075, %slice3A_1076, %slice3A_1077, %slice3A_1078, %slice3A_1079, %slice3A_1080, %slice3A_1081, %slice3A_1082, %slice3A_1083, %slice3A_1084, %slice3A_1085, %slice3A_1086, %slice3A_1087, %slice3A_1088, %slice3A_1089, %slice3A_1090, %slice3A_1091, %slice3A_1092, %slice3A_1093, %slice3A_1094, %slice3A_1095, %slice3A_1096, %slice3A_1097, %slice3A_1098, %slice3A_1099, %slice3A_1100, %slice3A_1101, %slice3A_1102, %slice3A_1103, %slice3A_1104, %slice3A_1105, %slice3A_1106, %slice3A_1107, %slice3A_1108, %slice3A_1109, %slice3A_1110, %slice3A_1111, %slice3A_1112, %slice3A_1113, %slice3A_1114, %slice3A_1115, %slice3A_1116, %slice3A_1117, %slice3A_1118, %slice3A_1119, %slice3A_1120, %slice3A_1121, %slice3A_1122, %slice3A_1123, %slice3A_1124, %slice3A_1125, %slice3A_1126, %slice3A_1127, %slice3A_1128, %slice3A_1129, %slice3A_1130, %slice3A_1131, %slice3A_1132, %slice3A_1133, %slice3A_1134, %slice3A_1135, %slice3A_1136, %slice3A_1137, %slice3A_1138, %slice3A_1139, %slice3A_1140, %slice3A_1141, %slice3A_1142, %slice3A_1143, %slice3A_1144, %slice3A_1145 in 0 : vector<64x64xf32>, vector<64x64xf32>, vector<64x64xf32>, vector<64x64xf32>, vector<64x64xf32>, vector<64x64xf32>, vector<64x64xf32>, vector<64x64xf32>, vector<64x64xf32>, vector<64x64xf32>, vector<64x64xf32>, vector<64x64xf32>, vector<64x64xf32>, vector<64x64xf32>, vector<64x64xf32>, vector<64x64xf32>, vector<64x64xf32>, vector<64x64xf32>, vector<64x64xf32>, vector<64x64xf32>, vector<64x64xf32>, vector<64x64xf32>, vector<64x64xf32>, vector<64x64xf32>, vector<64x64xf32>, vector<64x64xf32>, vector<64x64xf32>, vector<64x64xf32>, vector<64x64xf32>, vector<64x64xf32>, vector<64x64xf32>, vector<64x64xf32>, vector<64x64xf32>, vector<64x64xf32>, vector<64x64xf32>, vector<64x64xf32>, vector<64x64xf32>, vector<64x64xf32>, vector<64x64xf32>, vector<64x64xf32>, vector<64x64xf32>, vector<64x64xf32>, vector<64x64xf32>, vector<64x64xf32>, vector<64x64xf32>, vector<64x64xf32>, vector<64x64xf32>, vector<64x64xf32>, vector<64x64xf32>, vector<64x64xf32>, vector<64x64xf32>, vector<64x64xf32>, vector<64x64xf32>, vector<64x64xf32>, vector<64x64xf32>, vector<64x64xf32>, vector<64x64xf32>, vector<64x64xf32>, vector<64x64xf32>, vector<64x64xf32>, vector<64x64xf32>, vector<64x64xf32>, vector<64x64xf32>, vector<64x64xf32>, vector<64x64xf32>, vector<64x64xf32>, vector<64x64xf32>, vector<64x64xf32>, vector<64x64xf32>, vector<64x64xf32>, vector<64x64xf32>, vector<64x64xf32>, vector<64x64xf32>, vector<64x64xf32>, vector<64x64xf32>, vector<64x64xf32>, vector<64x64xf32>, vector<64x64xf32>, vector<64x64xf32>, vector<64x64xf32>, vector<64x64xf32>, vector<64x64xf32>, vector<64x64xf32>, vector<64x64xf32>, vector<64x64xf32>, vector<64x64xf32>, vector<64x64xf32>, vector<64x64xf32>, vector<64x64xf32>, vector<64x64xf32>, vector<64x64xf32>, vector<64x64xf32>, vector<64x64xf32>, vector<64x64xf32>, vector<64x64xf32>, vector<64x64xf32>, vector<64x64xf32>, vector<64x64xf32>, vector<64x64xf32>, vector<64x64xf32>, vector<64x64xf32>, vector<64x64xf32>, vector<64x64xf32>, vector<64x64xf32>, vector<64x64xf32>, vector<64x64xf32>, vector<64x64xf32>, vector<64x64xf32>, vector<64x64xf32>, vector<64x64xf32>, vector<64x64xf32>, vector<64x64xf32>, vector<64x64xf32>, vector<64x64xf32>, vector<64x64xf32>, vector<64x64xf32>, vector<64x64xf32>, vector<64x64xf32>, vector<64x64xf32>, vector<64x64xf32>, vector<64x64xf32>, vector<64x64xf32>, vector<64x64xf32>, vector<64x64xf32>, vector<64x64xf32>, vector<64x64xf32>, vector<64x64xf32>, vector<64x64xf32> -> vector<8192x64xf32>
    %concatenate3A_1147 = tpu.concatenate %dot_general3A_954, %dot_general3A_954, %dot_general3A_954, %dot_general3A_954, %dot_general3A_954, %dot_general3A_954, %dot_general3A_954, %dot_general3A_954, %dot_general3A_954, %dot_general3A_954, %dot_general3A_954, %dot_general3A_954, %dot_general3A_954, %dot_general3A_954, %dot_general3A_954, %dot_general3A_954 in 0 : vector<512x64xf32>, vector<512x64xf32>, vector<512x64xf32>, vector<512x64xf32>, vector<512x64xf32>, vector<512x64xf32>, vector<512x64xf32>, vector<512x64xf32>, vector<512x64xf32>, vector<512x64xf32>, vector<512x64xf32>, vector<512x64xf32>, vector<512x64xf32>, vector<512x64xf32>, vector<512x64xf32>, vector<512x64xf32> -> vector<8192x64xf32>
    %convert_element_type3A_1148 = arith.truncf %get3A_946 : vector<1x64xf32> to vector<1x64xbf16>
    %convert_element_type3A_1149 = arith.extf %convert_element_type3A_1148 : vector<1x64xbf16> to vector<1x64xf32>
    %mul3A_1150 = vector.broadcast %convert_element_type3A_784 : vector<4096x1xf32> to vector<4096x64xf32>
    %mul3A_1151 = vector.broadcast %convert_element_type3A_1149 : vector<1x64xf32> to vector<4096x64xf32>
    %mul3A_1152 = arith.mulf %mul3A_1150, %mul3A_1151 : vector<4096x64xf32>
    %mul3A_1153 = vector.broadcast %convert_element_type3A_787 : vector<4096x1xf32> to vector<4096x64xf32>
    %mul3A_1154 = vector.broadcast %convert_element_type3A_1149 : vector<1x64xf32> to vector<4096x64xf32>
    %mul3A_1155 = arith.mulf %mul3A_1153, %mul3A_1154 : vector<4096x64xf32>
    %concatenate3A_1156 = tpu.concatenate %mul3A_1152, %mul3A_1155 in 0 : vector<4096x64xf32>, vector<4096x64xf32> -> vector<8192x64xf32>
    %add3A_1157 = arith.addf %concatenate3A_1147, %concatenate3A_1146 : vector<8192x64xf32>
    %add3A_1158 = arith.addf %add3A_1157, %concatenate3A_1156 : vector<8192x64xf32>
    %add3A_1159 = vector.broadcast %get3A_949 : vector<1x64xf32> to vector<8192x64xf32>
    %add3A_1160 = arith.addf %add3A_1158, %add3A_1159 : vector<8192x64xf32>
    %neg3A = arith.constant 0.000000e+00 : f32
    %neg3A_1161 = vector.broadcast %neg3A : f32 to vector<8192x64xf32>
    %neg3A_1162 = arith.subf %neg3A_1161, %add3A_1160 : vector<8192x64xf32>
    %exp3A = math.exp %neg3A_1162 : vector<8192x64xf32>
    %add3A_1163 = arith.constant 1.000000e+00 : f32
    %add3A_1164 = vector.broadcast %add3A_1163 : f32 to vector<8192x64xf32>
    %add3A_1165 = arith.addf %add3A_1164, %exp3A : vector<8192x64xf32>
    %div3A_1166 = arith.divf %add3A_1160, %add3A_1165 : vector<8192x64xf32>
    %slice3A_1167 = vector.extract_strided_slice %div3A_1166 {offsets = [0, 0], sizes = [512, 64], strides = [1, 1]} : vector<8192x64xf32> to vector<512x64xf32>
    %slice3A_1168 = vector.extract_strided_slice %div3A_1166 {offsets = [512, 0], sizes = [512, 64], strides = [1, 1]} : vector<8192x64xf32> to vector<512x64xf32>
    %add3A_1169 = arith.addf %slice3A_1167, %slice3A_1168 : vector<512x64xf32>
    %slice3A_1170 = vector.extract_strided_slice %div3A_1166 {offsets = [1024, 0], sizes = [512, 64], strides = [1, 1]} : vector<8192x64xf32> to vector<512x64xf32>
    %add3A_1171 = arith.addf %add3A_1169, %slice3A_1170 : vector<512x64xf32>
    %slice3A_1172 = vector.extract_strided_slice %div3A_1166 {offsets = [1536, 0], sizes = [512, 64], strides = [1, 1]} : vector<8192x64xf32> to vector<512x64xf32>
    %add3A_1173 = arith.addf %add3A_1171, %slice3A_1172 : vector<512x64xf32>
    %slice3A_1174 = vector.extract_strided_slice %div3A_1166 {offsets = [2048, 0], sizes = [512, 64], strides = [1, 1]} : vector<8192x64xf32> to vector<512x64xf32>
    %add3A_1175 = arith.addf %add3A_1173, %slice3A_1174 : vector<512x64xf32>
    %slice3A_1176 = vector.extract_strided_slice %div3A_1166 {offsets = [2560, 0], sizes = [512, 64], strides = [1, 1]} : vector<8192x64xf32> to vector<512x64xf32>
    %add3A_1177 = arith.addf %add3A_1175, %slice3A_1176 : vector<512x64xf32>
    %slice3A_1178 = vector.extract_strided_slice %div3A_1166 {offsets = [3072, 0], sizes = [512, 64], strides = [1, 1]} : vector<8192x64xf32> to vector<512x64xf32>
    %add3A_1179 = arith.addf %add3A_1177, %slice3A_1178 : vector<512x64xf32>
    %slice3A_1180 = vector.extract_strided_slice %div3A_1166 {offsets = [3584, 0], sizes = [512, 64], strides = [1, 1]} : vector<8192x64xf32> to vector<512x64xf32>
    %add3A_1181 = arith.addf %add3A_1179, %slice3A_1180 : vector<512x64xf32>
    %slice3A_1182 = vector.extract_strided_slice %div3A_1166 {offsets = [4096, 0], sizes = [512, 64], strides = [1, 1]} : vector<8192x64xf32> to vector<512x64xf32>
    %add3A_1183 = arith.addf %add3A_1181, %slice3A_1182 : vector<512x64xf32>
    %slice3A_1184 = vector.extract_strided_slice %div3A_1166 {offsets = [4608, 0], sizes = [512, 64], strides = [1, 1]} : vector<8192x64xf32> to vector<512x64xf32>
    %add3A_1185 = arith.addf %add3A_1183, %slice3A_1184 : vector<512x64xf32>
    %slice3A_1186 = vector.extract_strided_slice %div3A_1166 {offsets = [5120, 0], sizes = [512, 64], strides = [1, 1]} : vector<8192x64xf32> to vector<512x64xf32>
    %add3A_1187 = arith.addf %add3A_1185, %slice3A_1186 : vector<512x64xf32>
    %slice3A_1188 = vector.extract_strided_slice %div3A_1166 {offsets = [5632, 0], sizes = [512, 64], strides = [1, 1]} : vector<8192x64xf32> to vector<512x64xf32>
    %add3A_1189 = arith.addf %add3A_1187, %slice3A_1188 : vector<512x64xf32>
    %slice3A_1190 = vector.extract_strided_slice %div3A_1166 {offsets = [6144, 0], sizes = [512, 64], strides = [1, 1]} : vector<8192x64xf32> to vector<512x64xf32>
    %add3A_1191 = arith.addf %add3A_1189, %slice3A_1190 : vector<512x64xf32>
    %slice3A_1192 = vector.extract_strided_slice %div3A_1166 {offsets = [6656, 0], sizes = [512, 64], strides = [1, 1]} : vector<8192x64xf32> to vector<512x64xf32>
    %add3A_1193 = arith.addf %add3A_1191, %slice3A_1192 : vector<512x64xf32>
    %slice3A_1194 = vector.extract_strided_slice %div3A_1166 {offsets = [7168, 0], sizes = [512, 64], strides = [1, 1]} : vector<8192x64xf32> to vector<512x64xf32>
    %add3A_1195 = arith.addf %add3A_1193, %slice3A_1194 : vector<512x64xf32>
    %slice3A_1196 = vector.extract_strided_slice %div3A_1166 {offsets = [7680, 0], sizes = [512, 64], strides = [1, 1]} : vector<8192x64xf32> to vector<512x64xf32>
    %add3A_1197 = arith.addf %add3A_1195, %slice3A_1196 : vector<512x64xf32>
    %convert_element_type3A_1198 = arith.truncf %reshape3A_931 : vector<512x64xf32> to vector<512x64xbf16>
    %convert_element_type3A_1199 = arith.extf %convert_element_type3A_1198 : vector<512x64xbf16> to vector<512x64xf32>
    %get3A_1200 = arith.constant 0 : index
    %get3A_1201 = arith.constant 0 : index
    %get3A_1202 = arith.constant 0 : index
    %get3A_1203 = vector.load %arg7[%get3A_1200, %get3A_1201, %get3A_1202] : memref<3x128x64xf32, #tpu.memory_space<vmem>>, vector<1x64x64xf32>
    %get3A_1204 = vector.shape_cast %get3A_1203 : vector<1x64x64xf32> to vector<64x64xf32>
    %convert_element_type3A_1205 = arith.truncf %get3A_1204 : vector<64x64xf32> to vector<64x64xbf16>
    %convert_element_type3A_1206 = arith.extf %convert_element_type3A_1205 : vector<64x64xbf16> to vector<64x64xf32>
    %dot_general3A_1207 = arith.constant dense<0.000000e+00> : vector<512x64xf32>
    %dot_general3A_1208 = tpu.matmul %convert_element_type3A_1199, %convert_element_type3A_1206, %dot_general3A_1207 {dimension_numbers = #tpu.dot_dimension_numbers<[1], [0], [0], [1], [0, 0, 1, 1], [], []>, transpose_lhs_hint = false} : vector<512x64xf32>, vector<64x64xf32>, vector<512x64xf32> -> vector<512x64xf32>
    %convert_element_type3A_1209 = arith.truncf %add3A_1197 : vector<512x64xf32> to vector<512x64xbf16>
    %convert_element_type3A_1210 = arith.extf %convert_element_type3A_1209 : vector<512x64xbf16> to vector<512x64xf32>
    %get3A_1211 = arith.constant 0 : index
    %get3A_1212 = arith.constant 64 : index
    %get3A_1213 = arith.constant 0 : index
    %get3A_1214 = vector.load %arg7[%get3A_1211, %get3A_1212, %get3A_1213] : memref<3x128x64xf32, #tpu.memory_space<vmem>>, vector<1x64x64xf32>
    %get3A_1215 = vector.shape_cast %get3A_1214 : vector<1x64x64xf32> to vector<64x64xf32>
    %convert_element_type3A_1216 = arith.truncf %get3A_1215 : vector<64x64xf32> to vector<64x64xbf16>
    %convert_element_type3A_1217 = arith.extf %convert_element_type3A_1216 : vector<64x64xbf16> to vector<64x64xf32>
    %dot_general3A_1218 = arith.constant dense<0.000000e+00> : vector<512x64xf32>
    %dot_general3A_1219 = tpu.matmul %convert_element_type3A_1210, %convert_element_type3A_1217, %dot_general3A_1218 {dimension_numbers = #tpu.dot_dimension_numbers<[1], [0], [0], [1], [0, 0, 1, 1], [], []>, transpose_lhs_hint = false} : vector<512x64xf32>, vector<64x64xf32>, vector<512x64xf32> -> vector<512x64xf32>
    %add3A_1220 = arith.addf %dot_general3A_1208, %dot_general3A_1219 : vector<512x64xf32>
    %get3A_1221 = arith.constant 0 : index
    %get3A_1222 = arith.constant 0 : index
    %get3A_1223 = vector.load %arg8[%get3A_1221, %get3A_1222] : memref<3x64xf32, #tpu.memory_space<vmem>>, vector<1x64xf32>
    %add3A_1224 = vector.broadcast %get3A_1223 : vector<1x64xf32> to vector<512x64xf32>
    %add3A_1225 = arith.addf %add3A_1220, %add3A_1224 : vector<512x64xf32>
    %neg3A_1226 = arith.constant 0.000000e+00 : f32
    %neg3A_1227 = vector.broadcast %neg3A_1226 : f32 to vector<512x64xf32>
    %neg3A_1228 = arith.subf %neg3A_1227, %add3A_1225 : vector<512x64xf32>
    %exp3A_1229 = math.exp %neg3A_1228 : vector<512x64xf32>
    %add3A_1230 = arith.constant 1.000000e+00 : f32
    %add3A_1231 = vector.broadcast %add3A_1230 : f32 to vector<512x64xf32>
    %add3A_1232 = arith.addf %add3A_1231, %exp3A_1229 : vector<512x64xf32>
    %div3A_1233 = arith.divf %add3A_1225, %add3A_1232 : vector<512x64xf32>
    %add3A_1234 = arith.addf %reshape3A_931, %div3A_1233 : vector<512x64xf32>
    %get3A_1235 = arith.constant 1 : index
    %get3A_1236 = arith.constant 0 : index
    %get3A_1237 = arith.constant 0 : index
    %get3A_1238 = vector.load %arg5[%get3A_1235, %get3A_1236, %get3A_1237] : memref<3x129x64xf32, #tpu.memory_space<vmem>>, vector<1x64x64xf32>
    %get3A_1239 = vector.shape_cast %get3A_1238 : vector<1x64x64xf32> to vector<64x64xf32>
    %get3A_1240 = arith.constant 1 : index
    %get3A_1241 = arith.constant 64 : index
    %get3A_1242 = arith.constant 0 : index
    %get3A_1243 = vector.load %arg5[%get3A_1240, %get3A_1241, %get3A_1242] : memref<3x129x64xf32, #tpu.memory_space<vmem>>, vector<1x64x64xf32>
    %get3A_1244 = vector.shape_cast %get3A_1243 : vector<1x64x64xf32> to vector<64x64xf32>
    %get3A_1245 = arith.constant 1 : index
    %get3A_1246 = arith.constant 128 : index
    %get3A_1247 = arith.constant 0 : index
    %get3A_1248 = vector.load %arg5[%get3A_1245, %get3A_1246, %get3A_1247] : memref<3x129x64xf32, #tpu.memory_space<vmem>>, vector<1x1x64xf32>
    %get3A_1249 = vector.shape_cast %get3A_1248 : vector<1x1x64xf32> to vector<1x64xf32>
    %get3A_1250 = arith.constant 1 : index
    %get3A_1251 = arith.constant 0 : index
    %get3A_1252 = vector.load %arg6[%get3A_1250, %get3A_1251] : memref<3x64xf32, #tpu.memory_space<vmem>>, vector<1x64xf32>
    %convert_element_type3A_1253 = arith.truncf %add3A_1234 : vector<512x64xf32> to vector<512x64xbf16>
    %convert_element_type3A_1254 = arith.extf %convert_element_type3A_1253 : vector<512x64xbf16> to vector<512x64xf32>
    %convert_element_type3A_1255 = arith.truncf %get3A_1239 : vector<64x64xf32> to vector<64x64xbf16>
    %convert_element_type3A_1256 = arith.extf %convert_element_type3A_1255 : vector<64x64xbf16> to vector<64x64xf32>
    %dot_general3A_1257 = arith.constant dense<0.000000e+00> : vector<512x64xf32>
    %dot_general3A_1258 = tpu.matmul %convert_element_type3A_1254, %convert_element_type3A_1256, %dot_general3A_1257 {dimension_numbers = #tpu.dot_dimension_numbers<[1], [0], [0], [1], [0, 0, 1, 1], [], []>, transpose_lhs_hint = false} : vector<512x64xf32>, vector<64x64xf32>, vector<512x64xf32> -> vector<512x64xf32>
    %convert_element_type3A_1259 = arith.truncf %get3A_1244 : vector<64x64xf32> to vector<64x64xbf16>
    %convert_element_type3A_1260 = arith.extf %convert_element_type3A_1259 : vector<64x64xbf16> to vector<64x64xf32>
    %dot_general3A_1261 = arith.constant dense<0.000000e+00> : vector<512x64xf32>
    %dot_general3A_1262 = tpu.matmul %convert_element_type3A_1254, %convert_element_type3A_1260, %dot_general3A_1261 {dimension_numbers = #tpu.dot_dimension_numbers<[1], [0], [0], [1], [0, 0, 1, 1], [], []>, transpose_lhs_hint = false} : vector<512x64xf32>, vector<64x64xf32>, vector<512x64xf32> -> vector<512x64xf32>
    %convert_element_type3A_1263 = arith.truncf %dot_general3A_1262 : vector<512x64xf32> to vector<512x64xbf16>
    %convert_element_type3A_1264 = arith.extf %convert_element_type3A_1263 : vector<512x64xbf16> to vector<512x64xf32>
    %sub3A_1265 = arith.subf %dot_general3A_1262, %convert_element_type3A_1264 : vector<512x64xf32>
    %slice3A_1266 = vector.extract_strided_slice %convert_element_type3A_1264 {offsets = [0, 0], sizes = [64, 64], strides = [1, 1]} : vector<512x64xf32> to vector<64x64xf32>
    %dot_general3A_1267 = arith.constant dense<0.000000e+00> : vector<1024x64xf32>
    %dot_general3A_1268 = tpu.matmul %concatenate3A_807, %slice3A_1266, %dot_general3A_1267 {dimension_numbers = #tpu.dot_dimension_numbers<[1], [0], [0], [1], [0, 0, 1, 1], [], []>, transpose_lhs_hint = false} : vector<1024x64xf32>, vector<64x64xf32>, vector<1024x64xf32> -> vector<1024x64xf32>
    %slice3A_1269 = vector.extract_strided_slice %sub3A_1265 {offsets = [0, 0], sizes = [64, 64], strides = [1, 1]} : vector<512x64xf32> to vector<64x64xf32>
    %dot_general3A_1270 = arith.constant dense<0.000000e+00> : vector<1024x64xf32>
    %dot_general3A_1271 = tpu.matmul %concatenate3A_807, %slice3A_1269, %dot_general3A_1270 {dimension_numbers = #tpu.dot_dimension_numbers<[1], [0], [0], [1], [0, 0, 1, 1], [], []>, transpose_lhs_hint = false} : vector<1024x64xf32>, vector<64x64xf32>, vector<1024x64xf32> -> vector<1024x64xf32>
    %add3A_1272 = arith.addf %dot_general3A_1268, %dot_general3A_1271 : vector<1024x64xf32>
    %slice3A_1273 = vector.extract_strided_slice %convert_element_type3A_1264 {offsets = [64, 0], sizes = [64, 64], strides = [1, 1]} : vector<512x64xf32> to vector<64x64xf32>
    %dot_general3A_1274 = arith.constant dense<0.000000e+00> : vector<1024x64xf32>
    %dot_general3A_1275 = tpu.matmul %concatenate3A_824, %slice3A_1273, %dot_general3A_1274 {dimension_numbers = #tpu.dot_dimension_numbers<[1], [0], [0], [1], [0, 0, 1, 1], [], []>, transpose_lhs_hint = false} : vector<1024x64xf32>, vector<64x64xf32>, vector<1024x64xf32> -> vector<1024x64xf32>
    %slice3A_1276 = vector.extract_strided_slice %sub3A_1265 {offsets = [64, 0], sizes = [64, 64], strides = [1, 1]} : vector<512x64xf32> to vector<64x64xf32>
    %dot_general3A_1277 = arith.constant dense<0.000000e+00> : vector<1024x64xf32>
    %dot_general3A_1278 = tpu.matmul %concatenate3A_824, %slice3A_1276, %dot_general3A_1277 {dimension_numbers = #tpu.dot_dimension_numbers<[1], [0], [0], [1], [0, 0, 1, 1], [], []>, transpose_lhs_hint = false} : vector<1024x64xf32>, vector<64x64xf32>, vector<1024x64xf32> -> vector<1024x64xf32>
    %add3A_1279 = arith.addf %dot_general3A_1275, %dot_general3A_1278 : vector<1024x64xf32>
    %slice3A_1280 = vector.extract_strided_slice %convert_element_type3A_1264 {offsets = [128, 0], sizes = [64, 64], strides = [1, 1]} : vector<512x64xf32> to vector<64x64xf32>
    %dot_general3A_1281 = arith.constant dense<0.000000e+00> : vector<1024x64xf32>
    %dot_general3A_1282 = tpu.matmul %concatenate3A_841, %slice3A_1280, %dot_general3A_1281 {dimension_numbers = #tpu.dot_dimension_numbers<[1], [0], [0], [1], [0, 0, 1, 1], [], []>, transpose_lhs_hint = false} : vector<1024x64xf32>, vector<64x64xf32>, vector<1024x64xf32> -> vector<1024x64xf32>
    %slice3A_1283 = vector.extract_strided_slice %sub3A_1265 {offsets = [128, 0], sizes = [64, 64], strides = [1, 1]} : vector<512x64xf32> to vector<64x64xf32>
    %dot_general3A_1284 = arith.constant dense<0.000000e+00> : vector<1024x64xf32>
    %dot_general3A_1285 = tpu.matmul %concatenate3A_841, %slice3A_1283, %dot_general3A_1284 {dimension_numbers = #tpu.dot_dimension_numbers<[1], [0], [0], [1], [0, 0, 1, 1], [], []>, transpose_lhs_hint = false} : vector<1024x64xf32>, vector<64x64xf32>, vector<1024x64xf32> -> vector<1024x64xf32>
    %add3A_1286 = arith.addf %dot_general3A_1282, %dot_general3A_1285 : vector<1024x64xf32>
    %slice3A_1287 = vector.extract_strided_slice %convert_element_type3A_1264 {offsets = [192, 0], sizes = [64, 64], strides = [1, 1]} : vector<512x64xf32> to vector<64x64xf32>
    %dot_general3A_1288 = arith.constant dense<0.000000e+00> : vector<1024x64xf32>
    %dot_general3A_1289 = tpu.matmul %concatenate3A_858, %slice3A_1287, %dot_general3A_1288 {dimension_numbers = #tpu.dot_dimension_numbers<[1], [0], [0], [1], [0, 0, 1, 1], [], []>, transpose_lhs_hint = false} : vector<1024x64xf32>, vector<64x64xf32>, vector<1024x64xf32> -> vector<1024x64xf32>
    %slice3A_1290 = vector.extract_strided_slice %sub3A_1265 {offsets = [192, 0], sizes = [64, 64], strides = [1, 1]} : vector<512x64xf32> to vector<64x64xf32>
    %dot_general3A_1291 = arith.constant dense<0.000000e+00> : vector<1024x64xf32>
    %dot_general3A_1292 = tpu.matmul %concatenate3A_858, %slice3A_1290, %dot_general3A_1291 {dimension_numbers = #tpu.dot_dimension_numbers<[1], [0], [0], [1], [0, 0, 1, 1], [], []>, transpose_lhs_hint = false} : vector<1024x64xf32>, vector<64x64xf32>, vector<1024x64xf32> -> vector<1024x64xf32>
    %add3A_1293 = arith.addf %dot_general3A_1289, %dot_general3A_1292 : vector<1024x64xf32>
    %slice3A_1294 = vector.extract_strided_slice %convert_element_type3A_1264 {offsets = [256, 0], sizes = [64, 64], strides = [1, 1]} : vector<512x64xf32> to vector<64x64xf32>
    %dot_general3A_1295 = arith.constant dense<0.000000e+00> : vector<1024x64xf32>
    %dot_general3A_1296 = tpu.matmul %concatenate3A_875, %slice3A_1294, %dot_general3A_1295 {dimension_numbers = #tpu.dot_dimension_numbers<[1], [0], [0], [1], [0, 0, 1, 1], [], []>, transpose_lhs_hint = false} : vector<1024x64xf32>, vector<64x64xf32>, vector<1024x64xf32> -> vector<1024x64xf32>
    %slice3A_1297 = vector.extract_strided_slice %sub3A_1265 {offsets = [256, 0], sizes = [64, 64], strides = [1, 1]} : vector<512x64xf32> to vector<64x64xf32>
    %dot_general3A_1298 = arith.constant dense<0.000000e+00> : vector<1024x64xf32>
    %dot_general3A_1299 = tpu.matmul %concatenate3A_875, %slice3A_1297, %dot_general3A_1298 {dimension_numbers = #tpu.dot_dimension_numbers<[1], [0], [0], [1], [0, 0, 1, 1], [], []>, transpose_lhs_hint = false} : vector<1024x64xf32>, vector<64x64xf32>, vector<1024x64xf32> -> vector<1024x64xf32>
    %add3A_1300 = arith.addf %dot_general3A_1296, %dot_general3A_1299 : vector<1024x64xf32>
    %slice3A_1301 = vector.extract_strided_slice %convert_element_type3A_1264 {offsets = [320, 0], sizes = [64, 64], strides = [1, 1]} : vector<512x64xf32> to vector<64x64xf32>
    %dot_general3A_1302 = arith.constant dense<0.000000e+00> : vector<1024x64xf32>
    %dot_general3A_1303 = tpu.matmul %concatenate3A_892, %slice3A_1301, %dot_general3A_1302 {dimension_numbers = #tpu.dot_dimension_numbers<[1], [0], [0], [1], [0, 0, 1, 1], [], []>, transpose_lhs_hint = false} : vector<1024x64xf32>, vector<64x64xf32>, vector<1024x64xf32> -> vector<1024x64xf32>
    %slice3A_1304 = vector.extract_strided_slice %sub3A_1265 {offsets = [320, 0], sizes = [64, 64], strides = [1, 1]} : vector<512x64xf32> to vector<64x64xf32>
    %dot_general3A_1305 = arith.constant dense<0.000000e+00> : vector<1024x64xf32>
    %dot_general3A_1306 = tpu.matmul %concatenate3A_892, %slice3A_1304, %dot_general3A_1305 {dimension_numbers = #tpu.dot_dimension_numbers<[1], [0], [0], [1], [0, 0, 1, 1], [], []>, transpose_lhs_hint = false} : vector<1024x64xf32>, vector<64x64xf32>, vector<1024x64xf32> -> vector<1024x64xf32>
    %add3A_1307 = arith.addf %dot_general3A_1303, %dot_general3A_1306 : vector<1024x64xf32>
    %slice3A_1308 = vector.extract_strided_slice %convert_element_type3A_1264 {offsets = [384, 0], sizes = [64, 64], strides = [1, 1]} : vector<512x64xf32> to vector<64x64xf32>
    %dot_general3A_1309 = arith.constant dense<0.000000e+00> : vector<1024x64xf32>
    %dot_general3A_1310 = tpu.matmul %concatenate3A_909, %slice3A_1308, %dot_general3A_1309 {dimension_numbers = #tpu.dot_dimension_numbers<[1], [0], [0], [1], [0, 0, 1, 1], [], []>, transpose_lhs_hint = false} : vector<1024x64xf32>, vector<64x64xf32>, vector<1024x64xf32> -> vector<1024x64xf32>
    %slice3A_1311 = vector.extract_strided_slice %sub3A_1265 {offsets = [384, 0], sizes = [64, 64], strides = [1, 1]} : vector<512x64xf32> to vector<64x64xf32>
    %dot_general3A_1312 = arith.constant dense<0.000000e+00> : vector<1024x64xf32>
    %dot_general3A_1313 = tpu.matmul %concatenate3A_909, %slice3A_1311, %dot_general3A_1312 {dimension_numbers = #tpu.dot_dimension_numbers<[1], [0], [0], [1], [0, 0, 1, 1], [], []>, transpose_lhs_hint = false} : vector<1024x64xf32>, vector<64x64xf32>, vector<1024x64xf32> -> vector<1024x64xf32>
    %add3A_1314 = arith.addf %dot_general3A_1310, %dot_general3A_1313 : vector<1024x64xf32>
    %slice3A_1315 = vector.extract_strided_slice %convert_element_type3A_1264 {offsets = [448, 0], sizes = [64, 64], strides = [1, 1]} : vector<512x64xf32> to vector<64x64xf32>
    %dot_general3A_1316 = arith.constant dense<0.000000e+00> : vector<1024x64xf32>
    %dot_general3A_1317 = tpu.matmul %concatenate3A_926, %slice3A_1315, %dot_general3A_1316 {dimension_numbers = #tpu.dot_dimension_numbers<[1], [0], [0], [1], [0, 0, 1, 1], [], []>, transpose_lhs_hint = false} : vector<1024x64xf32>, vector<64x64xf32>, vector<1024x64xf32> -> vector<1024x64xf32>
    %slice3A_1318 = vector.extract_strided_slice %sub3A_1265 {offsets = [448, 0], sizes = [64, 64], strides = [1, 1]} : vector<512x64xf32> to vector<64x64xf32>
    %dot_general3A_1319 = arith.constant dense<0.000000e+00> : vector<1024x64xf32>
    %dot_general3A_1320 = tpu.matmul %concatenate3A_926, %slice3A_1318, %dot_general3A_1319 {dimension_numbers = #tpu.dot_dimension_numbers<[1], [0], [0], [1], [0, 0, 1, 1], [], []>, transpose_lhs_hint = false} : vector<1024x64xf32>, vector<64x64xf32>, vector<1024x64xf32> -> vector<1024x64xf32>
    %add3A_1321 = arith.addf %dot_general3A_1317, %dot_general3A_1320 : vector<1024x64xf32>
    %slice3A_1322 = vector.extract_strided_slice %add3A_1272 {offsets = [0, 0], sizes = [64, 64], strides = [1, 1]} : vector<1024x64xf32> to vector<64x64xf32>
    %slice3A_1323 = vector.extract_strided_slice %add3A_1279 {offsets = [0, 0], sizes = [64, 64], strides = [1, 1]} : vector<1024x64xf32> to vector<64x64xf32>
    %slice3A_1324 = vector.extract_strided_slice %add3A_1286 {offsets = [0, 0], sizes = [64, 64], strides = [1, 1]} : vector<1024x64xf32> to vector<64x64xf32>
    %slice3A_1325 = vector.extract_strided_slice %add3A_1293 {offsets = [0, 0], sizes = [64, 64], strides = [1, 1]} : vector<1024x64xf32> to vector<64x64xf32>
    %slice3A_1326 = vector.extract_strided_slice %add3A_1300 {offsets = [0, 0], sizes = [64, 64], strides = [1, 1]} : vector<1024x64xf32> to vector<64x64xf32>
    %slice3A_1327 = vector.extract_strided_slice %add3A_1307 {offsets = [0, 0], sizes = [64, 64], strides = [1, 1]} : vector<1024x64xf32> to vector<64x64xf32>
    %slice3A_1328 = vector.extract_strided_slice %add3A_1314 {offsets = [0, 0], sizes = [64, 64], strides = [1, 1]} : vector<1024x64xf32> to vector<64x64xf32>
    %slice3A_1329 = vector.extract_strided_slice %add3A_1321 {offsets = [0, 0], sizes = [64, 64], strides = [1, 1]} : vector<1024x64xf32> to vector<64x64xf32>
    %slice3A_1330 = vector.extract_strided_slice %add3A_1272 {offsets = [64, 0], sizes = [64, 64], strides = [1, 1]} : vector<1024x64xf32> to vector<64x64xf32>
    %slice3A_1331 = vector.extract_strided_slice %add3A_1279 {offsets = [64, 0], sizes = [64, 64], strides = [1, 1]} : vector<1024x64xf32> to vector<64x64xf32>
    %slice3A_1332 = vector.extract_strided_slice %add3A_1286 {offsets = [64, 0], sizes = [64, 64], strides = [1, 1]} : vector<1024x64xf32> to vector<64x64xf32>
    %slice3A_1333 = vector.extract_strided_slice %add3A_1293 {offsets = [64, 0], sizes = [64, 64], strides = [1, 1]} : vector<1024x64xf32> to vector<64x64xf32>
    %slice3A_1334 = vector.extract_strided_slice %add3A_1300 {offsets = [64, 0], sizes = [64, 64], strides = [1, 1]} : vector<1024x64xf32> to vector<64x64xf32>
    %slice3A_1335 = vector.extract_strided_slice %add3A_1307 {offsets = [64, 0], sizes = [64, 64], strides = [1, 1]} : vector<1024x64xf32> to vector<64x64xf32>
    %slice3A_1336 = vector.extract_strided_slice %add3A_1314 {offsets = [64, 0], sizes = [64, 64], strides = [1, 1]} : vector<1024x64xf32> to vector<64x64xf32>
    %slice3A_1337 = vector.extract_strided_slice %add3A_1321 {offsets = [64, 0], sizes = [64, 64], strides = [1, 1]} : vector<1024x64xf32> to vector<64x64xf32>
    %slice3A_1338 = vector.extract_strided_slice %add3A_1272 {offsets = [128, 0], sizes = [64, 64], strides = [1, 1]} : vector<1024x64xf32> to vector<64x64xf32>
    %slice3A_1339 = vector.extract_strided_slice %add3A_1279 {offsets = [128, 0], sizes = [64, 64], strides = [1, 1]} : vector<1024x64xf32> to vector<64x64xf32>
    %slice3A_1340 = vector.extract_strided_slice %add3A_1286 {offsets = [128, 0], sizes = [64, 64], strides = [1, 1]} : vector<1024x64xf32> to vector<64x64xf32>
    %slice3A_1341 = vector.extract_strided_slice %add3A_1293 {offsets = [128, 0], sizes = [64, 64], strides = [1, 1]} : vector<1024x64xf32> to vector<64x64xf32>
    %slice3A_1342 = vector.extract_strided_slice %add3A_1300 {offsets = [128, 0], sizes = [64, 64], strides = [1, 1]} : vector<1024x64xf32> to vector<64x64xf32>
    %slice3A_1343 = vector.extract_strided_slice %add3A_1307 {offsets = [128, 0], sizes = [64, 64], strides = [1, 1]} : vector<1024x64xf32> to vector<64x64xf32>
    %slice3A_1344 = vector.extract_strided_slice %add3A_1314 {offsets = [128, 0], sizes = [64, 64], strides = [1, 1]} : vector<1024x64xf32> to vector<64x64xf32>
    %slice3A_1345 = vector.extract_strided_slice %add3A_1321 {offsets = [128, 0], sizes = [64, 64], strides = [1, 1]} : vector<1024x64xf32> to vector<64x64xf32>
    %slice3A_1346 = vector.extract_strided_slice %add3A_1272 {offsets = [192, 0], sizes = [64, 64], strides = [1, 1]} : vector<1024x64xf32> to vector<64x64xf32>
    %slice3A_1347 = vector.extract_strided_slice %add3A_1279 {offsets = [192, 0], sizes = [64, 64], strides = [1, 1]} : vector<1024x64xf32> to vector<64x64xf32>
    %slice3A_1348 = vector.extract_strided_slice %add3A_1286 {offsets = [192, 0], sizes = [64, 64], strides = [1, 1]} : vector<1024x64xf32> to vector<64x64xf32>
    %slice3A_1349 = vector.extract_strided_slice %add3A_1293 {offsets = [192, 0], sizes = [64, 64], strides = [1, 1]} : vector<1024x64xf32> to vector<64x64xf32>
    %slice3A_1350 = vector.extract_strided_slice %add3A_1300 {offsets = [192, 0], sizes = [64, 64], strides = [1, 1]} : vector<1024x64xf32> to vector<64x64xf32>
    %slice3A_1351 = vector.extract_strided_slice %add3A_1307 {offsets = [192, 0], sizes = [64, 64], strides = [1, 1]} : vector<1024x64xf32> to vector<64x64xf32>
    %slice3A_1352 = vector.extract_strided_slice %add3A_1314 {offsets = [192, 0], sizes = [64, 64], strides = [1, 1]} : vector<1024x64xf32> to vector<64x64xf32>
    %slice3A_1353 = vector.extract_strided_slice %add3A_1321 {offsets = [192, 0], sizes = [64, 64], strides = [1, 1]} : vector<1024x64xf32> to vector<64x64xf32>
    %slice3A_1354 = vector.extract_strided_slice %add3A_1272 {offsets = [256, 0], sizes = [64, 64], strides = [1, 1]} : vector<1024x64xf32> to vector<64x64xf32>
    %slice3A_1355 = vector.extract_strided_slice %add3A_1279 {offsets = [256, 0], sizes = [64, 64], strides = [1, 1]} : vector<1024x64xf32> to vector<64x64xf32>
    %slice3A_1356 = vector.extract_strided_slice %add3A_1286 {offsets = [256, 0], sizes = [64, 64], strides = [1, 1]} : vector<1024x64xf32> to vector<64x64xf32>
    %slice3A_1357 = vector.extract_strided_slice %add3A_1293 {offsets = [256, 0], sizes = [64, 64], strides = [1, 1]} : vector<1024x64xf32> to vector<64x64xf32>
    %slice3A_1358 = vector.extract_strided_slice %add3A_1300 {offsets = [256, 0], sizes = [64, 64], strides = [1, 1]} : vector<1024x64xf32> to vector<64x64xf32>
    %slice3A_1359 = vector.extract_strided_slice %add3A_1307 {offsets = [256, 0], sizes = [64, 64], strides = [1, 1]} : vector<1024x64xf32> to vector<64x64xf32>
    %slice3A_1360 = vector.extract_strided_slice %add3A_1314 {offsets = [256, 0], sizes = [64, 64], strides = [1, 1]} : vector<1024x64xf32> to vector<64x64xf32>
    %slice3A_1361 = vector.extract_strided_slice %add3A_1321 {offsets = [256, 0], sizes = [64, 64], strides = [1, 1]} : vector<1024x64xf32> to vector<64x64xf32>
    %slice3A_1362 = vector.extract_strided_slice %add3A_1272 {offsets = [320, 0], sizes = [64, 64], strides = [1, 1]} : vector<1024x64xf32> to vector<64x64xf32>
    %slice3A_1363 = vector.extract_strided_slice %add3A_1279 {offsets = [320, 0], sizes = [64, 64], strides = [1, 1]} : vector<1024x64xf32> to vector<64x64xf32>
    %slice3A_1364 = vector.extract_strided_slice %add3A_1286 {offsets = [320, 0], sizes = [64, 64], strides = [1, 1]} : vector<1024x64xf32> to vector<64x64xf32>
    %slice3A_1365 = vector.extract_strided_slice %add3A_1293 {offsets = [320, 0], sizes = [64, 64], strides = [1, 1]} : vector<1024x64xf32> to vector<64x64xf32>
    %slice3A_1366 = vector.extract_strided_slice %add3A_1300 {offsets = [320, 0], sizes = [64, 64], strides = [1, 1]} : vector<1024x64xf32> to vector<64x64xf32>
    %slice3A_1367 = vector.extract_strided_slice %add3A_1307 {offsets = [320, 0], sizes = [64, 64], strides = [1, 1]} : vector<1024x64xf32> to vector<64x64xf32>
    %slice3A_1368 = vector.extract_strided_slice %add3A_1314 {offsets = [320, 0], sizes = [64, 64], strides = [1, 1]} : vector<1024x64xf32> to vector<64x64xf32>
    %slice3A_1369 = vector.extract_strided_slice %add3A_1321 {offsets = [320, 0], sizes = [64, 64], strides = [1, 1]} : vector<1024x64xf32> to vector<64x64xf32>
    %slice3A_1370 = vector.extract_strided_slice %add3A_1272 {offsets = [384, 0], sizes = [64, 64], strides = [1, 1]} : vector<1024x64xf32> to vector<64x64xf32>
    %slice3A_1371 = vector.extract_strided_slice %add3A_1279 {offsets = [384, 0], sizes = [64, 64], strides = [1, 1]} : vector<1024x64xf32> to vector<64x64xf32>
    %slice3A_1372 = vector.extract_strided_slice %add3A_1286 {offsets = [384, 0], sizes = [64, 64], strides = [1, 1]} : vector<1024x64xf32> to vector<64x64xf32>
    %slice3A_1373 = vector.extract_strided_slice %add3A_1293 {offsets = [384, 0], sizes = [64, 64], strides = [1, 1]} : vector<1024x64xf32> to vector<64x64xf32>
    %slice3A_1374 = vector.extract_strided_slice %add3A_1300 {offsets = [384, 0], sizes = [64, 64], strides = [1, 1]} : vector<1024x64xf32> to vector<64x64xf32>
    %slice3A_1375 = vector.extract_strided_slice %add3A_1307 {offsets = [384, 0], sizes = [64, 64], strides = [1, 1]} : vector<1024x64xf32> to vector<64x64xf32>
    %slice3A_1376 = vector.extract_strided_slice %add3A_1314 {offsets = [384, 0], sizes = [64, 64], strides = [1, 1]} : vector<1024x64xf32> to vector<64x64xf32>
    %slice3A_1377 = vector.extract_strided_slice %add3A_1321 {offsets = [384, 0], sizes = [64, 64], strides = [1, 1]} : vector<1024x64xf32> to vector<64x64xf32>
    %slice3A_1378 = vector.extract_strided_slice %add3A_1272 {offsets = [448, 0], sizes = [64, 64], strides = [1, 1]} : vector<1024x64xf32> to vector<64x64xf32>
    %slice3A_1379 = vector.extract_strided_slice %add3A_1279 {offsets = [448, 0], sizes = [64, 64], strides = [1, 1]} : vector<1024x64xf32> to vector<64x64xf32>
    %slice3A_1380 = vector.extract_strided_slice %add3A_1286 {offsets = [448, 0], sizes = [64, 64], strides = [1, 1]} : vector<1024x64xf32> to vector<64x64xf32>
    %slice3A_1381 = vector.extract_strided_slice %add3A_1293 {offsets = [448, 0], sizes = [64, 64], strides = [1, 1]} : vector<1024x64xf32> to vector<64x64xf32>
    %slice3A_1382 = vector.extract_strided_slice %add3A_1300 {offsets = [448, 0], sizes = [64, 64], strides = [1, 1]} : vector<1024x64xf32> to vector<64x64xf32>
    %slice3A_1383 = vector.extract_strided_slice %add3A_1307 {offsets = [448, 0], sizes = [64, 64], strides = [1, 1]} : vector<1024x64xf32> to vector<64x64xf32>
    %slice3A_1384 = vector.extract_strided_slice %add3A_1314 {offsets = [448, 0], sizes = [64, 64], strides = [1, 1]} : vector<1024x64xf32> to vector<64x64xf32>
    %slice3A_1385 = vector.extract_strided_slice %add3A_1321 {offsets = [448, 0], sizes = [64, 64], strides = [1, 1]} : vector<1024x64xf32> to vector<64x64xf32>
    %slice3A_1386 = vector.extract_strided_slice %add3A_1272 {offsets = [512, 0], sizes = [64, 64], strides = [1, 1]} : vector<1024x64xf32> to vector<64x64xf32>
    %slice3A_1387 = vector.extract_strided_slice %add3A_1279 {offsets = [512, 0], sizes = [64, 64], strides = [1, 1]} : vector<1024x64xf32> to vector<64x64xf32>
    %slice3A_1388 = vector.extract_strided_slice %add3A_1286 {offsets = [512, 0], sizes = [64, 64], strides = [1, 1]} : vector<1024x64xf32> to vector<64x64xf32>
    %slice3A_1389 = vector.extract_strided_slice %add3A_1293 {offsets = [512, 0], sizes = [64, 64], strides = [1, 1]} : vector<1024x64xf32> to vector<64x64xf32>
    %slice3A_1390 = vector.extract_strided_slice %add3A_1300 {offsets = [512, 0], sizes = [64, 64], strides = [1, 1]} : vector<1024x64xf32> to vector<64x64xf32>
    %slice3A_1391 = vector.extract_strided_slice %add3A_1307 {offsets = [512, 0], sizes = [64, 64], strides = [1, 1]} : vector<1024x64xf32> to vector<64x64xf32>
    %slice3A_1392 = vector.extract_strided_slice %add3A_1314 {offsets = [512, 0], sizes = [64, 64], strides = [1, 1]} : vector<1024x64xf32> to vector<64x64xf32>
    %slice3A_1393 = vector.extract_strided_slice %add3A_1321 {offsets = [512, 0], sizes = [64, 64], strides = [1, 1]} : vector<1024x64xf32> to vector<64x64xf32>
    %slice3A_1394 = vector.extract_strided_slice %add3A_1272 {offsets = [576, 0], sizes = [64, 64], strides = [1, 1]} : vector<1024x64xf32> to vector<64x64xf32>
    %slice3A_1395 = vector.extract_strided_slice %add3A_1279 {offsets = [576, 0], sizes = [64, 64], strides = [1, 1]} : vector<1024x64xf32> to vector<64x64xf32>
    %slice3A_1396 = vector.extract_strided_slice %add3A_1286 {offsets = [576, 0], sizes = [64, 64], strides = [1, 1]} : vector<1024x64xf32> to vector<64x64xf32>
    %slice3A_1397 = vector.extract_strided_slice %add3A_1293 {offsets = [576, 0], sizes = [64, 64], strides = [1, 1]} : vector<1024x64xf32> to vector<64x64xf32>
    %slice3A_1398 = vector.extract_strided_slice %add3A_1300 {offsets = [576, 0], sizes = [64, 64], strides = [1, 1]} : vector<1024x64xf32> to vector<64x64xf32>
    %slice3A_1399 = vector.extract_strided_slice %add3A_1307 {offsets = [576, 0], sizes = [64, 64], strides = [1, 1]} : vector<1024x64xf32> to vector<64x64xf32>
    %slice3A_1400 = vector.extract_strided_slice %add3A_1314 {offsets = [576, 0], sizes = [64, 64], strides = [1, 1]} : vector<1024x64xf32> to vector<64x64xf32>
    %slice3A_1401 = vector.extract_strided_slice %add3A_1321 {offsets = [576, 0], sizes = [64, 64], strides = [1, 1]} : vector<1024x64xf32> to vector<64x64xf32>
    %slice3A_1402 = vector.extract_strided_slice %add3A_1272 {offsets = [640, 0], sizes = [64, 64], strides = [1, 1]} : vector<1024x64xf32> to vector<64x64xf32>
    %slice3A_1403 = vector.extract_strided_slice %add3A_1279 {offsets = [640, 0], sizes = [64, 64], strides = [1, 1]} : vector<1024x64xf32> to vector<64x64xf32>
    %slice3A_1404 = vector.extract_strided_slice %add3A_1286 {offsets = [640, 0], sizes = [64, 64], strides = [1, 1]} : vector<1024x64xf32> to vector<64x64xf32>
    %slice3A_1405 = vector.extract_strided_slice %add3A_1293 {offsets = [640, 0], sizes = [64, 64], strides = [1, 1]} : vector<1024x64xf32> to vector<64x64xf32>
    %slice3A_1406 = vector.extract_strided_slice %add3A_1300 {offsets = [640, 0], sizes = [64, 64], strides = [1, 1]} : vector<1024x64xf32> to vector<64x64xf32>
    %slice3A_1407 = vector.extract_strided_slice %add3A_1307 {offsets = [640, 0], sizes = [64, 64], strides = [1, 1]} : vector<1024x64xf32> to vector<64x64xf32>
    %slice3A_1408 = vector.extract_strided_slice %add3A_1314 {offsets = [640, 0], sizes = [64, 64], strides = [1, 1]} : vector<1024x64xf32> to vector<64x64xf32>
    %slice3A_1409 = vector.extract_strided_slice %add3A_1321 {offsets = [640, 0], sizes = [64, 64], strides = [1, 1]} : vector<1024x64xf32> to vector<64x64xf32>
    %slice3A_1410 = vector.extract_strided_slice %add3A_1272 {offsets = [704, 0], sizes = [64, 64], strides = [1, 1]} : vector<1024x64xf32> to vector<64x64xf32>
    %slice3A_1411 = vector.extract_strided_slice %add3A_1279 {offsets = [704, 0], sizes = [64, 64], strides = [1, 1]} : vector<1024x64xf32> to vector<64x64xf32>
    %slice3A_1412 = vector.extract_strided_slice %add3A_1286 {offsets = [704, 0], sizes = [64, 64], strides = [1, 1]} : vector<1024x64xf32> to vector<64x64xf32>
    %slice3A_1413 = vector.extract_strided_slice %add3A_1293 {offsets = [704, 0], sizes = [64, 64], strides = [1, 1]} : vector<1024x64xf32> to vector<64x64xf32>
    %slice3A_1414 = vector.extract_strided_slice %add3A_1300 {offsets = [704, 0], sizes = [64, 64], strides = [1, 1]} : vector<1024x64xf32> to vector<64x64xf32>
    %slice3A_1415 = vector.extract_strided_slice %add3A_1307 {offsets = [704, 0], sizes = [64, 64], strides = [1, 1]} : vector<1024x64xf32> to vector<64x64xf32>
    %slice3A_1416 = vector.extract_strided_slice %add3A_1314 {offsets = [704, 0], sizes = [64, 64], strides = [1, 1]} : vector<1024x64xf32> to vector<64x64xf32>
    %slice3A_1417 = vector.extract_strided_slice %add3A_1321 {offsets = [704, 0], sizes = [64, 64], strides = [1, 1]} : vector<1024x64xf32> to vector<64x64xf32>
    %slice3A_1418 = vector.extract_strided_slice %add3A_1272 {offsets = [768, 0], sizes = [64, 64], strides = [1, 1]} : vector<1024x64xf32> to vector<64x64xf32>
    %slice3A_1419 = vector.extract_strided_slice %add3A_1279 {offsets = [768, 0], sizes = [64, 64], strides = [1, 1]} : vector<1024x64xf32> to vector<64x64xf32>
    %slice3A_1420 = vector.extract_strided_slice %add3A_1286 {offsets = [768, 0], sizes = [64, 64], strides = [1, 1]} : vector<1024x64xf32> to vector<64x64xf32>
    %slice3A_1421 = vector.extract_strided_slice %add3A_1293 {offsets = [768, 0], sizes = [64, 64], strides = [1, 1]} : vector<1024x64xf32> to vector<64x64xf32>
    %slice3A_1422 = vector.extract_strided_slice %add3A_1300 {offsets = [768, 0], sizes = [64, 64], strides = [1, 1]} : vector<1024x64xf32> to vector<64x64xf32>
    %slice3A_1423 = vector.extract_strided_slice %add3A_1307 {offsets = [768, 0], sizes = [64, 64], strides = [1, 1]} : vector<1024x64xf32> to vector<64x64xf32>
    %slice3A_1424 = vector.extract_strided_slice %add3A_1314 {offsets = [768, 0], sizes = [64, 64], strides = [1, 1]} : vector<1024x64xf32> to vector<64x64xf32>
    %slice3A_1425 = vector.extract_strided_slice %add3A_1321 {offsets = [768, 0], sizes = [64, 64], strides = [1, 1]} : vector<1024x64xf32> to vector<64x64xf32>
    %slice3A_1426 = vector.extract_strided_slice %add3A_1272 {offsets = [832, 0], sizes = [64, 64], strides = [1, 1]} : vector<1024x64xf32> to vector<64x64xf32>
    %slice3A_1427 = vector.extract_strided_slice %add3A_1279 {offsets = [832, 0], sizes = [64, 64], strides = [1, 1]} : vector<1024x64xf32> to vector<64x64xf32>
    %slice3A_1428 = vector.extract_strided_slice %add3A_1286 {offsets = [832, 0], sizes = [64, 64], strides = [1, 1]} : vector<1024x64xf32> to vector<64x64xf32>
    %slice3A_1429 = vector.extract_strided_slice %add3A_1293 {offsets = [832, 0], sizes = [64, 64], strides = [1, 1]} : vector<1024x64xf32> to vector<64x64xf32>
    %slice3A_1430 = vector.extract_strided_slice %add3A_1300 {offsets = [832, 0], sizes = [64, 64], strides = [1, 1]} : vector<1024x64xf32> to vector<64x64xf32>
    %slice3A_1431 = vector.extract_strided_slice %add3A_1307 {offsets = [832, 0], sizes = [64, 64], strides = [1, 1]} : vector<1024x64xf32> to vector<64x64xf32>
    %slice3A_1432 = vector.extract_strided_slice %add3A_1314 {offsets = [832, 0], sizes = [64, 64], strides = [1, 1]} : vector<1024x64xf32> to vector<64x64xf32>
    %slice3A_1433 = vector.extract_strided_slice %add3A_1321 {offsets = [832, 0], sizes = [64, 64], strides = [1, 1]} : vector<1024x64xf32> to vector<64x64xf32>
    %slice3A_1434 = vector.extract_strided_slice %add3A_1272 {offsets = [896, 0], sizes = [64, 64], strides = [1, 1]} : vector<1024x64xf32> to vector<64x64xf32>
    %slice3A_1435 = vector.extract_strided_slice %add3A_1279 {offsets = [896, 0], sizes = [64, 64], strides = [1, 1]} : vector<1024x64xf32> to vector<64x64xf32>
    %slice3A_1436 = vector.extract_strided_slice %add3A_1286 {offsets = [896, 0], sizes = [64, 64], strides = [1, 1]} : vector<1024x64xf32> to vector<64x64xf32>
    %slice3A_1437 = vector.extract_strided_slice %add3A_1293 {offsets = [896, 0], sizes = [64, 64], strides = [1, 1]} : vector<1024x64xf32> to vector<64x64xf32>
    %slice3A_1438 = vector.extract_strided_slice %add3A_1300 {offsets = [896, 0], sizes = [64, 64], strides = [1, 1]} : vector<1024x64xf32> to vector<64x64xf32>
    %slice3A_1439 = vector.extract_strided_slice %add3A_1307 {offsets = [896, 0], sizes = [64, 64], strides = [1, 1]} : vector<1024x64xf32> to vector<64x64xf32>
    %slice3A_1440 = vector.extract_strided_slice %add3A_1314 {offsets = [896, 0], sizes = [64, 64], strides = [1, 1]} : vector<1024x64xf32> to vector<64x64xf32>
    %slice3A_1441 = vector.extract_strided_slice %add3A_1321 {offsets = [896, 0], sizes = [64, 64], strides = [1, 1]} : vector<1024x64xf32> to vector<64x64xf32>
    %slice3A_1442 = vector.extract_strided_slice %add3A_1272 {offsets = [960, 0], sizes = [64, 64], strides = [1, 1]} : vector<1024x64xf32> to vector<64x64xf32>
    %slice3A_1443 = vector.extract_strided_slice %add3A_1279 {offsets = [960, 0], sizes = [64, 64], strides = [1, 1]} : vector<1024x64xf32> to vector<64x64xf32>
    %slice3A_1444 = vector.extract_strided_slice %add3A_1286 {offsets = [960, 0], sizes = [64, 64], strides = [1, 1]} : vector<1024x64xf32> to vector<64x64xf32>
    %slice3A_1445 = vector.extract_strided_slice %add3A_1293 {offsets = [960, 0], sizes = [64, 64], strides = [1, 1]} : vector<1024x64xf32> to vector<64x64xf32>
    %slice3A_1446 = vector.extract_strided_slice %add3A_1300 {offsets = [960, 0], sizes = [64, 64], strides = [1, 1]} : vector<1024x64xf32> to vector<64x64xf32>
    %slice3A_1447 = vector.extract_strided_slice %add3A_1307 {offsets = [960, 0], sizes = [64, 64], strides = [1, 1]} : vector<1024x64xf32> to vector<64x64xf32>
    %slice3A_1448 = vector.extract_strided_slice %add3A_1314 {offsets = [960, 0], sizes = [64, 64], strides = [1, 1]} : vector<1024x64xf32> to vector<64x64xf32>
    %slice3A_1449 = vector.extract_strided_slice %add3A_1321 {offsets = [960, 0], sizes = [64, 64], strides = [1, 1]} : vector<1024x64xf32> to vector<64x64xf32>
    %concatenate3A_1450 = tpu.concatenate %slice3A_1322, %slice3A_1323, %slice3A_1324, %slice3A_1325, %slice3A_1326, %slice3A_1327, %slice3A_1328, %slice3A_1329, %slice3A_1330, %slice3A_1331, %slice3A_1332, %slice3A_1333, %slice3A_1334, %slice3A_1335, %slice3A_1336, %slice3A_1337, %slice3A_1338, %slice3A_1339, %slice3A_1340, %slice3A_1341, %slice3A_1342, %slice3A_1343, %slice3A_1344, %slice3A_1345, %slice3A_1346, %slice3A_1347, %slice3A_1348, %slice3A_1349, %slice3A_1350, %slice3A_1351, %slice3A_1352, %slice3A_1353, %slice3A_1354, %slice3A_1355, %slice3A_1356, %slice3A_1357, %slice3A_1358, %slice3A_1359, %slice3A_1360, %slice3A_1361, %slice3A_1362, %slice3A_1363, %slice3A_1364, %slice3A_1365, %slice3A_1366, %slice3A_1367, %slice3A_1368, %slice3A_1369, %slice3A_1370, %slice3A_1371, %slice3A_1372, %slice3A_1373, %slice3A_1374, %slice3A_1375, %slice3A_1376, %slice3A_1377, %slice3A_1378, %slice3A_1379, %slice3A_1380, %slice3A_1381, %slice3A_1382, %slice3A_1383, %slice3A_1384, %slice3A_1385, %slice3A_1386, %slice3A_1387, %slice3A_1388, %slice3A_1389, %slice3A_1390, %slice3A_1391, %slice3A_1392, %slice3A_1393, %slice3A_1394, %slice3A_1395, %slice3A_1396, %slice3A_1397, %slice3A_1398, %slice3A_1399, %slice3A_1400, %slice3A_1401, %slice3A_1402, %slice3A_1403, %slice3A_1404, %slice3A_1405, %slice3A_1406, %slice3A_1407, %slice3A_1408, %slice3A_1409, %slice3A_1410, %slice3A_1411, %slice3A_1412, %slice3A_1413, %slice3A_1414, %slice3A_1415, %slice3A_1416, %slice3A_1417, %slice3A_1418, %slice3A_1419, %slice3A_1420, %slice3A_1421, %slice3A_1422, %slice3A_1423, %slice3A_1424, %slice3A_1425, %slice3A_1426, %slice3A_1427, %slice3A_1428, %slice3A_1429, %slice3A_1430, %slice3A_1431, %slice3A_1432, %slice3A_1433, %slice3A_1434, %slice3A_1435, %slice3A_1436, %slice3A_1437, %slice3A_1438, %slice3A_1439, %slice3A_1440, %slice3A_1441, %slice3A_1442, %slice3A_1443, %slice3A_1444, %slice3A_1445, %slice3A_1446, %slice3A_1447, %slice3A_1448, %slice3A_1449 in 0 : vector<64x64xf32>, vector<64x64xf32>, vector<64x64xf32>, vector<64x64xf32>, vector<64x64xf32>, vector<64x64xf32>, vector<64x64xf32>, vector<64x64xf32>, vector<64x64xf32>, vector<64x64xf32>, vector<64x64xf32>, vector<64x64xf32>, vector<64x64xf32>, vector<64x64xf32>, vector<64x64xf32>, vector<64x64xf32>, vector<64x64xf32>, vector<64x64xf32>, vector<64x64xf32>, vector<64x64xf32>, vector<64x64xf32>, vector<64x64xf32>, vector<64x64xf32>, vector<64x64xf32>, vector<64x64xf32>, vector<64x64xf32>, vector<64x64xf32>, vector<64x64xf32>, vector<64x64xf32>, vector<64x64xf32>, vector<64x64xf32>, vector<64x64xf32>, vector<64x64xf32>, vector<64x64xf32>, vector<64x64xf32>, vector<64x64xf32>, vector<64x64xf32>, vector<64x64xf32>, vector<64x64xf32>, vector<64x64xf32>, vector<64x64xf32>, vector<64x64xf32>, vector<64x64xf32>, vector<64x64xf32>, vector<64x64xf32>, vector<64x64xf32>, vector<64x64xf32>, vector<64x64xf32>, vector<64x64xf32>, vector<64x64xf32>, vector<64x64xf32>, vector<64x64xf32>, vector<64x64xf32>, vector<64x64xf32>, vector<64x64xf32>, vector<64x64xf32>, vector<64x64xf32>, vector<64x64xf32>, vector<64x64xf32>, vector<64x64xf32>, vector<64x64xf32>, vector<64x64xf32>, vector<64x64xf32>, vector<64x64xf32>, vector<64x64xf32>, vector<64x64xf32>, vector<64x64xf32>, vector<64x64xf32>, vector<64x64xf32>, vector<64x64xf32>, vector<64x64xf32>, vector<64x64xf32>, vector<64x64xf32>, vector<64x64xf32>, vector<64x64xf32>, vector<64x64xf32>, vector<64x64xf32>, vector<64x64xf32>, vector<64x64xf32>, vector<64x64xf32>, vector<64x64xf32>, vector<64x64xf32>, vector<64x64xf32>, vector<64x64xf32>, vector<64x64xf32>, vector<64x64xf32>, vector<64x64xf32>, vector<64x64xf32>, vector<64x64xf32>, vector<64x64xf32>, vector<64x64xf32>, vector<64x64xf32>, vector<64x64xf32>, vector<64x64xf32>, vector<64x64xf32>, vector<64x64xf32>, vector<64x64xf32>, vector<64x64xf32>, vector<64x64xf32>, vector<64x64xf32>, vector<64x64xf32>, vector<64x64xf32>, vector<64x64xf32>, vector<64x64xf32>, vector<64x64xf32>, vector<64x64xf32>, vector<64x64xf32>, vector<64x64xf32>, vector<64x64xf32>, vector<64x64xf32>, vector<64x64xf32>, vector<64x64xf32>, vector<64x64xf32>, vector<64x64xf32>, vector<64x64xf32>, vector<64x64xf32>, vector<64x64xf32>, vector<64x64xf32>, vector<64x64xf32>, vector<64x64xf32>, vector<64x64xf32>, vector<64x64xf32>, vector<64x64xf32>, vector<64x64xf32>, vector<64x64xf32>, vector<64x64xf32>, vector<64x64xf32>, vector<64x64xf32> -> vector<8192x64xf32>
    %concatenate3A_1451 = tpu.concatenate %dot_general3A_1258, %dot_general3A_1258, %dot_general3A_1258, %dot_general3A_1258, %dot_general3A_1258, %dot_general3A_1258, %dot_general3A_1258, %dot_general3A_1258, %dot_general3A_1258, %dot_general3A_1258, %dot_general3A_1258, %dot_general3A_1258, %dot_general3A_1258, %dot_general3A_1258, %dot_general3A_1258, %dot_general3A_1258 in 0 : vector<512x64xf32>, vector<512x64xf32>, vector<512x64xf32>, vector<512x64xf32>, vector<512x64xf32>, vector<512x64xf32>, vector<512x64xf32>, vector<512x64xf32>, vector<512x64xf32>, vector<512x64xf32>, vector<512x64xf32>, vector<512x64xf32>, vector<512x64xf32>, vector<512x64xf32>, vector<512x64xf32>, vector<512x64xf32> -> vector<8192x64xf32>
    %convert_element_type3A_1452 = arith.truncf %get3A_1249 : vector<1x64xf32> to vector<1x64xbf16>
    %convert_element_type3A_1453 = arith.extf %convert_element_type3A_1452 : vector<1x64xbf16> to vector<1x64xf32>
    %mul3A_1454 = vector.broadcast %convert_element_type3A_784 : vector<4096x1xf32> to vector<4096x64xf32>
    %mul3A_1455 = vector.broadcast %convert_element_type3A_1453 : vector<1x64xf32> to vector<4096x64xf32>
    %mul3A_1456 = arith.mulf %mul3A_1454, %mul3A_1455 : vector<4096x64xf32>
    %mul3A_1457 = vector.broadcast %convert_element_type3A_787 : vector<4096x1xf32> to vector<4096x64xf32>
    %mul3A_1458 = vector.broadcast %convert_element_type3A_1453 : vector<1x64xf32> to vector<4096x64xf32>
    %mul3A_1459 = arith.mulf %mul3A_1457, %mul3A_1458 : vector<4096x64xf32>
    %concatenate3A_1460 = tpu.concatenate %mul3A_1456, %mul3A_1459 in 0 : vector<4096x64xf32>, vector<4096x64xf32> -> vector<8192x64xf32>
    %add3A_1461 = arith.addf %concatenate3A_1451, %concatenate3A_1450 : vector<8192x64xf32>
    %add3A_1462 = arith.addf %add3A_1461, %concatenate3A_1460 : vector<8192x64xf32>
    %add3A_1463 = vector.broadcast %get3A_1252 : vector<1x64xf32> to vector<8192x64xf32>
    %add3A_1464 = arith.addf %add3A_1462, %add3A_1463 : vector<8192x64xf32>
    %neg3A_1465 = arith.constant 0.000000e+00 : f32
    %neg3A_1466 = vector.broadcast %neg3A_1465 : f32 to vector<8192x64xf32>
    %neg3A_1467 = arith.subf %neg3A_1466, %add3A_1464 : vector<8192x64xf32>
    %exp3A_1468 = math.exp %neg3A_1467 : vector<8192x64xf32>
    %add3A_1469 = arith.constant 1.000000e+00 : f32
    %add3A_1470 = vector.broadcast %add3A_1469 : f32 to vector<8192x64xf32>
    %add3A_1471 = arith.addf %add3A_1470, %exp3A_1468 : vector<8192x64xf32>
    %div3A_1472 = arith.divf %add3A_1464, %add3A_1471 : vector<8192x64xf32>
    %slice3A_1473 = vector.extract_strided_slice %div3A_1472 {offsets = [0, 0], sizes = [512, 64], strides = [1, 1]} : vector<8192x64xf32> to vector<512x64xf32>
    %slice3A_1474 = vector.extract_strided_slice %div3A_1472 {offsets = [512, 0], sizes = [512, 64], strides = [1, 1]} : vector<8192x64xf32> to vector<512x64xf32>
    %add3A_1475 = arith.addf %slice3A_1473, %slice3A_1474 : vector<512x64xf32>
    %slice3A_1476 = vector.extract_strided_slice %div3A_1472 {offsets = [1024, 0], sizes = [512, 64], strides = [1, 1]} : vector<8192x64xf32> to vector<512x64xf32>
    %add3A_1477 = arith.addf %add3A_1475, %slice3A_1476 : vector<512x64xf32>
    %slice3A_1478 = vector.extract_strided_slice %div3A_1472 {offsets = [1536, 0], sizes = [512, 64], strides = [1, 1]} : vector<8192x64xf32> to vector<512x64xf32>
    %add3A_1479 = arith.addf %add3A_1477, %slice3A_1478 : vector<512x64xf32>
    %slice3A_1480 = vector.extract_strided_slice %div3A_1472 {offsets = [2048, 0], sizes = [512, 64], strides = [1, 1]} : vector<8192x64xf32> to vector<512x64xf32>
    %add3A_1481 = arith.addf %add3A_1479, %slice3A_1480 : vector<512x64xf32>
    %slice3A_1482 = vector.extract_strided_slice %div3A_1472 {offsets = [2560, 0], sizes = [512, 64], strides = [1, 1]} : vector<8192x64xf32> to vector<512x64xf32>
    %add3A_1483 = arith.addf %add3A_1481, %slice3A_1482 : vector<512x64xf32>
    %slice3A_1484 = vector.extract_strided_slice %div3A_1472 {offsets = [3072, 0], sizes = [512, 64], strides = [1, 1]} : vector<8192x64xf32> to vector<512x64xf32>
    %add3A_1485 = arith.addf %add3A_1483, %slice3A_1484 : vector<512x64xf32>
    %slice3A_1486 = vector.extract_strided_slice %div3A_1472 {offsets = [3584, 0], sizes = [512, 64], strides = [1, 1]} : vector<8192x64xf32> to vector<512x64xf32>
    %add3A_1487 = arith.addf %add3A_1485, %slice3A_1486 : vector<512x64xf32>
    %slice3A_1488 = vector.extract_strided_slice %div3A_1472 {offsets = [4096, 0], sizes = [512, 64], strides = [1, 1]} : vector<8192x64xf32> to vector<512x64xf32>
    %add3A_1489 = arith.addf %add3A_1487, %slice3A_1488 : vector<512x64xf32>
    %slice3A_1490 = vector.extract_strided_slice %div3A_1472 {offsets = [4608, 0], sizes = [512, 64], strides = [1, 1]} : vector<8192x64xf32> to vector<512x64xf32>
    %add3A_1491 = arith.addf %add3A_1489, %slice3A_1490 : vector<512x64xf32>
    %slice3A_1492 = vector.extract_strided_slice %div3A_1472 {offsets = [5120, 0], sizes = [512, 64], strides = [1, 1]} : vector<8192x64xf32> to vector<512x64xf32>
    %add3A_1493 = arith.addf %add3A_1491, %slice3A_1492 : vector<512x64xf32>
    %slice3A_1494 = vector.extract_strided_slice %div3A_1472 {offsets = [5632, 0], sizes = [512, 64], strides = [1, 1]} : vector<8192x64xf32> to vector<512x64xf32>
    %add3A_1495 = arith.addf %add3A_1493, %slice3A_1494 : vector<512x64xf32>
    %slice3A_1496 = vector.extract_strided_slice %div3A_1472 {offsets = [6144, 0], sizes = [512, 64], strides = [1, 1]} : vector<8192x64xf32> to vector<512x64xf32>
    %add3A_1497 = arith.addf %add3A_1495, %slice3A_1496 : vector<512x64xf32>
    %slice3A_1498 = vector.extract_strided_slice %div3A_1472 {offsets = [6656, 0], sizes = [512, 64], strides = [1, 1]} : vector<8192x64xf32> to vector<512x64xf32>
    %add3A_1499 = arith.addf %add3A_1497, %slice3A_1498 : vector<512x64xf32>
    %slice3A_1500 = vector.extract_strided_slice %div3A_1472 {offsets = [7168, 0], sizes = [512, 64], strides = [1, 1]} : vector<8192x64xf32> to vector<512x64xf32>
    %add3A_1501 = arith.addf %add3A_1499, %slice3A_1500 : vector<512x64xf32>
    %slice3A_1502 = vector.extract_strided_slice %div3A_1472 {offsets = [7680, 0], sizes = [512, 64], strides = [1, 1]} : vector<8192x64xf32> to vector<512x64xf32>
    %add3A_1503 = arith.addf %add3A_1501, %slice3A_1502 : vector<512x64xf32>
    %convert_element_type3A_1504 = arith.truncf %add3A_1234 : vector<512x64xf32> to vector<512x64xbf16>
    %convert_element_type3A_1505 = arith.extf %convert_element_type3A_1504 : vector<512x64xbf16> to vector<512x64xf32>
    %get3A_1506 = arith.constant 1 : index
    %get3A_1507 = arith.constant 0 : index
    %get3A_1508 = arith.constant 0 : index
    %get3A_1509 = vector.load %arg7[%get3A_1506, %get3A_1507, %get3A_1508] : memref<3x128x64xf32, #tpu.memory_space<vmem>>, vector<1x64x64xf32>
    %get3A_1510 = vector.shape_cast %get3A_1509 : vector<1x64x64xf32> to vector<64x64xf32>
    %convert_element_type3A_1511 = arith.truncf %get3A_1510 : vector<64x64xf32> to vector<64x64xbf16>
    %convert_element_type3A_1512 = arith.extf %convert_element_type3A_1511 : vector<64x64xbf16> to vector<64x64xf32>
    %dot_general3A_1513 = arith.constant dense<0.000000e+00> : vector<512x64xf32>
    %dot_general3A_1514 = tpu.matmul %convert_element_type3A_1505, %convert_element_type3A_1512, %dot_general3A_1513 {dimension_numbers = #tpu.dot_dimension_numbers<[1], [0], [0], [1], [0, 0, 1, 1], [], []>, transpose_lhs_hint = false} : vector<512x64xf32>, vector<64x64xf32>, vector<512x64xf32> -> vector<512x64xf32>
    %convert_element_type3A_1515 = arith.truncf %add3A_1503 : vector<512x64xf32> to vector<512x64xbf16>
    %convert_element_type3A_1516 = arith.extf %convert_element_type3A_1515 : vector<512x64xbf16> to vector<512x64xf32>
    %get3A_1517 = arith.constant 1 : index
    %get3A_1518 = arith.constant 64 : index
    %get3A_1519 = arith.constant 0 : index
    %get3A_1520 = vector.load %arg7[%get3A_1517, %get3A_1518, %get3A_1519] : memref<3x128x64xf32, #tpu.memory_space<vmem>>, vector<1x64x64xf32>
    %get3A_1521 = vector.shape_cast %get3A_1520 : vector<1x64x64xf32> to vector<64x64xf32>
    %convert_element_type3A_1522 = arith.truncf %get3A_1521 : vector<64x64xf32> to vector<64x64xbf16>
    %convert_element_type3A_1523 = arith.extf %convert_element_type3A_1522 : vector<64x64xbf16> to vector<64x64xf32>
    %dot_general3A_1524 = arith.constant dense<0.000000e+00> : vector<512x64xf32>
    %dot_general3A_1525 = tpu.matmul %convert_element_type3A_1516, %convert_element_type3A_1523, %dot_general3A_1524 {dimension_numbers = #tpu.dot_dimension_numbers<[1], [0], [0], [1], [0, 0, 1, 1], [], []>, transpose_lhs_hint = false} : vector<512x64xf32>, vector<64x64xf32>, vector<512x64xf32> -> vector<512x64xf32>
    %add3A_1526 = arith.addf %dot_general3A_1514, %dot_general3A_1525 : vector<512x64xf32>
    %get3A_1527 = arith.constant 1 : index
    %get3A_1528 = arith.constant 0 : index
    %get3A_1529 = vector.load %arg8[%get3A_1527, %get3A_1528] : memref<3x64xf32, #tpu.memory_space<vmem>>, vector<1x64xf32>
    %add3A_1530 = vector.broadcast %get3A_1529 : vector<1x64xf32> to vector<512x64xf32>
    %add3A_1531 = arith.addf %add3A_1526, %add3A_1530 : vector<512x64xf32>
    %neg3A_1532 = arith.constant 0.000000e+00 : f32
    %neg3A_1533 = vector.broadcast %neg3A_1532 : f32 to vector<512x64xf32>
    %neg3A_1534 = arith.subf %neg3A_1533, %add3A_1531 : vector<512x64xf32>
    %exp3A_1535 = math.exp %neg3A_1534 : vector<512x64xf32>
    %add3A_1536 = arith.constant 1.000000e+00 : f32
    %add3A_1537 = vector.broadcast %add3A_1536 : f32 to vector<512x64xf32>
    %add3A_1538 = arith.addf %add3A_1537, %exp3A_1535 : vector<512x64xf32>
    %div3A_1539 = arith.divf %add3A_1531, %add3A_1538 : vector<512x64xf32>
    %add3A_1540 = arith.addf %add3A_1234, %div3A_1539 : vector<512x64xf32>
    %get3A_1541 = arith.constant 2 : index
    %get3A_1542 = arith.constant 0 : index
    %get3A_1543 = arith.constant 0 : index
    %get3A_1544 = vector.load %arg5[%get3A_1541, %get3A_1542, %get3A_1543] : memref<3x129x64xf32, #tpu.memory_space<vmem>>, vector<1x64x64xf32>
    %get3A_1545 = vector.shape_cast %get3A_1544 : vector<1x64x64xf32> to vector<64x64xf32>
    %get3A_1546 = arith.constant 2 : index
    %get3A_1547 = arith.constant 64 : index
    %get3A_1548 = arith.constant 0 : index
    %get3A_1549 = vector.load %arg5[%get3A_1546, %get3A_1547, %get3A_1548] : memref<3x129x64xf32, #tpu.memory_space<vmem>>, vector<1x64x64xf32>
    %get3A_1550 = vector.shape_cast %get3A_1549 : vector<1x64x64xf32> to vector<64x64xf32>
    %get3A_1551 = arith.constant 2 : index
    %get3A_1552 = arith.constant 128 : index
    %get3A_1553 = arith.constant 0 : index
    %get3A_1554 = vector.load %arg5[%get3A_1551, %get3A_1552, %get3A_1553] : memref<3x129x64xf32, #tpu.memory_space<vmem>>, vector<1x1x64xf32>
    %get3A_1555 = vector.shape_cast %get3A_1554 : vector<1x1x64xf32> to vector<1x64xf32>
    %get3A_1556 = arith.constant 2 : index
    %get3A_1557 = arith.constant 0 : index
    %get3A_1558 = vector.load %arg6[%get3A_1556, %get3A_1557] : memref<3x64xf32, #tpu.memory_space<vmem>>, vector<1x64xf32>
    %convert_element_type3A_1559 = arith.truncf %add3A_1540 : vector<512x64xf32> to vector<512x64xbf16>
    %convert_element_type3A_1560 = arith.extf %convert_element_type3A_1559 : vector<512x64xbf16> to vector<512x64xf32>
    %convert_element_type3A_1561 = arith.truncf %get3A_1545 : vector<64x64xf32> to vector<64x64xbf16>
    %convert_element_type3A_1562 = arith.extf %convert_element_type3A_1561 : vector<64x64xbf16> to vector<64x64xf32>
    %dot_general3A_1563 = arith.constant dense<0.000000e+00> : vector<512x64xf32>
    %dot_general3A_1564 = tpu.matmul %convert_element_type3A_1560, %convert_element_type3A_1562, %dot_general3A_1563 {dimension_numbers = #tpu.dot_dimension_numbers<[1], [0], [0], [1], [0, 0, 1, 1], [], []>, transpose_lhs_hint = false} : vector<512x64xf32>, vector<64x64xf32>, vector<512x64xf32> -> vector<512x64xf32>
    %convert_element_type3A_1565 = arith.truncf %get3A_1550 : vector<64x64xf32> to vector<64x64xbf16>
    %convert_element_type3A_1566 = arith.extf %convert_element_type3A_1565 : vector<64x64xbf16> to vector<64x64xf32>
    %dot_general3A_1567 = arith.constant dense<0.000000e+00> : vector<512x64xf32>
    %dot_general3A_1568 = tpu.matmul %convert_element_type3A_1560, %convert_element_type3A_1566, %dot_general3A_1567 {dimension_numbers = #tpu.dot_dimension_numbers<[1], [0], [0], [1], [0, 0, 1, 1], [], []>, transpose_lhs_hint = false} : vector<512x64xf32>, vector<64x64xf32>, vector<512x64xf32> -> vector<512x64xf32>
    %convert_element_type3A_1569 = arith.truncf %dot_general3A_1568 : vector<512x64xf32> to vector<512x64xbf16>
    %convert_element_type3A_1570 = arith.extf %convert_element_type3A_1569 : vector<512x64xbf16> to vector<512x64xf32>
    %sub3A_1571 = arith.subf %dot_general3A_1568, %convert_element_type3A_1570 : vector<512x64xf32>
    %slice3A_1572 = vector.extract_strided_slice %convert_element_type3A_1570 {offsets = [0, 0], sizes = [64, 64], strides = [1, 1]} : vector<512x64xf32> to vector<64x64xf32>
    %dot_general3A_1573 = arith.constant dense<0.000000e+00> : vector<1024x64xf32>
    %dot_general3A_1574 = tpu.matmul %concatenate3A_807, %slice3A_1572, %dot_general3A_1573 {dimension_numbers = #tpu.dot_dimension_numbers<[1], [0], [0], [1], [0, 0, 1, 1], [], []>, transpose_lhs_hint = false} : vector<1024x64xf32>, vector<64x64xf32>, vector<1024x64xf32> -> vector<1024x64xf32>
    %slice3A_1575 = vector.extract_strided_slice %sub3A_1571 {offsets = [0, 0], sizes = [64, 64], strides = [1, 1]} : vector<512x64xf32> to vector<64x64xf32>
    %dot_general3A_1576 = arith.constant dense<0.000000e+00> : vector<1024x64xf32>
    %dot_general3A_1577 = tpu.matmul %concatenate3A_807, %slice3A_1575, %dot_general3A_1576 {dimension_numbers = #tpu.dot_dimension_numbers<[1], [0], [0], [1], [0, 0, 1, 1], [], []>, transpose_lhs_hint = false} : vector<1024x64xf32>, vector<64x64xf32>, vector<1024x64xf32> -> vector<1024x64xf32>
    %add3A_1578 = arith.addf %dot_general3A_1574, %dot_general3A_1577 : vector<1024x64xf32>
    %slice3A_1579 = vector.extract_strided_slice %convert_element_type3A_1570 {offsets = [64, 0], sizes = [64, 64], strides = [1, 1]} : vector<512x64xf32> to vector<64x64xf32>
    %dot_general3A_1580 = arith.constant dense<0.000000e+00> : vector<1024x64xf32>
    %dot_general3A_1581 = tpu.matmul %concatenate3A_824, %slice3A_1579, %dot_general3A_1580 {dimension_numbers = #tpu.dot_dimension_numbers<[1], [0], [0], [1], [0, 0, 1, 1], [], []>, transpose_lhs_hint = false} : vector<1024x64xf32>, vector<64x64xf32>, vector<1024x64xf32> -> vector<1024x64xf32>
    %slice3A_1582 = vector.extract_strided_slice %sub3A_1571 {offsets = [64, 0], sizes = [64, 64], strides = [1, 1]} : vector<512x64xf32> to vector<64x64xf32>
    %dot_general3A_1583 = arith.constant dense<0.000000e+00> : vector<1024x64xf32>
    %dot_general3A_1584 = tpu.matmul %concatenate3A_824, %slice3A_1582, %dot_general3A_1583 {dimension_numbers = #tpu.dot_dimension_numbers<[1], [0], [0], [1], [0, 0, 1, 1], [], []>, transpose_lhs_hint = false} : vector<1024x64xf32>, vector<64x64xf32>, vector<1024x64xf32> -> vector<1024x64xf32>
    %add3A_1585 = arith.addf %dot_general3A_1581, %dot_general3A_1584 : vector<1024x64xf32>
    %slice3A_1586 = vector.extract_strided_slice %convert_element_type3A_1570 {offsets = [128, 0], sizes = [64, 64], strides = [1, 1]} : vector<512x64xf32> to vector<64x64xf32>
    %dot_general3A_1587 = arith.constant dense<0.000000e+00> : vector<1024x64xf32>
    %dot_general3A_1588 = tpu.matmul %concatenate3A_841, %slice3A_1586, %dot_general3A_1587 {dimension_numbers = #tpu.dot_dimension_numbers<[1], [0], [0], [1], [0, 0, 1, 1], [], []>, transpose_lhs_hint = false} : vector<1024x64xf32>, vector<64x64xf32>, vector<1024x64xf32> -> vector<1024x64xf32>
    %slice3A_1589 = vector.extract_strided_slice %sub3A_1571 {offsets = [128, 0], sizes = [64, 64], strides = [1, 1]} : vector<512x64xf32> to vector<64x64xf32>
    %dot_general3A_1590 = arith.constant dense<0.000000e+00> : vector<1024x64xf32>
    %dot_general3A_1591 = tpu.matmul %concatenate3A_841, %slice3A_1589, %dot_general3A_1590 {dimension_numbers = #tpu.dot_dimension_numbers<[1], [0], [0], [1], [0, 0, 1, 1], [], []>, transpose_lhs_hint = false} : vector<1024x64xf32>, vector<64x64xf32>, vector<1024x64xf32> -> vector<1024x64xf32>
    %add3A_1592 = arith.addf %dot_general3A_1588, %dot_general3A_1591 : vector<1024x64xf32>
    %slice3A_1593 = vector.extract_strided_slice %convert_element_type3A_1570 {offsets = [192, 0], sizes = [64, 64], strides = [1, 1]} : vector<512x64xf32> to vector<64x64xf32>
    %dot_general3A_1594 = arith.constant dense<0.000000e+00> : vector<1024x64xf32>
    %dot_general3A_1595 = tpu.matmul %concatenate3A_858, %slice3A_1593, %dot_general3A_1594 {dimension_numbers = #tpu.dot_dimension_numbers<[1], [0], [0], [1], [0, 0, 1, 1], [], []>, transpose_lhs_hint = false} : vector<1024x64xf32>, vector<64x64xf32>, vector<1024x64xf32> -> vector<1024x64xf32>
    %slice3A_1596 = vector.extract_strided_slice %sub3A_1571 {offsets = [192, 0], sizes = [64, 64], strides = [1, 1]} : vector<512x64xf32> to vector<64x64xf32>
    %dot_general3A_1597 = arith.constant dense<0.000000e+00> : vector<1024x64xf32>
    %dot_general3A_1598 = tpu.matmul %concatenate3A_858, %slice3A_1596, %dot_general3A_1597 {dimension_numbers = #tpu.dot_dimension_numbers<[1], [0], [0], [1], [0, 0, 1, 1], [], []>, transpose_lhs_hint = false} : vector<1024x64xf32>, vector<64x64xf32>, vector<1024x64xf32> -> vector<1024x64xf32>
    %add3A_1599 = arith.addf %dot_general3A_1595, %dot_general3A_1598 : vector<1024x64xf32>
    %slice3A_1600 = vector.extract_strided_slice %convert_element_type3A_1570 {offsets = [256, 0], sizes = [64, 64], strides = [1, 1]} : vector<512x64xf32> to vector<64x64xf32>
    %dot_general3A_1601 = arith.constant dense<0.000000e+00> : vector<1024x64xf32>
    %dot_general3A_1602 = tpu.matmul %concatenate3A_875, %slice3A_1600, %dot_general3A_1601 {dimension_numbers = #tpu.dot_dimension_numbers<[1], [0], [0], [1], [0, 0, 1, 1], [], []>, transpose_lhs_hint = false} : vector<1024x64xf32>, vector<64x64xf32>, vector<1024x64xf32> -> vector<1024x64xf32>
    %slice3A_1603 = vector.extract_strided_slice %sub3A_1571 {offsets = [256, 0], sizes = [64, 64], strides = [1, 1]} : vector<512x64xf32> to vector<64x64xf32>
    %dot_general3A_1604 = arith.constant dense<0.000000e+00> : vector<1024x64xf32>
    %dot_general3A_1605 = tpu.matmul %concatenate3A_875, %slice3A_1603, %dot_general3A_1604 {dimension_numbers = #tpu.dot_dimension_numbers<[1], [0], [0], [1], [0, 0, 1, 1], [], []>, transpose_lhs_hint = false} : vector<1024x64xf32>, vector<64x64xf32>, vector<1024x64xf32> -> vector<1024x64xf32>
    %add3A_1606 = arith.addf %dot_general3A_1602, %dot_general3A_1605 : vector<1024x64xf32>
    %slice3A_1607 = vector.extract_strided_slice %convert_element_type3A_1570 {offsets = [320, 0], sizes = [64, 64], strides = [1, 1]} : vector<512x64xf32> to vector<64x64xf32>
    %dot_general3A_1608 = arith.constant dense<0.000000e+00> : vector<1024x64xf32>
    %dot_general3A_1609 = tpu.matmul %concatenate3A_892, %slice3A_1607, %dot_general3A_1608 {dimension_numbers = #tpu.dot_dimension_numbers<[1], [0], [0], [1], [0, 0, 1, 1], [], []>, transpose_lhs_hint = false} : vector<1024x64xf32>, vector<64x64xf32>, vector<1024x64xf32> -> vector<1024x64xf32>
    %slice3A_1610 = vector.extract_strided_slice %sub3A_1571 {offsets = [320, 0], sizes = [64, 64], strides = [1, 1]} : vector<512x64xf32> to vector<64x64xf32>
    %dot_general3A_1611 = arith.constant dense<0.000000e+00> : vector<1024x64xf32>
    %dot_general3A_1612 = tpu.matmul %concatenate3A_892, %slice3A_1610, %dot_general3A_1611 {dimension_numbers = #tpu.dot_dimension_numbers<[1], [0], [0], [1], [0, 0, 1, 1], [], []>, transpose_lhs_hint = false} : vector<1024x64xf32>, vector<64x64xf32>, vector<1024x64xf32> -> vector<1024x64xf32>
    %add3A_1613 = arith.addf %dot_general3A_1609, %dot_general3A_1612 : vector<1024x64xf32>
    %slice3A_1614 = vector.extract_strided_slice %convert_element_type3A_1570 {offsets = [384, 0], sizes = [64, 64], strides = [1, 1]} : vector<512x64xf32> to vector<64x64xf32>
    %dot_general3A_1615 = arith.constant dense<0.000000e+00> : vector<1024x64xf32>
    %dot_general3A_1616 = tpu.matmul %concatenate3A_909, %slice3A_1614, %dot_general3A_1615 {dimension_numbers = #tpu.dot_dimension_numbers<[1], [0], [0], [1], [0, 0, 1, 1], [], []>, transpose_lhs_hint = false} : vector<1024x64xf32>, vector<64x64xf32>, vector<1024x64xf32> -> vector<1024x64xf32>
    %slice3A_1617 = vector.extract_strided_slice %sub3A_1571 {offsets = [384, 0], sizes = [64, 64], strides = [1, 1]} : vector<512x64xf32> to vector<64x64xf32>
    %dot_general3A_1618 = arith.constant dense<0.000000e+00> : vector<1024x64xf32>
    %dot_general3A_1619 = tpu.matmul %concatenate3A_909, %slice3A_1617, %dot_general3A_1618 {dimension_numbers = #tpu.dot_dimension_numbers<[1], [0], [0], [1], [0, 0, 1, 1], [], []>, transpose_lhs_hint = false} : vector<1024x64xf32>, vector<64x64xf32>, vector<1024x64xf32> -> vector<1024x64xf32>
    %add3A_1620 = arith.addf %dot_general3A_1616, %dot_general3A_1619 : vector<1024x64xf32>
    %slice3A_1621 = vector.extract_strided_slice %convert_element_type3A_1570 {offsets = [448, 0], sizes = [64, 64], strides = [1, 1]} : vector<512x64xf32> to vector<64x64xf32>
    %dot_general3A_1622 = arith.constant dense<0.000000e+00> : vector<1024x64xf32>
    %dot_general3A_1623 = tpu.matmul %concatenate3A_926, %slice3A_1621, %dot_general3A_1622 {dimension_numbers = #tpu.dot_dimension_numbers<[1], [0], [0], [1], [0, 0, 1, 1], [], []>, transpose_lhs_hint = false} : vector<1024x64xf32>, vector<64x64xf32>, vector<1024x64xf32> -> vector<1024x64xf32>
    %slice3A_1624 = vector.extract_strided_slice %sub3A_1571 {offsets = [448, 0], sizes = [64, 64], strides = [1, 1]} : vector<512x64xf32> to vector<64x64xf32>
    %dot_general3A_1625 = arith.constant dense<0.000000e+00> : vector<1024x64xf32>
    %dot_general3A_1626 = tpu.matmul %concatenate3A_926, %slice3A_1624, %dot_general3A_1625 {dimension_numbers = #tpu.dot_dimension_numbers<[1], [0], [0], [1], [0, 0, 1, 1], [], []>, transpose_lhs_hint = false} : vector<1024x64xf32>, vector<64x64xf32>, vector<1024x64xf32> -> vector<1024x64xf32>
    %add3A_1627 = arith.addf %dot_general3A_1623, %dot_general3A_1626 : vector<1024x64xf32>
    %slice3A_1628 = vector.extract_strided_slice %add3A_1578 {offsets = [0, 0], sizes = [64, 64], strides = [1, 1]} : vector<1024x64xf32> to vector<64x64xf32>
    %slice3A_1629 = vector.extract_strided_slice %add3A_1585 {offsets = [0, 0], sizes = [64, 64], strides = [1, 1]} : vector<1024x64xf32> to vector<64x64xf32>
    %slice3A_1630 = vector.extract_strided_slice %add3A_1592 {offsets = [0, 0], sizes = [64, 64], strides = [1, 1]} : vector<1024x64xf32> to vector<64x64xf32>
    %slice3A_1631 = vector.extract_strided_slice %add3A_1599 {offsets = [0, 0], sizes = [64, 64], strides = [1, 1]} : vector<1024x64xf32> to vector<64x64xf32>
    %slice3A_1632 = vector.extract_strided_slice %add3A_1606 {offsets = [0, 0], sizes = [64, 64], strides = [1, 1]} : vector<1024x64xf32> to vector<64x64xf32>
    %slice3A_1633 = vector.extract_strided_slice %add3A_1613 {offsets = [0, 0], sizes = [64, 64], strides = [1, 1]} : vector<1024x64xf32> to vector<64x64xf32>
    %slice3A_1634 = vector.extract_strided_slice %add3A_1620 {offsets = [0, 0], sizes = [64, 64], strides = [1, 1]} : vector<1024x64xf32> to vector<64x64xf32>
    %slice3A_1635 = vector.extract_strided_slice %add3A_1627 {offsets = [0, 0], sizes = [64, 64], strides = [1, 1]} : vector<1024x64xf32> to vector<64x64xf32>
    %slice3A_1636 = vector.extract_strided_slice %add3A_1578 {offsets = [64, 0], sizes = [64, 64], strides = [1, 1]} : vector<1024x64xf32> to vector<64x64xf32>
    %slice3A_1637 = vector.extract_strided_slice %add3A_1585 {offsets = [64, 0], sizes = [64, 64], strides = [1, 1]} : vector<1024x64xf32> to vector<64x64xf32>
    %slice3A_1638 = vector.extract_strided_slice %add3A_1592 {offsets = [64, 0], sizes = [64, 64], strides = [1, 1]} : vector<1024x64xf32> to vector<64x64xf32>
    %slice3A_1639 = vector.extract_strided_slice %add3A_1599 {offsets = [64, 0], sizes = [64, 64], strides = [1, 1]} : vector<1024x64xf32> to vector<64x64xf32>
    %slice3A_1640 = vector.extract_strided_slice %add3A_1606 {offsets = [64, 0], sizes = [64, 64], strides = [1, 1]} : vector<1024x64xf32> to vector<64x64xf32>
    %slice3A_1641 = vector.extract_strided_slice %add3A_1613 {offsets = [64, 0], sizes = [64, 64], strides = [1, 1]} : vector<1024x64xf32> to vector<64x64xf32>
    %slice3A_1642 = vector.extract_strided_slice %add3A_1620 {offsets = [64, 0], sizes = [64, 64], strides = [1, 1]} : vector<1024x64xf32> to vector<64x64xf32>
    %slice3A_1643 = vector.extract_strided_slice %add3A_1627 {offsets = [64, 0], sizes = [64, 64], strides = [1, 1]} : vector<1024x64xf32> to vector<64x64xf32>
    %slice3A_1644 = vector.extract_strided_slice %add3A_1578 {offsets = [128, 0], sizes = [64, 64], strides = [1, 1]} : vector<1024x64xf32> to vector<64x64xf32>
    %slice3A_1645 = vector.extract_strided_slice %add3A_1585 {offsets = [128, 0], sizes = [64, 64], strides = [1, 1]} : vector<1024x64xf32> to vector<64x64xf32>
    %slice3A_1646 = vector.extract_strided_slice %add3A_1592 {offsets = [128, 0], sizes = [64, 64], strides = [1, 1]} : vector<1024x64xf32> to vector<64x64xf32>
    %slice3A_1647 = vector.extract_strided_slice %add3A_1599 {offsets = [128, 0], sizes = [64, 64], strides = [1, 1]} : vector<1024x64xf32> to vector<64x64xf32>
    %slice3A_1648 = vector.extract_strided_slice %add3A_1606 {offsets = [128, 0], sizes = [64, 64], strides = [1, 1]} : vector<1024x64xf32> to vector<64x64xf32>
    %slice3A_1649 = vector.extract_strided_slice %add3A_1613 {offsets = [128, 0], sizes = [64, 64], strides = [1, 1]} : vector<1024x64xf32> to vector<64x64xf32>
    %slice3A_1650 = vector.extract_strided_slice %add3A_1620 {offsets = [128, 0], sizes = [64, 64], strides = [1, 1]} : vector<1024x64xf32> to vector<64x64xf32>
    %slice3A_1651 = vector.extract_strided_slice %add3A_1627 {offsets = [128, 0], sizes = [64, 64], strides = [1, 1]} : vector<1024x64xf32> to vector<64x64xf32>
    %slice3A_1652 = vector.extract_strided_slice %add3A_1578 {offsets = [192, 0], sizes = [64, 64], strides = [1, 1]} : vector<1024x64xf32> to vector<64x64xf32>
    %slice3A_1653 = vector.extract_strided_slice %add3A_1585 {offsets = [192, 0], sizes = [64, 64], strides = [1, 1]} : vector<1024x64xf32> to vector<64x64xf32>
    %slice3A_1654 = vector.extract_strided_slice %add3A_1592 {offsets = [192, 0], sizes = [64, 64], strides = [1, 1]} : vector<1024x64xf32> to vector<64x64xf32>
    %slice3A_1655 = vector.extract_strided_slice %add3A_1599 {offsets = [192, 0], sizes = [64, 64], strides = [1, 1]} : vector<1024x64xf32> to vector<64x64xf32>
    %slice3A_1656 = vector.extract_strided_slice %add3A_1606 {offsets = [192, 0], sizes = [64, 64], strides = [1, 1]} : vector<1024x64xf32> to vector<64x64xf32>
    %slice3A_1657 = vector.extract_strided_slice %add3A_1613 {offsets = [192, 0], sizes = [64, 64], strides = [1, 1]} : vector<1024x64xf32> to vector<64x64xf32>
    %slice3A_1658 = vector.extract_strided_slice %add3A_1620 {offsets = [192, 0], sizes = [64, 64], strides = [1, 1]} : vector<1024x64xf32> to vector<64x64xf32>
    %slice3A_1659 = vector.extract_strided_slice %add3A_1627 {offsets = [192, 0], sizes = [64, 64], strides = [1, 1]} : vector<1024x64xf32> to vector<64x64xf32>
    %slice3A_1660 = vector.extract_strided_slice %add3A_1578 {offsets = [256, 0], sizes = [64, 64], strides = [1, 1]} : vector<1024x64xf32> to vector<64x64xf32>
    %slice3A_1661 = vector.extract_strided_slice %add3A_1585 {offsets = [256, 0], sizes = [64, 64], strides = [1, 1]} : vector<1024x64xf32> to vector<64x64xf32>
    %slice3A_1662 = vector.extract_strided_slice %add3A_1592 {offsets = [256, 0], sizes = [64, 64], strides = [1, 1]} : vector<1024x64xf32> to vector<64x64xf32>
    %slice3A_1663 = vector.extract_strided_slice %add3A_1599 {offsets = [256, 0], sizes = [64, 64], strides = [1, 1]} : vector<1024x64xf32> to vector<64x64xf32>
    %slice3A_1664 = vector.extract_strided_slice %add3A_1606 {offsets = [256, 0], sizes = [64, 64], strides = [1, 1]} : vector<1024x64xf32> to vector<64x64xf32>
    %slice3A_1665 = vector.extract_strided_slice %add3A_1613 {offsets = [256, 0], sizes = [64, 64], strides = [1, 1]} : vector<1024x64xf32> to vector<64x64xf32>
    %slice3A_1666 = vector.extract_strided_slice %add3A_1620 {offsets = [256, 0], sizes = [64, 64], strides = [1, 1]} : vector<1024x64xf32> to vector<64x64xf32>
    %slice3A_1667 = vector.extract_strided_slice %add3A_1627 {offsets = [256, 0], sizes = [64, 64], strides = [1, 1]} : vector<1024x64xf32> to vector<64x64xf32>
    %slice3A_1668 = vector.extract_strided_slice %add3A_1578 {offsets = [320, 0], sizes = [64, 64], strides = [1, 1]} : vector<1024x64xf32> to vector<64x64xf32>
    %slice3A_1669 = vector.extract_strided_slice %add3A_1585 {offsets = [320, 0], sizes = [64, 64], strides = [1, 1]} : vector<1024x64xf32> to vector<64x64xf32>
    %slice3A_1670 = vector.extract_strided_slice %add3A_1592 {offsets = [320, 0], sizes = [64, 64], strides = [1, 1]} : vector<1024x64xf32> to vector<64x64xf32>
    %slice3A_1671 = vector.extract_strided_slice %add3A_1599 {offsets = [320, 0], sizes = [64, 64], strides = [1, 1]} : vector<1024x64xf32> to vector<64x64xf32>
    %slice3A_1672 = vector.extract_strided_slice %add3A_1606 {offsets = [320, 0], sizes = [64, 64], strides = [1, 1]} : vector<1024x64xf32> to vector<64x64xf32>
    %slice3A_1673 = vector.extract_strided_slice %add3A_1613 {offsets = [320, 0], sizes = [64, 64], strides = [1, 1]} : vector<1024x64xf32> to vector<64x64xf32>
    %slice3A_1674 = vector.extract_strided_slice %add3A_1620 {offsets = [320, 0], sizes = [64, 64], strides = [1, 1]} : vector<1024x64xf32> to vector<64x64xf32>
    %slice3A_1675 = vector.extract_strided_slice %add3A_1627 {offsets = [320, 0], sizes = [64, 64], strides = [1, 1]} : vector<1024x64xf32> to vector<64x64xf32>
    %slice3A_1676 = vector.extract_strided_slice %add3A_1578 {offsets = [384, 0], sizes = [64, 64], strides = [1, 1]} : vector<1024x64xf32> to vector<64x64xf32>
    %slice3A_1677 = vector.extract_strided_slice %add3A_1585 {offsets = [384, 0], sizes = [64, 64], strides = [1, 1]} : vector<1024x64xf32> to vector<64x64xf32>
    %slice3A_1678 = vector.extract_strided_slice %add3A_1592 {offsets = [384, 0], sizes = [64, 64], strides = [1, 1]} : vector<1024x64xf32> to vector<64x64xf32>
    %slice3A_1679 = vector.extract_strided_slice %add3A_1599 {offsets = [384, 0], sizes = [64, 64], strides = [1, 1]} : vector<1024x64xf32> to vector<64x64xf32>
    %slice3A_1680 = vector.extract_strided_slice %add3A_1606 {offsets = [384, 0], sizes = [64, 64], strides = [1, 1]} : vector<1024x64xf32> to vector<64x64xf32>
    %slice3A_1681 = vector.extract_strided_slice %add3A_1613 {offsets = [384, 0], sizes = [64, 64], strides = [1, 1]} : vector<1024x64xf32> to vector<64x64xf32>
    %slice3A_1682 = vector.extract_strided_slice %add3A_1620 {offsets = [384, 0], sizes = [64, 64], strides = [1, 1]} : vector<1024x64xf32> to vector<64x64xf32>
    %slice3A_1683 = vector.extract_strided_slice %add3A_1627 {offsets = [384, 0], sizes = [64, 64], strides = [1, 1]} : vector<1024x64xf32> to vector<64x64xf32>
    %slice3A_1684 = vector.extract_strided_slice %add3A_1578 {offsets = [448, 0], sizes = [64, 64], strides = [1, 1]} : vector<1024x64xf32> to vector<64x64xf32>
    %slice3A_1685 = vector.extract_strided_slice %add3A_1585 {offsets = [448, 0], sizes = [64, 64], strides = [1, 1]} : vector<1024x64xf32> to vector<64x64xf32>
    %slice3A_1686 = vector.extract_strided_slice %add3A_1592 {offsets = [448, 0], sizes = [64, 64], strides = [1, 1]} : vector<1024x64xf32> to vector<64x64xf32>
    %slice3A_1687 = vector.extract_strided_slice %add3A_1599 {offsets = [448, 0], sizes = [64, 64], strides = [1, 1]} : vector<1024x64xf32> to vector<64x64xf32>
    %slice3A_1688 = vector.extract_strided_slice %add3A_1606 {offsets = [448, 0], sizes = [64, 64], strides = [1, 1]} : vector<1024x64xf32> to vector<64x64xf32>
    %slice3A_1689 = vector.extract_strided_slice %add3A_1613 {offsets = [448, 0], sizes = [64, 64], strides = [1, 1]} : vector<1024x64xf32> to vector<64x64xf32>
    %slice3A_1690 = vector.extract_strided_slice %add3A_1620 {offsets = [448, 0], sizes = [64, 64], strides = [1, 1]} : vector<1024x64xf32> to vector<64x64xf32>
    %slice3A_1691 = vector.extract_strided_slice %add3A_1627 {offsets = [448, 0], sizes = [64, 64], strides = [1, 1]} : vector<1024x64xf32> to vector<64x64xf32>
    %slice3A_1692 = vector.extract_strided_slice %add3A_1578 {offsets = [512, 0], sizes = [64, 64], strides = [1, 1]} : vector<1024x64xf32> to vector<64x64xf32>
    %slice3A_1693 = vector.extract_strided_slice %add3A_1585 {offsets = [512, 0], sizes = [64, 64], strides = [1, 1]} : vector<1024x64xf32> to vector<64x64xf32>
    %slice3A_1694 = vector.extract_strided_slice %add3A_1592 {offsets = [512, 0], sizes = [64, 64], strides = [1, 1]} : vector<1024x64xf32> to vector<64x64xf32>
    %slice3A_1695 = vector.extract_strided_slice %add3A_1599 {offsets = [512, 0], sizes = [64, 64], strides = [1, 1]} : vector<1024x64xf32> to vector<64x64xf32>
    %slice3A_1696 = vector.extract_strided_slice %add3A_1606 {offsets = [512, 0], sizes = [64, 64], strides = [1, 1]} : vector<1024x64xf32> to vector<64x64xf32>
    %slice3A_1697 = vector.extract_strided_slice %add3A_1613 {offsets = [512, 0], sizes = [64, 64], strides = [1, 1]} : vector<1024x64xf32> to vector<64x64xf32>
    %slice3A_1698 = vector.extract_strided_slice %add3A_1620 {offsets = [512, 0], sizes = [64, 64], strides = [1, 1]} : vector<1024x64xf32> to vector<64x64xf32>
    %slice3A_1699 = vector.extract_strided_slice %add3A_1627 {offsets = [512, 0], sizes = [64, 64], strides = [1, 1]} : vector<1024x64xf32> to vector<64x64xf32>
    %slice3A_1700 = vector.extract_strided_slice %add3A_1578 {offsets = [576, 0], sizes = [64, 64], strides = [1, 1]} : vector<1024x64xf32> to vector<64x64xf32>
    %slice3A_1701 = vector.extract_strided_slice %add3A_1585 {offsets = [576, 0], sizes = [64, 64], strides = [1, 1]} : vector<1024x64xf32> to vector<64x64xf32>
    %slice3A_1702 = vector.extract_strided_slice %add3A_1592 {offsets = [576, 0], sizes = [64, 64], strides = [1, 1]} : vector<1024x64xf32> to vector<64x64xf32>
    %slice3A_1703 = vector.extract_strided_slice %add3A_1599 {offsets = [576, 0], sizes = [64, 64], strides = [1, 1]} : vector<1024x64xf32> to vector<64x64xf32>
    %slice3A_1704 = vector.extract_strided_slice %add3A_1606 {offsets = [576, 0], sizes = [64, 64], strides = [1, 1]} : vector<1024x64xf32> to vector<64x64xf32>
    %slice3A_1705 = vector.extract_strided_slice %add3A_1613 {offsets = [576, 0], sizes = [64, 64], strides = [1, 1]} : vector<1024x64xf32> to vector<64x64xf32>
    %slice3A_1706 = vector.extract_strided_slice %add3A_1620 {offsets = [576, 0], sizes = [64, 64], strides = [1, 1]} : vector<1024x64xf32> to vector<64x64xf32>
    %slice3A_1707 = vector.extract_strided_slice %add3A_1627 {offsets = [576, 0], sizes = [64, 64], strides = [1, 1]} : vector<1024x64xf32> to vector<64x64xf32>
    %slice3A_1708 = vector.extract_strided_slice %add3A_1578 {offsets = [640, 0], sizes = [64, 64], strides = [1, 1]} : vector<1024x64xf32> to vector<64x64xf32>
    %slice3A_1709 = vector.extract_strided_slice %add3A_1585 {offsets = [640, 0], sizes = [64, 64], strides = [1, 1]} : vector<1024x64xf32> to vector<64x64xf32>
    %slice3A_1710 = vector.extract_strided_slice %add3A_1592 {offsets = [640, 0], sizes = [64, 64], strides = [1, 1]} : vector<1024x64xf32> to vector<64x64xf32>
    %slice3A_1711 = vector.extract_strided_slice %add3A_1599 {offsets = [640, 0], sizes = [64, 64], strides = [1, 1]} : vector<1024x64xf32> to vector<64x64xf32>
    %slice3A_1712 = vector.extract_strided_slice %add3A_1606 {offsets = [640, 0], sizes = [64, 64], strides = [1, 1]} : vector<1024x64xf32> to vector<64x64xf32>
    %slice3A_1713 = vector.extract_strided_slice %add3A_1613 {offsets = [640, 0], sizes = [64, 64], strides = [1, 1]} : vector<1024x64xf32> to vector<64x64xf32>
    %slice3A_1714 = vector.extract_strided_slice %add3A_1620 {offsets = [640, 0], sizes = [64, 64], strides = [1, 1]} : vector<1024x64xf32> to vector<64x64xf32>
    %slice3A_1715 = vector.extract_strided_slice %add3A_1627 {offsets = [640, 0], sizes = [64, 64], strides = [1, 1]} : vector<1024x64xf32> to vector<64x64xf32>
    %slice3A_1716 = vector.extract_strided_slice %add3A_1578 {offsets = [704, 0], sizes = [64, 64], strides = [1, 1]} : vector<1024x64xf32> to vector<64x64xf32>
    %slice3A_1717 = vector.extract_strided_slice %add3A_1585 {offsets = [704, 0], sizes = [64, 64], strides = [1, 1]} : vector<1024x64xf32> to vector<64x64xf32>
    %slice3A_1718 = vector.extract_strided_slice %add3A_1592 {offsets = [704, 0], sizes = [64, 64], strides = [1, 1]} : vector<1024x64xf32> to vector<64x64xf32>
    %slice3A_1719 = vector.extract_strided_slice %add3A_1599 {offsets = [704, 0], sizes = [64, 64], strides = [1, 1]} : vector<1024x64xf32> to vector<64x64xf32>
    %slice3A_1720 = vector.extract_strided_slice %add3A_1606 {offsets = [704, 0], sizes = [64, 64], strides = [1, 1]} : vector<1024x64xf32> to vector<64x64xf32>
    %slice3A_1721 = vector.extract_strided_slice %add3A_1613 {offsets = [704, 0], sizes = [64, 64], strides = [1, 1]} : vector<1024x64xf32> to vector<64x64xf32>
    %slice3A_1722 = vector.extract_strided_slice %add3A_1620 {offsets = [704, 0], sizes = [64, 64], strides = [1, 1]} : vector<1024x64xf32> to vector<64x64xf32>
    %slice3A_1723 = vector.extract_strided_slice %add3A_1627 {offsets = [704, 0], sizes = [64, 64], strides = [1, 1]} : vector<1024x64xf32> to vector<64x64xf32>
    %slice3A_1724 = vector.extract_strided_slice %add3A_1578 {offsets = [768, 0], sizes = [64, 64], strides = [1, 1]} : vector<1024x64xf32> to vector<64x64xf32>
    %slice3A_1725 = vector.extract_strided_slice %add3A_1585 {offsets = [768, 0], sizes = [64, 64], strides = [1, 1]} : vector<1024x64xf32> to vector<64x64xf32>
    %slice3A_1726 = vector.extract_strided_slice %add3A_1592 {offsets = [768, 0], sizes = [64, 64], strides = [1, 1]} : vector<1024x64xf32> to vector<64x64xf32>
    %slice3A_1727 = vector.extract_strided_slice %add3A_1599 {offsets = [768, 0], sizes = [64, 64], strides = [1, 1]} : vector<1024x64xf32> to vector<64x64xf32>
    %slice3A_1728 = vector.extract_strided_slice %add3A_1606 {offsets = [768, 0], sizes = [64, 64], strides = [1, 1]} : vector<1024x64xf32> to vector<64x64xf32>
    %slice3A_1729 = vector.extract_strided_slice %add3A_1613 {offsets = [768, 0], sizes = [64, 64], strides = [1, 1]} : vector<1024x64xf32> to vector<64x64xf32>
    %slice3A_1730 = vector.extract_strided_slice %add3A_1620 {offsets = [768, 0], sizes = [64, 64], strides = [1, 1]} : vector<1024x64xf32> to vector<64x64xf32>
    %slice3A_1731 = vector.extract_strided_slice %add3A_1627 {offsets = [768, 0], sizes = [64, 64], strides = [1, 1]} : vector<1024x64xf32> to vector<64x64xf32>
    %slice3A_1732 = vector.extract_strided_slice %add3A_1578 {offsets = [832, 0], sizes = [64, 64], strides = [1, 1]} : vector<1024x64xf32> to vector<64x64xf32>
    %slice3A_1733 = vector.extract_strided_slice %add3A_1585 {offsets = [832, 0], sizes = [64, 64], strides = [1, 1]} : vector<1024x64xf32> to vector<64x64xf32>
    %slice3A_1734 = vector.extract_strided_slice %add3A_1592 {offsets = [832, 0], sizes = [64, 64], strides = [1, 1]} : vector<1024x64xf32> to vector<64x64xf32>
    %slice3A_1735 = vector.extract_strided_slice %add3A_1599 {offsets = [832, 0], sizes = [64, 64], strides = [1, 1]} : vector<1024x64xf32> to vector<64x64xf32>
    %slice3A_1736 = vector.extract_strided_slice %add3A_1606 {offsets = [832, 0], sizes = [64, 64], strides = [1, 1]} : vector<1024x64xf32> to vector<64x64xf32>
    %slice3A_1737 = vector.extract_strided_slice %add3A_1613 {offsets = [832, 0], sizes = [64, 64], strides = [1, 1]} : vector<1024x64xf32> to vector<64x64xf32>
    %slice3A_1738 = vector.extract_strided_slice %add3A_1620 {offsets = [832, 0], sizes = [64, 64], strides = [1, 1]} : vector<1024x64xf32> to vector<64x64xf32>
    %slice3A_1739 = vector.extract_strided_slice %add3A_1627 {offsets = [832, 0], sizes = [64, 64], strides = [1, 1]} : vector<1024x64xf32> to vector<64x64xf32>
    %slice3A_1740 = vector.extract_strided_slice %add3A_1578 {offsets = [896, 0], sizes = [64, 64], strides = [1, 1]} : vector<1024x64xf32> to vector<64x64xf32>
    %slice3A_1741 = vector.extract_strided_slice %add3A_1585 {offsets = [896, 0], sizes = [64, 64], strides = [1, 1]} : vector<1024x64xf32> to vector<64x64xf32>
    %slice3A_1742 = vector.extract_strided_slice %add3A_1592 {offsets = [896, 0], sizes = [64, 64], strides = [1, 1]} : vector<1024x64xf32> to vector<64x64xf32>
    %slice3A_1743 = vector.extract_strided_slice %add3A_1599 {offsets = [896, 0], sizes = [64, 64], strides = [1, 1]} : vector<1024x64xf32> to vector<64x64xf32>
    %slice3A_1744 = vector.extract_strided_slice %add3A_1606 {offsets = [896, 0], sizes = [64, 64], strides = [1, 1]} : vector<1024x64xf32> to vector<64x64xf32>
    %slice3A_1745 = vector.extract_strided_slice %add3A_1613 {offsets = [896, 0], sizes = [64, 64], strides = [1, 1]} : vector<1024x64xf32> to vector<64x64xf32>
    %slice3A_1746 = vector.extract_strided_slice %add3A_1620 {offsets = [896, 0], sizes = [64, 64], strides = [1, 1]} : vector<1024x64xf32> to vector<64x64xf32>
    %slice3A_1747 = vector.extract_strided_slice %add3A_1627 {offsets = [896, 0], sizes = [64, 64], strides = [1, 1]} : vector<1024x64xf32> to vector<64x64xf32>
    %slice3A_1748 = vector.extract_strided_slice %add3A_1578 {offsets = [960, 0], sizes = [64, 64], strides = [1, 1]} : vector<1024x64xf32> to vector<64x64xf32>
    %slice3A_1749 = vector.extract_strided_slice %add3A_1585 {offsets = [960, 0], sizes = [64, 64], strides = [1, 1]} : vector<1024x64xf32> to vector<64x64xf32>
    %slice3A_1750 = vector.extract_strided_slice %add3A_1592 {offsets = [960, 0], sizes = [64, 64], strides = [1, 1]} : vector<1024x64xf32> to vector<64x64xf32>
    %slice3A_1751 = vector.extract_strided_slice %add3A_1599 {offsets = [960, 0], sizes = [64, 64], strides = [1, 1]} : vector<1024x64xf32> to vector<64x64xf32>
    %slice3A_1752 = vector.extract_strided_slice %add3A_1606 {offsets = [960, 0], sizes = [64, 64], strides = [1, 1]} : vector<1024x64xf32> to vector<64x64xf32>
    %slice3A_1753 = vector.extract_strided_slice %add3A_1613 {offsets = [960, 0], sizes = [64, 64], strides = [1, 1]} : vector<1024x64xf32> to vector<64x64xf32>
    %slice3A_1754 = vector.extract_strided_slice %add3A_1620 {offsets = [960, 0], sizes = [64, 64], strides = [1, 1]} : vector<1024x64xf32> to vector<64x64xf32>
    %slice3A_1755 = vector.extract_strided_slice %add3A_1627 {offsets = [960, 0], sizes = [64, 64], strides = [1, 1]} : vector<1024x64xf32> to vector<64x64xf32>
    %concatenate3A_1756 = tpu.concatenate %slice3A_1628, %slice3A_1629, %slice3A_1630, %slice3A_1631, %slice3A_1632, %slice3A_1633, %slice3A_1634, %slice3A_1635, %slice3A_1636, %slice3A_1637, %slice3A_1638, %slice3A_1639, %slice3A_1640, %slice3A_1641, %slice3A_1642, %slice3A_1643, %slice3A_1644, %slice3A_1645, %slice3A_1646, %slice3A_1647, %slice3A_1648, %slice3A_1649, %slice3A_1650, %slice3A_1651, %slice3A_1652, %slice3A_1653, %slice3A_1654, %slice3A_1655, %slice3A_1656, %slice3A_1657, %slice3A_1658, %slice3A_1659, %slice3A_1660, %slice3A_1661, %slice3A_1662, %slice3A_1663, %slice3A_1664, %slice3A_1665, %slice3A_1666, %slice3A_1667, %slice3A_1668, %slice3A_1669, %slice3A_1670, %slice3A_1671, %slice3A_1672, %slice3A_1673, %slice3A_1674, %slice3A_1675, %slice3A_1676, %slice3A_1677, %slice3A_1678, %slice3A_1679, %slice3A_1680, %slice3A_1681, %slice3A_1682, %slice3A_1683, %slice3A_1684, %slice3A_1685, %slice3A_1686, %slice3A_1687, %slice3A_1688, %slice3A_1689, %slice3A_1690, %slice3A_1691, %slice3A_1692, %slice3A_1693, %slice3A_1694, %slice3A_1695, %slice3A_1696, %slice3A_1697, %slice3A_1698, %slice3A_1699, %slice3A_1700, %slice3A_1701, %slice3A_1702, %slice3A_1703, %slice3A_1704, %slice3A_1705, %slice3A_1706, %slice3A_1707, %slice3A_1708, %slice3A_1709, %slice3A_1710, %slice3A_1711, %slice3A_1712, %slice3A_1713, %slice3A_1714, %slice3A_1715, %slice3A_1716, %slice3A_1717, %slice3A_1718, %slice3A_1719, %slice3A_1720, %slice3A_1721, %slice3A_1722, %slice3A_1723, %slice3A_1724, %slice3A_1725, %slice3A_1726, %slice3A_1727, %slice3A_1728, %slice3A_1729, %slice3A_1730, %slice3A_1731, %slice3A_1732, %slice3A_1733, %slice3A_1734, %slice3A_1735, %slice3A_1736, %slice3A_1737, %slice3A_1738, %slice3A_1739, %slice3A_1740, %slice3A_1741, %slice3A_1742, %slice3A_1743, %slice3A_1744, %slice3A_1745, %slice3A_1746, %slice3A_1747, %slice3A_1748, %slice3A_1749, %slice3A_1750, %slice3A_1751, %slice3A_1752, %slice3A_1753, %slice3A_1754, %slice3A_1755 in 0 : vector<64x64xf32>, vector<64x64xf32>, vector<64x64xf32>, vector<64x64xf32>, vector<64x64xf32>, vector<64x64xf32>, vector<64x64xf32>, vector<64x64xf32>, vector<64x64xf32>, vector<64x64xf32>, vector<64x64xf32>, vector<64x64xf32>, vector<64x64xf32>, vector<64x64xf32>, vector<64x64xf32>, vector<64x64xf32>, vector<64x64xf32>, vector<64x64xf32>, vector<64x64xf32>, vector<64x64xf32>, vector<64x64xf32>, vector<64x64xf32>, vector<64x64xf32>, vector<64x64xf32>, vector<64x64xf32>, vector<64x64xf32>, vector<64x64xf32>, vector<64x64xf32>, vector<64x64xf32>, vector<64x64xf32>, vector<64x64xf32>, vector<64x64xf32>, vector<64x64xf32>, vector<64x64xf32>, vector<64x64xf32>, vector<64x64xf32>, vector<64x64xf32>, vector<64x64xf32>, vector<64x64xf32>, vector<64x64xf32>, vector<64x64xf32>, vector<64x64xf32>, vector<64x64xf32>, vector<64x64xf32>, vector<64x64xf32>, vector<64x64xf32>, vector<64x64xf32>, vector<64x64xf32>, vector<64x64xf32>, vector<64x64xf32>, vector<64x64xf32>, vector<64x64xf32>, vector<64x64xf32>, vector<64x64xf32>, vector<64x64xf32>, vector<64x64xf32>, vector<64x64xf32>, vector<64x64xf32>, vector<64x64xf32>, vector<64x64xf32>, vector<64x64xf32>, vector<64x64xf32>, vector<64x64xf32>, vector<64x64xf32>, vector<64x64xf32>, vector<64x64xf32>, vector<64x64xf32>, vector<64x64xf32>, vector<64x64xf32>, vector<64x64xf32>, vector<64x64xf32>, vector<64x64xf32>, vector<64x64xf32>, vector<64x64xf32>, vector<64x64xf32>, vector<64x64xf32>, vector<64x64xf32>, vector<64x64xf32>, vector<64x64xf32>, vector<64x64xf32>, vector<64x64xf32>, vector<64x64xf32>, vector<64x64xf32>, vector<64x64xf32>, vector<64x64xf32>, vector<64x64xf32>, vector<64x64xf32>, vector<64x64xf32>, vector<64x64xf32>, vector<64x64xf32>, vector<64x64xf32>, vector<64x64xf32>, vector<64x64xf32>, vector<64x64xf32>, vector<64x64xf32>, vector<64x64xf32>, vector<64x64xf32>, vector<64x64xf32>, vector<64x64xf32>, vector<64x64xf32>, vector<64x64xf32>, vector<64x64xf32>, vector<64x64xf32>, vector<64x64xf32>, vector<64x64xf32>, vector<64x64xf32>, vector<64x64xf32>, vector<64x64xf32>, vector<64x64xf32>, vector<64x64xf32>, vector<64x64xf32>, vector<64x64xf32>, vector<64x64xf32>, vector<64x64xf32>, vector<64x64xf32>, vector<64x64xf32>, vector<64x64xf32>, vector<64x64xf32>, vector<64x64xf32>, vector<64x64xf32>, vector<64x64xf32>, vector<64x64xf32>, vector<64x64xf32>, vector<64x64xf32>, vector<64x64xf32>, vector<64x64xf32>, vector<64x64xf32>, vector<64x64xf32> -> vector<8192x64xf32>
    %concatenate3A_1757 = tpu.concatenate %dot_general3A_1564, %dot_general3A_1564, %dot_general3A_1564, %dot_general3A_1564, %dot_general3A_1564, %dot_general3A_1564, %dot_general3A_1564, %dot_general3A_1564, %dot_general3A_1564, %dot_general3A_1564, %dot_general3A_1564, %dot_general3A_1564, %dot_general3A_1564, %dot_general3A_1564, %dot_general3A_1564, %dot_general3A_1564 in 0 : vector<512x64xf32>, vector<512x64xf32>, vector<512x64xf32>, vector<512x64xf32>, vector<512x64xf32>, vector<512x64xf32>, vector<512x64xf32>, vector<512x64xf32>, vector<512x64xf32>, vector<512x64xf32>, vector<512x64xf32>, vector<512x64xf32>, vector<512x64xf32>, vector<512x64xf32>, vector<512x64xf32>, vector<512x64xf32> -> vector<8192x64xf32>
    %convert_element_type3A_1758 = arith.truncf %get3A_1555 : vector<1x64xf32> to vector<1x64xbf16>
    %convert_element_type3A_1759 = arith.extf %convert_element_type3A_1758 : vector<1x64xbf16> to vector<1x64xf32>
    %mul3A_1760 = vector.broadcast %convert_element_type3A_784 : vector<4096x1xf32> to vector<4096x64xf32>
    %mul3A_1761 = vector.broadcast %convert_element_type3A_1759 : vector<1x64xf32> to vector<4096x64xf32>
    %mul3A_1762 = arith.mulf %mul3A_1760, %mul3A_1761 : vector<4096x64xf32>
    %mul3A_1763 = vector.broadcast %convert_element_type3A_787 : vector<4096x1xf32> to vector<4096x64xf32>
    %mul3A_1764 = vector.broadcast %convert_element_type3A_1759 : vector<1x64xf32> to vector<4096x64xf32>
    %mul3A_1765 = arith.mulf %mul3A_1763, %mul3A_1764 : vector<4096x64xf32>
    %concatenate3A_1766 = tpu.concatenate %mul3A_1762, %mul3A_1765 in 0 : vector<4096x64xf32>, vector<4096x64xf32> -> vector<8192x64xf32>
    %add3A_1767 = arith.addf %concatenate3A_1757, %concatenate3A_1756 : vector<8192x64xf32>
    %add3A_1768 = arith.addf %add3A_1767, %concatenate3A_1766 : vector<8192x64xf32>
    %add3A_1769 = vector.broadcast %get3A_1558 : vector<1x64xf32> to vector<8192x64xf32>
    %add3A_1770 = arith.addf %add3A_1768, %add3A_1769 : vector<8192x64xf32>
    %neg3A_1771 = arith.constant 0.000000e+00 : f32
    %neg3A_1772 = vector.broadcast %neg3A_1771 : f32 to vector<8192x64xf32>
    %neg3A_1773 = arith.subf %neg3A_1772, %add3A_1770 : vector<8192x64xf32>
    %exp3A_1774 = math.exp %neg3A_1773 : vector<8192x64xf32>
    %add3A_1775 = arith.constant 1.000000e+00 : f32
    %add3A_1776 = vector.broadcast %add3A_1775 : f32 to vector<8192x64xf32>
    %add3A_1777 = arith.addf %add3A_1776, %exp3A_1774 : vector<8192x64xf32>
    %div3A_1778 = arith.divf %add3A_1770, %add3A_1777 : vector<8192x64xf32>
    %slice3A_1779 = vector.extract_strided_slice %div3A_1778 {offsets = [0, 0], sizes = [512, 64], strides = [1, 1]} : vector<8192x64xf32> to vector<512x64xf32>
    %slice3A_1780 = vector.extract_strided_slice %div3A_1778 {offsets = [512, 0], sizes = [512, 64], strides = [1, 1]} : vector<8192x64xf32> to vector<512x64xf32>
    %add3A_1781 = arith.addf %slice3A_1779, %slice3A_1780 : vector<512x64xf32>
    %slice3A_1782 = vector.extract_strided_slice %div3A_1778 {offsets = [1024, 0], sizes = [512, 64], strides = [1, 1]} : vector<8192x64xf32> to vector<512x64xf32>
    %add3A_1783 = arith.addf %add3A_1781, %slice3A_1782 : vector<512x64xf32>
    %slice3A_1784 = vector.extract_strided_slice %div3A_1778 {offsets = [1536, 0], sizes = [512, 64], strides = [1, 1]} : vector<8192x64xf32> to vector<512x64xf32>
    %add3A_1785 = arith.addf %add3A_1783, %slice3A_1784 : vector<512x64xf32>
    %slice3A_1786 = vector.extract_strided_slice %div3A_1778 {offsets = [2048, 0], sizes = [512, 64], strides = [1, 1]} : vector<8192x64xf32> to vector<512x64xf32>
    %add3A_1787 = arith.addf %add3A_1785, %slice3A_1786 : vector<512x64xf32>
    %slice3A_1788 = vector.extract_strided_slice %div3A_1778 {offsets = [2560, 0], sizes = [512, 64], strides = [1, 1]} : vector<8192x64xf32> to vector<512x64xf32>
    %add3A_1789 = arith.addf %add3A_1787, %slice3A_1788 : vector<512x64xf32>
    %slice3A_1790 = vector.extract_strided_slice %div3A_1778 {offsets = [3072, 0], sizes = [512, 64], strides = [1, 1]} : vector<8192x64xf32> to vector<512x64xf32>
    %add3A_1791 = arith.addf %add3A_1789, %slice3A_1790 : vector<512x64xf32>
    %slice3A_1792 = vector.extract_strided_slice %div3A_1778 {offsets = [3584, 0], sizes = [512, 64], strides = [1, 1]} : vector<8192x64xf32> to vector<512x64xf32>
    %add3A_1793 = arith.addf %add3A_1791, %slice3A_1792 : vector<512x64xf32>
    %slice3A_1794 = vector.extract_strided_slice %div3A_1778 {offsets = [4096, 0], sizes = [512, 64], strides = [1, 1]} : vector<8192x64xf32> to vector<512x64xf32>
    %add3A_1795 = arith.addf %add3A_1793, %slice3A_1794 : vector<512x64xf32>
    %slice3A_1796 = vector.extract_strided_slice %div3A_1778 {offsets = [4608, 0], sizes = [512, 64], strides = [1, 1]} : vector<8192x64xf32> to vector<512x64xf32>
    %add3A_1797 = arith.addf %add3A_1795, %slice3A_1796 : vector<512x64xf32>
    %slice3A_1798 = vector.extract_strided_slice %div3A_1778 {offsets = [5120, 0], sizes = [512, 64], strides = [1, 1]} : vector<8192x64xf32> to vector<512x64xf32>
    %add3A_1799 = arith.addf %add3A_1797, %slice3A_1798 : vector<512x64xf32>
    %slice3A_1800 = vector.extract_strided_slice %div3A_1778 {offsets = [5632, 0], sizes = [512, 64], strides = [1, 1]} : vector<8192x64xf32> to vector<512x64xf32>
    %add3A_1801 = arith.addf %add3A_1799, %slice3A_1800 : vector<512x64xf32>
    %slice3A_1802 = vector.extract_strided_slice %div3A_1778 {offsets = [6144, 0], sizes = [512, 64], strides = [1, 1]} : vector<8192x64xf32> to vector<512x64xf32>
    %add3A_1803 = arith.addf %add3A_1801, %slice3A_1802 : vector<512x64xf32>
    %slice3A_1804 = vector.extract_strided_slice %div3A_1778 {offsets = [6656, 0], sizes = [512, 64], strides = [1, 1]} : vector<8192x64xf32> to vector<512x64xf32>
    %add3A_1805 = arith.addf %add3A_1803, %slice3A_1804 : vector<512x64xf32>
    %slice3A_1806 = vector.extract_strided_slice %div3A_1778 {offsets = [7168, 0], sizes = [512, 64], strides = [1, 1]} : vector<8192x64xf32> to vector<512x64xf32>
    %add3A_1807 = arith.addf %add3A_1805, %slice3A_1806 : vector<512x64xf32>
    %slice3A_1808 = vector.extract_strided_slice %div3A_1778 {offsets = [7680, 0], sizes = [512, 64], strides = [1, 1]} : vector<8192x64xf32> to vector<512x64xf32>
    %add3A_1809 = arith.addf %add3A_1807, %slice3A_1808 : vector<512x64xf32>
    %convert_element_type3A_1810 = arith.truncf %add3A_1540 : vector<512x64xf32> to vector<512x64xbf16>
    %convert_element_type3A_1811 = arith.extf %convert_element_type3A_1810 : vector<512x64xbf16> to vector<512x64xf32>
    %get3A_1812 = arith.constant 2 : index
    %get3A_1813 = arith.constant 0 : index
    %get3A_1814 = arith.constant 0 : index
    %get3A_1815 = vector.load %arg7[%get3A_1812, %get3A_1813, %get3A_1814] : memref<3x128x64xf32, #tpu.memory_space<vmem>>, vector<1x64x64xf32>
    %get3A_1816 = vector.shape_cast %get3A_1815 : vector<1x64x64xf32> to vector<64x64xf32>
    %convert_element_type3A_1817 = arith.truncf %get3A_1816 : vector<64x64xf32> to vector<64x64xbf16>
    %convert_element_type3A_1818 = arith.extf %convert_element_type3A_1817 : vector<64x64xbf16> to vector<64x64xf32>
    %dot_general3A_1819 = arith.constant dense<0.000000e+00> : vector<512x64xf32>
    %dot_general3A_1820 = tpu.matmul %convert_element_type3A_1811, %convert_element_type3A_1818, %dot_general3A_1819 {dimension_numbers = #tpu.dot_dimension_numbers<[1], [0], [0], [1], [0, 0, 1, 1], [], []>, transpose_lhs_hint = false} : vector<512x64xf32>, vector<64x64xf32>, vector<512x64xf32> -> vector<512x64xf32>
    %convert_element_type3A_1821 = arith.truncf %add3A_1809 : vector<512x64xf32> to vector<512x64xbf16>
    %convert_element_type3A_1822 = arith.extf %convert_element_type3A_1821 : vector<512x64xbf16> to vector<512x64xf32>
    %get3A_1823 = arith.constant 2 : index
    %get3A_1824 = arith.constant 64 : index
    %get3A_1825 = arith.constant 0 : index
    %get3A_1826 = vector.load %arg7[%get3A_1823, %get3A_1824, %get3A_1825] : memref<3x128x64xf32, #tpu.memory_space<vmem>>, vector<1x64x64xf32>
    %get3A_1827 = vector.shape_cast %get3A_1826 : vector<1x64x64xf32> to vector<64x64xf32>
    %convert_element_type3A_1828 = arith.truncf %get3A_1827 : vector<64x64xf32> to vector<64x64xbf16>
    %convert_element_type3A_1829 = arith.extf %convert_element_type3A_1828 : vector<64x64xbf16> to vector<64x64xf32>
    %dot_general3A_1830 = arith.constant dense<0.000000e+00> : vector<512x64xf32>
    %dot_general3A_1831 = tpu.matmul %convert_element_type3A_1822, %convert_element_type3A_1829, %dot_general3A_1830 {dimension_numbers = #tpu.dot_dimension_numbers<[1], [0], [0], [1], [0, 0, 1, 1], [], []>, transpose_lhs_hint = false} : vector<512x64xf32>, vector<64x64xf32>, vector<512x64xf32> -> vector<512x64xf32>
    %add3A_1832 = arith.addf %dot_general3A_1820, %dot_general3A_1831 : vector<512x64xf32>
    %get3A_1833 = arith.constant 2 : index
    %get3A_1834 = arith.constant 0 : index
    %get3A_1835 = vector.load %arg8[%get3A_1833, %get3A_1834] : memref<3x64xf32, #tpu.memory_space<vmem>>, vector<1x64xf32>
    %add3A_1836 = vector.broadcast %get3A_1835 : vector<1x64xf32> to vector<512x64xf32>
    %add3A_1837 = arith.addf %add3A_1832, %add3A_1836 : vector<512x64xf32>
    %neg3A_1838 = arith.constant 0.000000e+00 : f32
    %neg3A_1839 = vector.broadcast %neg3A_1838 : f32 to vector<512x64xf32>
    %neg3A_1840 = arith.subf %neg3A_1839, %add3A_1837 : vector<512x64xf32>
    %exp3A_1841 = math.exp %neg3A_1840 : vector<512x64xf32>
    %add3A_1842 = arith.constant 1.000000e+00 : f32
    %add3A_1843 = vector.broadcast %add3A_1842 : f32 to vector<512x64xf32>
    %add3A_1844 = arith.addf %add3A_1843, %exp3A_1841 : vector<512x64xf32>
    %div3A_1845 = arith.divf %add3A_1837, %add3A_1844 : vector<512x64xf32>
    %add3A_1846 = arith.addf %add3A_1540, %div3A_1845 : vector<512x64xf32>
    %get3A_1847 = arith.constant 0 : index
    %get3A_1848 = arith.constant 0 : index
    %get3A_1849 = vector.load %arg9[%get3A_1847, %get3A_1848] : memref<129x64xf32, #tpu.memory_space<vmem>>, vector<64x64xf32>
    %get3A_1850 = arith.constant 64 : index
    %get3A_1851 = arith.constant 0 : index
    %get3A_1852 = vector.load %arg9[%get3A_1850, %get3A_1851] : memref<129x64xf32, #tpu.memory_space<vmem>>, vector<64x64xf32>
    %get3A_1853 = arith.constant 128 : index
    %get3A_1854 = arith.constant 0 : index
    %get3A_1855 = vector.load %arg9[%get3A_1853, %get3A_1854] : memref<129x64xf32, #tpu.memory_space<vmem>>, vector<1x64xf32>
    %get3A_1856 = arith.constant 0 : index
    %get3A_1857 = arith.constant 0 : index
    %get3A_1858 = vector.load %arg10[%get3A_1856, %get3A_1857] : memref<1x64xf32, #tpu.memory_space<vmem>>, vector<1x64xf32>
    %convert_element_type3A_1859 = arith.truncf %add3A_1846 : vector<512x64xf32> to vector<512x64xbf16>
    %convert_element_type3A_1860 = arith.extf %convert_element_type3A_1859 : vector<512x64xbf16> to vector<512x64xf32>
    %convert_element_type3A_1861 = arith.truncf %get3A_1849 : vector<64x64xf32> to vector<64x64xbf16>
    %convert_element_type3A_1862 = arith.extf %convert_element_type3A_1861 : vector<64x64xbf16> to vector<64x64xf32>
    %dot_general3A_1863 = arith.constant dense<0.000000e+00> : vector<512x64xf32>
    %dot_general3A_1864 = tpu.matmul %convert_element_type3A_1860, %convert_element_type3A_1862, %dot_general3A_1863 {dimension_numbers = #tpu.dot_dimension_numbers<[1], [0], [0], [1], [0, 0, 1, 1], [], []>, transpose_lhs_hint = false} : vector<512x64xf32>, vector<64x64xf32>, vector<512x64xf32> -> vector<512x64xf32>
    %convert_element_type3A_1865 = arith.truncf %get3A_1852 : vector<64x64xf32> to vector<64x64xbf16>
    %convert_element_type3A_1866 = arith.extf %convert_element_type3A_1865 : vector<64x64xbf16> to vector<64x64xf32>
    %dot_general3A_1867 = arith.constant dense<0.000000e+00> : vector<512x64xf32>
    %dot_general3A_1868 = tpu.matmul %convert_element_type3A_1860, %convert_element_type3A_1866, %dot_general3A_1867 {dimension_numbers = #tpu.dot_dimension_numbers<[1], [0], [0], [1], [0, 0, 1, 1], [], []>, transpose_lhs_hint = false} : vector<512x64xf32>, vector<64x64xf32>, vector<512x64xf32> -> vector<512x64xf32>
    %convert_element_type3A_1869 = arith.truncf %dot_general3A_1868 : vector<512x64xf32> to vector<512x64xbf16>
    %convert_element_type3A_1870 = arith.extf %convert_element_type3A_1869 : vector<512x64xbf16> to vector<512x64xf32>
    %sub3A_1871 = arith.subf %dot_general3A_1868, %convert_element_type3A_1870 : vector<512x64xf32>
    %slice3A_1872 = vector.extract_strided_slice %convert_element_type3A_1870 {offsets = [0, 0], sizes = [64, 64], strides = [1, 1]} : vector<512x64xf32> to vector<64x64xf32>
    %dot_general3A_1873 = arith.constant dense<0.000000e+00> : vector<1024x64xf32>
    %dot_general3A_1874 = tpu.matmul %concatenate3A_807, %slice3A_1872, %dot_general3A_1873 {dimension_numbers = #tpu.dot_dimension_numbers<[1], [0], [0], [1], [0, 0, 1, 1], [], []>, transpose_lhs_hint = false} : vector<1024x64xf32>, vector<64x64xf32>, vector<1024x64xf32> -> vector<1024x64xf32>
    %slice3A_1875 = vector.extract_strided_slice %sub3A_1871 {offsets = [0, 0], sizes = [64, 64], strides = [1, 1]} : vector<512x64xf32> to vector<64x64xf32>
    %dot_general3A_1876 = arith.constant dense<0.000000e+00> : vector<1024x64xf32>
    %dot_general3A_1877 = tpu.matmul %concatenate3A_807, %slice3A_1875, %dot_general3A_1876 {dimension_numbers = #tpu.dot_dimension_numbers<[1], [0], [0], [1], [0, 0, 1, 1], [], []>, transpose_lhs_hint = false} : vector<1024x64xf32>, vector<64x64xf32>, vector<1024x64xf32> -> vector<1024x64xf32>
    %add3A_1878 = arith.addf %dot_general3A_1874, %dot_general3A_1877 : vector<1024x64xf32>
    %slice3A_1879 = vector.extract_strided_slice %convert_element_type3A_1870 {offsets = [64, 0], sizes = [64, 64], strides = [1, 1]} : vector<512x64xf32> to vector<64x64xf32>
    %dot_general3A_1880 = arith.constant dense<0.000000e+00> : vector<1024x64xf32>
    %dot_general3A_1881 = tpu.matmul %concatenate3A_824, %slice3A_1879, %dot_general3A_1880 {dimension_numbers = #tpu.dot_dimension_numbers<[1], [0], [0], [1], [0, 0, 1, 1], [], []>, transpose_lhs_hint = false} : vector<1024x64xf32>, vector<64x64xf32>, vector<1024x64xf32> -> vector<1024x64xf32>
    %slice3A_1882 = vector.extract_strided_slice %sub3A_1871 {offsets = [64, 0], sizes = [64, 64], strides = [1, 1]} : vector<512x64xf32> to vector<64x64xf32>
    %dot_general3A_1883 = arith.constant dense<0.000000e+00> : vector<1024x64xf32>
    %dot_general3A_1884 = tpu.matmul %concatenate3A_824, %slice3A_1882, %dot_general3A_1883 {dimension_numbers = #tpu.dot_dimension_numbers<[1], [0], [0], [1], [0, 0, 1, 1], [], []>, transpose_lhs_hint = false} : vector<1024x64xf32>, vector<64x64xf32>, vector<1024x64xf32> -> vector<1024x64xf32>
    %add3A_1885 = arith.addf %dot_general3A_1881, %dot_general3A_1884 : vector<1024x64xf32>
    %slice3A_1886 = vector.extract_strided_slice %convert_element_type3A_1870 {offsets = [128, 0], sizes = [64, 64], strides = [1, 1]} : vector<512x64xf32> to vector<64x64xf32>
    %dot_general3A_1887 = arith.constant dense<0.000000e+00> : vector<1024x64xf32>
    %dot_general3A_1888 = tpu.matmul %concatenate3A_841, %slice3A_1886, %dot_general3A_1887 {dimension_numbers = #tpu.dot_dimension_numbers<[1], [0], [0], [1], [0, 0, 1, 1], [], []>, transpose_lhs_hint = false} : vector<1024x64xf32>, vector<64x64xf32>, vector<1024x64xf32> -> vector<1024x64xf32>
    %slice3A_1889 = vector.extract_strided_slice %sub3A_1871 {offsets = [128, 0], sizes = [64, 64], strides = [1, 1]} : vector<512x64xf32> to vector<64x64xf32>
    %dot_general3A_1890 = arith.constant dense<0.000000e+00> : vector<1024x64xf32>
    %dot_general3A_1891 = tpu.matmul %concatenate3A_841, %slice3A_1889, %dot_general3A_1890 {dimension_numbers = #tpu.dot_dimension_numbers<[1], [0], [0], [1], [0, 0, 1, 1], [], []>, transpose_lhs_hint = false} : vector<1024x64xf32>, vector<64x64xf32>, vector<1024x64xf32> -> vector<1024x64xf32>
    %add3A_1892 = arith.addf %dot_general3A_1888, %dot_general3A_1891 : vector<1024x64xf32>
    %slice3A_1893 = vector.extract_strided_slice %convert_element_type3A_1870 {offsets = [192, 0], sizes = [64, 64], strides = [1, 1]} : vector<512x64xf32> to vector<64x64xf32>
    %dot_general3A_1894 = arith.constant dense<0.000000e+00> : vector<1024x64xf32>
    %dot_general3A_1895 = tpu.matmul %concatenate3A_858, %slice3A_1893, %dot_general3A_1894 {dimension_numbers = #tpu.dot_dimension_numbers<[1], [0], [0], [1], [0, 0, 1, 1], [], []>, transpose_lhs_hint = false} : vector<1024x64xf32>, vector<64x64xf32>, vector<1024x64xf32> -> vector<1024x64xf32>
    %slice3A_1896 = vector.extract_strided_slice %sub3A_1871 {offsets = [192, 0], sizes = [64, 64], strides = [1, 1]} : vector<512x64xf32> to vector<64x64xf32>
    %dot_general3A_1897 = arith.constant dense<0.000000e+00> : vector<1024x64xf32>
    %dot_general3A_1898 = tpu.matmul %concatenate3A_858, %slice3A_1896, %dot_general3A_1897 {dimension_numbers = #tpu.dot_dimension_numbers<[1], [0], [0], [1], [0, 0, 1, 1], [], []>, transpose_lhs_hint = false} : vector<1024x64xf32>, vector<64x64xf32>, vector<1024x64xf32> -> vector<1024x64xf32>
    %add3A_1899 = arith.addf %dot_general3A_1895, %dot_general3A_1898 : vector<1024x64xf32>
    %slice3A_1900 = vector.extract_strided_slice %convert_element_type3A_1870 {offsets = [256, 0], sizes = [64, 64], strides = [1, 1]} : vector<512x64xf32> to vector<64x64xf32>
    %dot_general3A_1901 = arith.constant dense<0.000000e+00> : vector<1024x64xf32>
    %dot_general3A_1902 = tpu.matmul %concatenate3A_875, %slice3A_1900, %dot_general3A_1901 {dimension_numbers = #tpu.dot_dimension_numbers<[1], [0], [0], [1], [0, 0, 1, 1], [], []>, transpose_lhs_hint = false} : vector<1024x64xf32>, vector<64x64xf32>, vector<1024x64xf32> -> vector<1024x64xf32>
    %slice3A_1903 = vector.extract_strided_slice %sub3A_1871 {offsets = [256, 0], sizes = [64, 64], strides = [1, 1]} : vector<512x64xf32> to vector<64x64xf32>
    %dot_general3A_1904 = arith.constant dense<0.000000e+00> : vector<1024x64xf32>
    %dot_general3A_1905 = tpu.matmul %concatenate3A_875, %slice3A_1903, %dot_general3A_1904 {dimension_numbers = #tpu.dot_dimension_numbers<[1], [0], [0], [1], [0, 0, 1, 1], [], []>, transpose_lhs_hint = false} : vector<1024x64xf32>, vector<64x64xf32>, vector<1024x64xf32> -> vector<1024x64xf32>
    %add3A_1906 = arith.addf %dot_general3A_1902, %dot_general3A_1905 : vector<1024x64xf32>
    %slice3A_1907 = vector.extract_strided_slice %convert_element_type3A_1870 {offsets = [320, 0], sizes = [64, 64], strides = [1, 1]} : vector<512x64xf32> to vector<64x64xf32>
    %dot_general3A_1908 = arith.constant dense<0.000000e+00> : vector<1024x64xf32>
    %dot_general3A_1909 = tpu.matmul %concatenate3A_892, %slice3A_1907, %dot_general3A_1908 {dimension_numbers = #tpu.dot_dimension_numbers<[1], [0], [0], [1], [0, 0, 1, 1], [], []>, transpose_lhs_hint = false} : vector<1024x64xf32>, vector<64x64xf32>, vector<1024x64xf32> -> vector<1024x64xf32>
    %slice3A_1910 = vector.extract_strided_slice %sub3A_1871 {offsets = [320, 0], sizes = [64, 64], strides = [1, 1]} : vector<512x64xf32> to vector<64x64xf32>
    %dot_general3A_1911 = arith.constant dense<0.000000e+00> : vector<1024x64xf32>
    %dot_general3A_1912 = tpu.matmul %concatenate3A_892, %slice3A_1910, %dot_general3A_1911 {dimension_numbers = #tpu.dot_dimension_numbers<[1], [0], [0], [1], [0, 0, 1, 1], [], []>, transpose_lhs_hint = false} : vector<1024x64xf32>, vector<64x64xf32>, vector<1024x64xf32> -> vector<1024x64xf32>
    %add3A_1913 = arith.addf %dot_general3A_1909, %dot_general3A_1912 : vector<1024x64xf32>
    %slice3A_1914 = vector.extract_strided_slice %convert_element_type3A_1870 {offsets = [384, 0], sizes = [64, 64], strides = [1, 1]} : vector<512x64xf32> to vector<64x64xf32>
    %dot_general3A_1915 = arith.constant dense<0.000000e+00> : vector<1024x64xf32>
    %dot_general3A_1916 = tpu.matmul %concatenate3A_909, %slice3A_1914, %dot_general3A_1915 {dimension_numbers = #tpu.dot_dimension_numbers<[1], [0], [0], [1], [0, 0, 1, 1], [], []>, transpose_lhs_hint = false} : vector<1024x64xf32>, vector<64x64xf32>, vector<1024x64xf32> -> vector<1024x64xf32>
    %slice3A_1917 = vector.extract_strided_slice %sub3A_1871 {offsets = [384, 0], sizes = [64, 64], strides = [1, 1]} : vector<512x64xf32> to vector<64x64xf32>
    %dot_general3A_1918 = arith.constant dense<0.000000e+00> : vector<1024x64xf32>
    %dot_general3A_1919 = tpu.matmul %concatenate3A_909, %slice3A_1917, %dot_general3A_1918 {dimension_numbers = #tpu.dot_dimension_numbers<[1], [0], [0], [1], [0, 0, 1, 1], [], []>, transpose_lhs_hint = false} : vector<1024x64xf32>, vector<64x64xf32>, vector<1024x64xf32> -> vector<1024x64xf32>
    %add3A_1920 = arith.addf %dot_general3A_1916, %dot_general3A_1919 : vector<1024x64xf32>
    %slice3A_1921 = vector.extract_strided_slice %convert_element_type3A_1870 {offsets = [448, 0], sizes = [64, 64], strides = [1, 1]} : vector<512x64xf32> to vector<64x64xf32>
    %dot_general3A_1922 = arith.constant dense<0.000000e+00> : vector<1024x64xf32>
    %dot_general3A_1923 = tpu.matmul %concatenate3A_926, %slice3A_1921, %dot_general3A_1922 {dimension_numbers = #tpu.dot_dimension_numbers<[1], [0], [0], [1], [0, 0, 1, 1], [], []>, transpose_lhs_hint = false} : vector<1024x64xf32>, vector<64x64xf32>, vector<1024x64xf32> -> vector<1024x64xf32>
    %slice3A_1924 = vector.extract_strided_slice %sub3A_1871 {offsets = [448, 0], sizes = [64, 64], strides = [1, 1]} : vector<512x64xf32> to vector<64x64xf32>
    %dot_general3A_1925 = arith.constant dense<0.000000e+00> : vector<1024x64xf32>
    %dot_general3A_1926 = tpu.matmul %concatenate3A_926, %slice3A_1924, %dot_general3A_1925 {dimension_numbers = #tpu.dot_dimension_numbers<[1], [0], [0], [1], [0, 0, 1, 1], [], []>, transpose_lhs_hint = false} : vector<1024x64xf32>, vector<64x64xf32>, vector<1024x64xf32> -> vector<1024x64xf32>
    %add3A_1927 = arith.addf %dot_general3A_1923, %dot_general3A_1926 : vector<1024x64xf32>
    %slice3A_1928 = vector.extract_strided_slice %add3A_1878 {offsets = [0, 0], sizes = [64, 64], strides = [1, 1]} : vector<1024x64xf32> to vector<64x64xf32>
    %slice3A_1929 = vector.extract_strided_slice %add3A_1885 {offsets = [0, 0], sizes = [64, 64], strides = [1, 1]} : vector<1024x64xf32> to vector<64x64xf32>
    %slice3A_1930 = vector.extract_strided_slice %add3A_1892 {offsets = [0, 0], sizes = [64, 64], strides = [1, 1]} : vector<1024x64xf32> to vector<64x64xf32>
    %slice3A_1931 = vector.extract_strided_slice %add3A_1899 {offsets = [0, 0], sizes = [64, 64], strides = [1, 1]} : vector<1024x64xf32> to vector<64x64xf32>
    %slice3A_1932 = vector.extract_strided_slice %add3A_1906 {offsets = [0, 0], sizes = [64, 64], strides = [1, 1]} : vector<1024x64xf32> to vector<64x64xf32>
    %slice3A_1933 = vector.extract_strided_slice %add3A_1913 {offsets = [0, 0], sizes = [64, 64], strides = [1, 1]} : vector<1024x64xf32> to vector<64x64xf32>
    %slice3A_1934 = vector.extract_strided_slice %add3A_1920 {offsets = [0, 0], sizes = [64, 64], strides = [1, 1]} : vector<1024x64xf32> to vector<64x64xf32>
    %slice3A_1935 = vector.extract_strided_slice %add3A_1927 {offsets = [0, 0], sizes = [64, 64], strides = [1, 1]} : vector<1024x64xf32> to vector<64x64xf32>
    %slice3A_1936 = vector.extract_strided_slice %add3A_1878 {offsets = [64, 0], sizes = [64, 64], strides = [1, 1]} : vector<1024x64xf32> to vector<64x64xf32>
    %slice3A_1937 = vector.extract_strided_slice %add3A_1885 {offsets = [64, 0], sizes = [64, 64], strides = [1, 1]} : vector<1024x64xf32> to vector<64x64xf32>
    %slice3A_1938 = vector.extract_strided_slice %add3A_1892 {offsets = [64, 0], sizes = [64, 64], strides = [1, 1]} : vector<1024x64xf32> to vector<64x64xf32>
    %slice3A_1939 = vector.extract_strided_slice %add3A_1899 {offsets = [64, 0], sizes = [64, 64], strides = [1, 1]} : vector<1024x64xf32> to vector<64x64xf32>
    %slice3A_1940 = vector.extract_strided_slice %add3A_1906 {offsets = [64, 0], sizes = [64, 64], strides = [1, 1]} : vector<1024x64xf32> to vector<64x64xf32>
    %slice3A_1941 = vector.extract_strided_slice %add3A_1913 {offsets = [64, 0], sizes = [64, 64], strides = [1, 1]} : vector<1024x64xf32> to vector<64x64xf32>
    %slice3A_1942 = vector.extract_strided_slice %add3A_1920 {offsets = [64, 0], sizes = [64, 64], strides = [1, 1]} : vector<1024x64xf32> to vector<64x64xf32>
    %slice3A_1943 = vector.extract_strided_slice %add3A_1927 {offsets = [64, 0], sizes = [64, 64], strides = [1, 1]} : vector<1024x64xf32> to vector<64x64xf32>
    %slice3A_1944 = vector.extract_strided_slice %add3A_1878 {offsets = [128, 0], sizes = [64, 64], strides = [1, 1]} : vector<1024x64xf32> to vector<64x64xf32>
    %slice3A_1945 = vector.extract_strided_slice %add3A_1885 {offsets = [128, 0], sizes = [64, 64], strides = [1, 1]} : vector<1024x64xf32> to vector<64x64xf32>
    %slice3A_1946 = vector.extract_strided_slice %add3A_1892 {offsets = [128, 0], sizes = [64, 64], strides = [1, 1]} : vector<1024x64xf32> to vector<64x64xf32>
    %slice3A_1947 = vector.extract_strided_slice %add3A_1899 {offsets = [128, 0], sizes = [64, 64], strides = [1, 1]} : vector<1024x64xf32> to vector<64x64xf32>
    %slice3A_1948 = vector.extract_strided_slice %add3A_1906 {offsets = [128, 0], sizes = [64, 64], strides = [1, 1]} : vector<1024x64xf32> to vector<64x64xf32>
    %slice3A_1949 = vector.extract_strided_slice %add3A_1913 {offsets = [128, 0], sizes = [64, 64], strides = [1, 1]} : vector<1024x64xf32> to vector<64x64xf32>
    %slice3A_1950 = vector.extract_strided_slice %add3A_1920 {offsets = [128, 0], sizes = [64, 64], strides = [1, 1]} : vector<1024x64xf32> to vector<64x64xf32>
    %slice3A_1951 = vector.extract_strided_slice %add3A_1927 {offsets = [128, 0], sizes = [64, 64], strides = [1, 1]} : vector<1024x64xf32> to vector<64x64xf32>
    %slice3A_1952 = vector.extract_strided_slice %add3A_1878 {offsets = [192, 0], sizes = [64, 64], strides = [1, 1]} : vector<1024x64xf32> to vector<64x64xf32>
    %slice3A_1953 = vector.extract_strided_slice %add3A_1885 {offsets = [192, 0], sizes = [64, 64], strides = [1, 1]} : vector<1024x64xf32> to vector<64x64xf32>
    %slice3A_1954 = vector.extract_strided_slice %add3A_1892 {offsets = [192, 0], sizes = [64, 64], strides = [1, 1]} : vector<1024x64xf32> to vector<64x64xf32>
    %slice3A_1955 = vector.extract_strided_slice %add3A_1899 {offsets = [192, 0], sizes = [64, 64], strides = [1, 1]} : vector<1024x64xf32> to vector<64x64xf32>
    %slice3A_1956 = vector.extract_strided_slice %add3A_1906 {offsets = [192, 0], sizes = [64, 64], strides = [1, 1]} : vector<1024x64xf32> to vector<64x64xf32>
    %slice3A_1957 = vector.extract_strided_slice %add3A_1913 {offsets = [192, 0], sizes = [64, 64], strides = [1, 1]} : vector<1024x64xf32> to vector<64x64xf32>
    %slice3A_1958 = vector.extract_strided_slice %add3A_1920 {offsets = [192, 0], sizes = [64, 64], strides = [1, 1]} : vector<1024x64xf32> to vector<64x64xf32>
    %slice3A_1959 = vector.extract_strided_slice %add3A_1927 {offsets = [192, 0], sizes = [64, 64], strides = [1, 1]} : vector<1024x64xf32> to vector<64x64xf32>
    %slice3A_1960 = vector.extract_strided_slice %add3A_1878 {offsets = [256, 0], sizes = [64, 64], strides = [1, 1]} : vector<1024x64xf32> to vector<64x64xf32>
    %slice3A_1961 = vector.extract_strided_slice %add3A_1885 {offsets = [256, 0], sizes = [64, 64], strides = [1, 1]} : vector<1024x64xf32> to vector<64x64xf32>
    %slice3A_1962 = vector.extract_strided_slice %add3A_1892 {offsets = [256, 0], sizes = [64, 64], strides = [1, 1]} : vector<1024x64xf32> to vector<64x64xf32>
    %slice3A_1963 = vector.extract_strided_slice %add3A_1899 {offsets = [256, 0], sizes = [64, 64], strides = [1, 1]} : vector<1024x64xf32> to vector<64x64xf32>
    %slice3A_1964 = vector.extract_strided_slice %add3A_1906 {offsets = [256, 0], sizes = [64, 64], strides = [1, 1]} : vector<1024x64xf32> to vector<64x64xf32>
    %slice3A_1965 = vector.extract_strided_slice %add3A_1913 {offsets = [256, 0], sizes = [64, 64], strides = [1, 1]} : vector<1024x64xf32> to vector<64x64xf32>
    %slice3A_1966 = vector.extract_strided_slice %add3A_1920 {offsets = [256, 0], sizes = [64, 64], strides = [1, 1]} : vector<1024x64xf32> to vector<64x64xf32>
    %slice3A_1967 = vector.extract_strided_slice %add3A_1927 {offsets = [256, 0], sizes = [64, 64], strides = [1, 1]} : vector<1024x64xf32> to vector<64x64xf32>
    %slice3A_1968 = vector.extract_strided_slice %add3A_1878 {offsets = [320, 0], sizes = [64, 64], strides = [1, 1]} : vector<1024x64xf32> to vector<64x64xf32>
    %slice3A_1969 = vector.extract_strided_slice %add3A_1885 {offsets = [320, 0], sizes = [64, 64], strides = [1, 1]} : vector<1024x64xf32> to vector<64x64xf32>
    %slice3A_1970 = vector.extract_strided_slice %add3A_1892 {offsets = [320, 0], sizes = [64, 64], strides = [1, 1]} : vector<1024x64xf32> to vector<64x64xf32>
    %slice3A_1971 = vector.extract_strided_slice %add3A_1899 {offsets = [320, 0], sizes = [64, 64], strides = [1, 1]} : vector<1024x64xf32> to vector<64x64xf32>
    %slice3A_1972 = vector.extract_strided_slice %add3A_1906 {offsets = [320, 0], sizes = [64, 64], strides = [1, 1]} : vector<1024x64xf32> to vector<64x64xf32>
    %slice3A_1973 = vector.extract_strided_slice %add3A_1913 {offsets = [320, 0], sizes = [64, 64], strides = [1, 1]} : vector<1024x64xf32> to vector<64x64xf32>
    %slice3A_1974 = vector.extract_strided_slice %add3A_1920 {offsets = [320, 0], sizes = [64, 64], strides = [1, 1]} : vector<1024x64xf32> to vector<64x64xf32>
    %slice3A_1975 = vector.extract_strided_slice %add3A_1927 {offsets = [320, 0], sizes = [64, 64], strides = [1, 1]} : vector<1024x64xf32> to vector<64x64xf32>
    %slice3A_1976 = vector.extract_strided_slice %add3A_1878 {offsets = [384, 0], sizes = [64, 64], strides = [1, 1]} : vector<1024x64xf32> to vector<64x64xf32>
    %slice3A_1977 = vector.extract_strided_slice %add3A_1885 {offsets = [384, 0], sizes = [64, 64], strides = [1, 1]} : vector<1024x64xf32> to vector<64x64xf32>
    %slice3A_1978 = vector.extract_strided_slice %add3A_1892 {offsets = [384, 0], sizes = [64, 64], strides = [1, 1]} : vector<1024x64xf32> to vector<64x64xf32>
    %slice3A_1979 = vector.extract_strided_slice %add3A_1899 {offsets = [384, 0], sizes = [64, 64], strides = [1, 1]} : vector<1024x64xf32> to vector<64x64xf32>
    %slice3A_1980 = vector.extract_strided_slice %add3A_1906 {offsets = [384, 0], sizes = [64, 64], strides = [1, 1]} : vector<1024x64xf32> to vector<64x64xf32>
    %slice3A_1981 = vector.extract_strided_slice %add3A_1913 {offsets = [384, 0], sizes = [64, 64], strides = [1, 1]} : vector<1024x64xf32> to vector<64x64xf32>
    %slice3A_1982 = vector.extract_strided_slice %add3A_1920 {offsets = [384, 0], sizes = [64, 64], strides = [1, 1]} : vector<1024x64xf32> to vector<64x64xf32>
    %slice3A_1983 = vector.extract_strided_slice %add3A_1927 {offsets = [384, 0], sizes = [64, 64], strides = [1, 1]} : vector<1024x64xf32> to vector<64x64xf32>
    %slice3A_1984 = vector.extract_strided_slice %add3A_1878 {offsets = [448, 0], sizes = [64, 64], strides = [1, 1]} : vector<1024x64xf32> to vector<64x64xf32>
    %slice3A_1985 = vector.extract_strided_slice %add3A_1885 {offsets = [448, 0], sizes = [64, 64], strides = [1, 1]} : vector<1024x64xf32> to vector<64x64xf32>
    %slice3A_1986 = vector.extract_strided_slice %add3A_1892 {offsets = [448, 0], sizes = [64, 64], strides = [1, 1]} : vector<1024x64xf32> to vector<64x64xf32>
    %slice3A_1987 = vector.extract_strided_slice %add3A_1899 {offsets = [448, 0], sizes = [64, 64], strides = [1, 1]} : vector<1024x64xf32> to vector<64x64xf32>
    %slice3A_1988 = vector.extract_strided_slice %add3A_1906 {offsets = [448, 0], sizes = [64, 64], strides = [1, 1]} : vector<1024x64xf32> to vector<64x64xf32>
    %slice3A_1989 = vector.extract_strided_slice %add3A_1913 {offsets = [448, 0], sizes = [64, 64], strides = [1, 1]} : vector<1024x64xf32> to vector<64x64xf32>
    %slice3A_1990 = vector.extract_strided_slice %add3A_1920 {offsets = [448, 0], sizes = [64, 64], strides = [1, 1]} : vector<1024x64xf32> to vector<64x64xf32>
    %slice3A_1991 = vector.extract_strided_slice %add3A_1927 {offsets = [448, 0], sizes = [64, 64], strides = [1, 1]} : vector<1024x64xf32> to vector<64x64xf32>
    %slice3A_1992 = vector.extract_strided_slice %add3A_1878 {offsets = [512, 0], sizes = [64, 64], strides = [1, 1]} : vector<1024x64xf32> to vector<64x64xf32>
    %slice3A_1993 = vector.extract_strided_slice %add3A_1885 {offsets = [512, 0], sizes = [64, 64], strides = [1, 1]} : vector<1024x64xf32> to vector<64x64xf32>
    %slice3A_1994 = vector.extract_strided_slice %add3A_1892 {offsets = [512, 0], sizes = [64, 64], strides = [1, 1]} : vector<1024x64xf32> to vector<64x64xf32>
    %slice3A_1995 = vector.extract_strided_slice %add3A_1899 {offsets = [512, 0], sizes = [64, 64], strides = [1, 1]} : vector<1024x64xf32> to vector<64x64xf32>
    %slice3A_1996 = vector.extract_strided_slice %add3A_1906 {offsets = [512, 0], sizes = [64, 64], strides = [1, 1]} : vector<1024x64xf32> to vector<64x64xf32>
    %slice3A_1997 = vector.extract_strided_slice %add3A_1913 {offsets = [512, 0], sizes = [64, 64], strides = [1, 1]} : vector<1024x64xf32> to vector<64x64xf32>
    %slice3A_1998 = vector.extract_strided_slice %add3A_1920 {offsets = [512, 0], sizes = [64, 64], strides = [1, 1]} : vector<1024x64xf32> to vector<64x64xf32>
    %slice3A_1999 = vector.extract_strided_slice %add3A_1927 {offsets = [512, 0], sizes = [64, 64], strides = [1, 1]} : vector<1024x64xf32> to vector<64x64xf32>
    %slice3A_2000 = vector.extract_strided_slice %add3A_1878 {offsets = [576, 0], sizes = [64, 64], strides = [1, 1]} : vector<1024x64xf32> to vector<64x64xf32>
    %slice3A_2001 = vector.extract_strided_slice %add3A_1885 {offsets = [576, 0], sizes = [64, 64], strides = [1, 1]} : vector<1024x64xf32> to vector<64x64xf32>
    %slice3A_2002 = vector.extract_strided_slice %add3A_1892 {offsets = [576, 0], sizes = [64, 64], strides = [1, 1]} : vector<1024x64xf32> to vector<64x64xf32>
    %slice3A_2003 = vector.extract_strided_slice %add3A_1899 {offsets = [576, 0], sizes = [64, 64], strides = [1, 1]} : vector<1024x64xf32> to vector<64x64xf32>
    %slice3A_2004 = vector.extract_strided_slice %add3A_1906 {offsets = [576, 0], sizes = [64, 64], strides = [1, 1]} : vector<1024x64xf32> to vector<64x64xf32>
    %slice3A_2005 = vector.extract_strided_slice %add3A_1913 {offsets = [576, 0], sizes = [64, 64], strides = [1, 1]} : vector<1024x64xf32> to vector<64x64xf32>
    %slice3A_2006 = vector.extract_strided_slice %add3A_1920 {offsets = [576, 0], sizes = [64, 64], strides = [1, 1]} : vector<1024x64xf32> to vector<64x64xf32>
    %slice3A_2007 = vector.extract_strided_slice %add3A_1927 {offsets = [576, 0], sizes = [64, 64], strides = [1, 1]} : vector<1024x64xf32> to vector<64x64xf32>
    %slice3A_2008 = vector.extract_strided_slice %add3A_1878 {offsets = [640, 0], sizes = [64, 64], strides = [1, 1]} : vector<1024x64xf32> to vector<64x64xf32>
    %slice3A_2009 = vector.extract_strided_slice %add3A_1885 {offsets = [640, 0], sizes = [64, 64], strides = [1, 1]} : vector<1024x64xf32> to vector<64x64xf32>
    %slice3A_2010 = vector.extract_strided_slice %add3A_1892 {offsets = [640, 0], sizes = [64, 64], strides = [1, 1]} : vector<1024x64xf32> to vector<64x64xf32>
    %slice3A_2011 = vector.extract_strided_slice %add3A_1899 {offsets = [640, 0], sizes = [64, 64], strides = [1, 1]} : vector<1024x64xf32> to vector<64x64xf32>
    %slice3A_2012 = vector.extract_strided_slice %add3A_1906 {offsets = [640, 0], sizes = [64, 64], strides = [1, 1]} : vector<1024x64xf32> to vector<64x64xf32>
    %slice3A_2013 = vector.extract_strided_slice %add3A_1913 {offsets = [640, 0], sizes = [64, 64], strides = [1, 1]} : vector<1024x64xf32> to vector<64x64xf32>
    %slice3A_2014 = vector.extract_strided_slice %add3A_1920 {offsets = [640, 0], sizes = [64, 64], strides = [1, 1]} : vector<1024x64xf32> to vector<64x64xf32>
    %slice3A_2015 = vector.extract_strided_slice %add3A_1927 {offsets = [640, 0], sizes = [64, 64], strides = [1, 1]} : vector<1024x64xf32> to vector<64x64xf32>
    %slice3A_2016 = vector.extract_strided_slice %add3A_1878 {offsets = [704, 0], sizes = [64, 64], strides = [1, 1]} : vector<1024x64xf32> to vector<64x64xf32>
    %slice3A_2017 = vector.extract_strided_slice %add3A_1885 {offsets = [704, 0], sizes = [64, 64], strides = [1, 1]} : vector<1024x64xf32> to vector<64x64xf32>
    %slice3A_2018 = vector.extract_strided_slice %add3A_1892 {offsets = [704, 0], sizes = [64, 64], strides = [1, 1]} : vector<1024x64xf32> to vector<64x64xf32>
    %slice3A_2019 = vector.extract_strided_slice %add3A_1899 {offsets = [704, 0], sizes = [64, 64], strides = [1, 1]} : vector<1024x64xf32> to vector<64x64xf32>
    %slice3A_2020 = vector.extract_strided_slice %add3A_1906 {offsets = [704, 0], sizes = [64, 64], strides = [1, 1]} : vector<1024x64xf32> to vector<64x64xf32>
    %slice3A_2021 = vector.extract_strided_slice %add3A_1913 {offsets = [704, 0], sizes = [64, 64], strides = [1, 1]} : vector<1024x64xf32> to vector<64x64xf32>
    %slice3A_2022 = vector.extract_strided_slice %add3A_1920 {offsets = [704, 0], sizes = [64, 64], strides = [1, 1]} : vector<1024x64xf32> to vector<64x64xf32>
    %slice3A_2023 = vector.extract_strided_slice %add3A_1927 {offsets = [704, 0], sizes = [64, 64], strides = [1, 1]} : vector<1024x64xf32> to vector<64x64xf32>
    %slice3A_2024 = vector.extract_strided_slice %add3A_1878 {offsets = [768, 0], sizes = [64, 64], strides = [1, 1]} : vector<1024x64xf32> to vector<64x64xf32>
    %slice3A_2025 = vector.extract_strided_slice %add3A_1885 {offsets = [768, 0], sizes = [64, 64], strides = [1, 1]} : vector<1024x64xf32> to vector<64x64xf32>
    %slice3A_2026 = vector.extract_strided_slice %add3A_1892 {offsets = [768, 0], sizes = [64, 64], strides = [1, 1]} : vector<1024x64xf32> to vector<64x64xf32>
    %slice3A_2027 = vector.extract_strided_slice %add3A_1899 {offsets = [768, 0], sizes = [64, 64], strides = [1, 1]} : vector<1024x64xf32> to vector<64x64xf32>
    %slice3A_2028 = vector.extract_strided_slice %add3A_1906 {offsets = [768, 0], sizes = [64, 64], strides = [1, 1]} : vector<1024x64xf32> to vector<64x64xf32>
    %slice3A_2029 = vector.extract_strided_slice %add3A_1913 {offsets = [768, 0], sizes = [64, 64], strides = [1, 1]} : vector<1024x64xf32> to vector<64x64xf32>
    %slice3A_2030 = vector.extract_strided_slice %add3A_1920 {offsets = [768, 0], sizes = [64, 64], strides = [1, 1]} : vector<1024x64xf32> to vector<64x64xf32>
    %slice3A_2031 = vector.extract_strided_slice %add3A_1927 {offsets = [768, 0], sizes = [64, 64], strides = [1, 1]} : vector<1024x64xf32> to vector<64x64xf32>
    %slice3A_2032 = vector.extract_strided_slice %add3A_1878 {offsets = [832, 0], sizes = [64, 64], strides = [1, 1]} : vector<1024x64xf32> to vector<64x64xf32>
    %slice3A_2033 = vector.extract_strided_slice %add3A_1885 {offsets = [832, 0], sizes = [64, 64], strides = [1, 1]} : vector<1024x64xf32> to vector<64x64xf32>
    %slice3A_2034 = vector.extract_strided_slice %add3A_1892 {offsets = [832, 0], sizes = [64, 64], strides = [1, 1]} : vector<1024x64xf32> to vector<64x64xf32>
    %slice3A_2035 = vector.extract_strided_slice %add3A_1899 {offsets = [832, 0], sizes = [64, 64], strides = [1, 1]} : vector<1024x64xf32> to vector<64x64xf32>
    %slice3A_2036 = vector.extract_strided_slice %add3A_1906 {offsets = [832, 0], sizes = [64, 64], strides = [1, 1]} : vector<1024x64xf32> to vector<64x64xf32>
    %slice3A_2037 = vector.extract_strided_slice %add3A_1913 {offsets = [832, 0], sizes = [64, 64], strides = [1, 1]} : vector<1024x64xf32> to vector<64x64xf32>
    %slice3A_2038 = vector.extract_strided_slice %add3A_1920 {offsets = [832, 0], sizes = [64, 64], strides = [1, 1]} : vector<1024x64xf32> to vector<64x64xf32>
    %slice3A_2039 = vector.extract_strided_slice %add3A_1927 {offsets = [832, 0], sizes = [64, 64], strides = [1, 1]} : vector<1024x64xf32> to vector<64x64xf32>
    %slice3A_2040 = vector.extract_strided_slice %add3A_1878 {offsets = [896, 0], sizes = [64, 64], strides = [1, 1]} : vector<1024x64xf32> to vector<64x64xf32>
    %slice3A_2041 = vector.extract_strided_slice %add3A_1885 {offsets = [896, 0], sizes = [64, 64], strides = [1, 1]} : vector<1024x64xf32> to vector<64x64xf32>
    %slice3A_2042 = vector.extract_strided_slice %add3A_1892 {offsets = [896, 0], sizes = [64, 64], strides = [1, 1]} : vector<1024x64xf32> to vector<64x64xf32>
    %slice3A_2043 = vector.extract_strided_slice %add3A_1899 {offsets = [896, 0], sizes = [64, 64], strides = [1, 1]} : vector<1024x64xf32> to vector<64x64xf32>
    %slice3A_2044 = vector.extract_strided_slice %add3A_1906 {offsets = [896, 0], sizes = [64, 64], strides = [1, 1]} : vector<1024x64xf32> to vector<64x64xf32>
    %slice3A_2045 = vector.extract_strided_slice %add3A_1913 {offsets = [896, 0], sizes = [64, 64], strides = [1, 1]} : vector<1024x64xf32> to vector<64x64xf32>
    %slice3A_2046 = vector.extract_strided_slice %add3A_1920 {offsets = [896, 0], sizes = [64, 64], strides = [1, 1]} : vector<1024x64xf32> to vector<64x64xf32>
    %slice3A_2047 = vector.extract_strided_slice %add3A_1927 {offsets = [896, 0], sizes = [64, 64], strides = [1, 1]} : vector<1024x64xf32> to vector<64x64xf32>
    %slice3A_2048 = vector.extract_strided_slice %add3A_1878 {offsets = [960, 0], sizes = [64, 64], strides = [1, 1]} : vector<1024x64xf32> to vector<64x64xf32>
    %slice3A_2049 = vector.extract_strided_slice %add3A_1885 {offsets = [960, 0], sizes = [64, 64], strides = [1, 1]} : vector<1024x64xf32> to vector<64x64xf32>
    %slice3A_2050 = vector.extract_strided_slice %add3A_1892 {offsets = [960, 0], sizes = [64, 64], strides = [1, 1]} : vector<1024x64xf32> to vector<64x64xf32>
    %slice3A_2051 = vector.extract_strided_slice %add3A_1899 {offsets = [960, 0], sizes = [64, 64], strides = [1, 1]} : vector<1024x64xf32> to vector<64x64xf32>
    %slice3A_2052 = vector.extract_strided_slice %add3A_1906 {offsets = [960, 0], sizes = [64, 64], strides = [1, 1]} : vector<1024x64xf32> to vector<64x64xf32>
    %slice3A_2053 = vector.extract_strided_slice %add3A_1913 {offsets = [960, 0], sizes = [64, 64], strides = [1, 1]} : vector<1024x64xf32> to vector<64x64xf32>
    %slice3A_2054 = vector.extract_strided_slice %add3A_1920 {offsets = [960, 0], sizes = [64, 64], strides = [1, 1]} : vector<1024x64xf32> to vector<64x64xf32>
    %slice3A_2055 = vector.extract_strided_slice %add3A_1927 {offsets = [960, 0], sizes = [64, 64], strides = [1, 1]} : vector<1024x64xf32> to vector<64x64xf32>
    %concatenate3A_2056 = tpu.concatenate %slice3A_1928, %slice3A_1929, %slice3A_1930, %slice3A_1931, %slice3A_1932, %slice3A_1933, %slice3A_1934, %slice3A_1935, %slice3A_1936, %slice3A_1937, %slice3A_1938, %slice3A_1939, %slice3A_1940, %slice3A_1941, %slice3A_1942, %slice3A_1943, %slice3A_1944, %slice3A_1945, %slice3A_1946, %slice3A_1947, %slice3A_1948, %slice3A_1949, %slice3A_1950, %slice3A_1951, %slice3A_1952, %slice3A_1953, %slice3A_1954, %slice3A_1955, %slice3A_1956, %slice3A_1957, %slice3A_1958, %slice3A_1959, %slice3A_1960, %slice3A_1961, %slice3A_1962, %slice3A_1963, %slice3A_1964, %slice3A_1965, %slice3A_1966, %slice3A_1967, %slice3A_1968, %slice3A_1969, %slice3A_1970, %slice3A_1971, %slice3A_1972, %slice3A_1973, %slice3A_1974, %slice3A_1975, %slice3A_1976, %slice3A_1977, %slice3A_1978, %slice3A_1979, %slice3A_1980, %slice3A_1981, %slice3A_1982, %slice3A_1983, %slice3A_1984, %slice3A_1985, %slice3A_1986, %slice3A_1987, %slice3A_1988, %slice3A_1989, %slice3A_1990, %slice3A_1991, %slice3A_1992, %slice3A_1993, %slice3A_1994, %slice3A_1995, %slice3A_1996, %slice3A_1997, %slice3A_1998, %slice3A_1999, %slice3A_2000, %slice3A_2001, %slice3A_2002, %slice3A_2003, %slice3A_2004, %slice3A_2005, %slice3A_2006, %slice3A_2007, %slice3A_2008, %slice3A_2009, %slice3A_2010, %slice3A_2011, %slice3A_2012, %slice3A_2013, %slice3A_2014, %slice3A_2015, %slice3A_2016, %slice3A_2017, %slice3A_2018, %slice3A_2019, %slice3A_2020, %slice3A_2021, %slice3A_2022, %slice3A_2023, %slice3A_2024, %slice3A_2025, %slice3A_2026, %slice3A_2027, %slice3A_2028, %slice3A_2029, %slice3A_2030, %slice3A_2031, %slice3A_2032, %slice3A_2033, %slice3A_2034, %slice3A_2035, %slice3A_2036, %slice3A_2037, %slice3A_2038, %slice3A_2039, %slice3A_2040, %slice3A_2041, %slice3A_2042, %slice3A_2043, %slice3A_2044, %slice3A_2045, %slice3A_2046, %slice3A_2047, %slice3A_2048, %slice3A_2049, %slice3A_2050, %slice3A_2051, %slice3A_2052, %slice3A_2053, %slice3A_2054, %slice3A_2055 in 0 : vector<64x64xf32>, vector<64x64xf32>, vector<64x64xf32>, vector<64x64xf32>, vector<64x64xf32>, vector<64x64xf32>, vector<64x64xf32>, vector<64x64xf32>, vector<64x64xf32>, vector<64x64xf32>, vector<64x64xf32>, vector<64x64xf32>, vector<64x64xf32>, vector<64x64xf32>, vector<64x64xf32>, vector<64x64xf32>, vector<64x64xf32>, vector<64x64xf32>, vector<64x64xf32>, vector<64x64xf32>, vector<64x64xf32>, vector<64x64xf32>, vector<64x64xf32>, vector<64x64xf32>, vector<64x64xf32>, vector<64x64xf32>, vector<64x64xf32>, vector<64x64xf32>, vector<64x64xf32>, vector<64x64xf32>, vector<64x64xf32>, vector<64x64xf32>, vector<64x64xf32>, vector<64x64xf32>, vector<64x64xf32>, vector<64x64xf32>, vector<64x64xf32>, vector<64x64xf32>, vector<64x64xf32>, vector<64x64xf32>, vector<64x64xf32>, vector<64x64xf32>, vector<64x64xf32>, vector<64x64xf32>, vector<64x64xf32>, vector<64x64xf32>, vector<64x64xf32>, vector<64x64xf32>, vector<64x64xf32>, vector<64x64xf32>, vector<64x64xf32>, vector<64x64xf32>, vector<64x64xf32>, vector<64x64xf32>, vector<64x64xf32>, vector<64x64xf32>, vector<64x64xf32>, vector<64x64xf32>, vector<64x64xf32>, vector<64x64xf32>, vector<64x64xf32>, vector<64x64xf32>, vector<64x64xf32>, vector<64x64xf32>, vector<64x64xf32>, vector<64x64xf32>, vector<64x64xf32>, vector<64x64xf32>, vector<64x64xf32>, vector<64x64xf32>, vector<64x64xf32>, vector<64x64xf32>, vector<64x64xf32>, vector<64x64xf32>, vector<64x64xf32>, vector<64x64xf32>, vector<64x64xf32>, vector<64x64xf32>, vector<64x64xf32>, vector<64x64xf32>, vector<64x64xf32>, vector<64x64xf32>, vector<64x64xf32>, vector<64x64xf32>, vector<64x64xf32>, vector<64x64xf32>, vector<64x64xf32>, vector<64x64xf32>, vector<64x64xf32>, vector<64x64xf32>, vector<64x64xf32>, vector<64x64xf32>, vector<64x64xf32>, vector<64x64xf32>, vector<64x64xf32>, vector<64x64xf32>, vector<64x64xf32>, vector<64x64xf32>, vector<64x64xf32>, vector<64x64xf32>, vector<64x64xf32>, vector<64x64xf32>, vector<64x64xf32>, vector<64x64xf32>, vector<64x64xf32>, vector<64x64xf32>, vector<64x64xf32>, vector<64x64xf32>, vector<64x64xf32>, vector<64x64xf32>, vector<64x64xf32>, vector<64x64xf32>, vector<64x64xf32>, vector<64x64xf32>, vector<64x64xf32>, vector<64x64xf32>, vector<64x64xf32>, vector<64x64xf32>, vector<64x64xf32>, vector<64x64xf32>, vector<64x64xf32>, vector<64x64xf32>, vector<64x64xf32>, vector<64x64xf32>, vector<64x64xf32>, vector<64x64xf32>, vector<64x64xf32>, vector<64x64xf32> -> vector<8192x64xf32>
    %concatenate3A_2057 = tpu.concatenate %dot_general3A_1864, %dot_general3A_1864, %dot_general3A_1864, %dot_general3A_1864, %dot_general3A_1864, %dot_general3A_1864, %dot_general3A_1864, %dot_general3A_1864, %dot_general3A_1864, %dot_general3A_1864, %dot_general3A_1864, %dot_general3A_1864, %dot_general3A_1864, %dot_general3A_1864, %dot_general3A_1864, %dot_general3A_1864 in 0 : vector<512x64xf32>, vector<512x64xf32>, vector<512x64xf32>, vector<512x64xf32>, vector<512x64xf32>, vector<512x64xf32>, vector<512x64xf32>, vector<512x64xf32>, vector<512x64xf32>, vector<512x64xf32>, vector<512x64xf32>, vector<512x64xf32>, vector<512x64xf32>, vector<512x64xf32>, vector<512x64xf32>, vector<512x64xf32> -> vector<8192x64xf32>
    %convert_element_type3A_2058 = arith.truncf %get3A_1855 : vector<1x64xf32> to vector<1x64xbf16>
    %convert_element_type3A_2059 = arith.extf %convert_element_type3A_2058 : vector<1x64xbf16> to vector<1x64xf32>
    %mul3A_2060 = vector.broadcast %convert_element_type3A_784 : vector<4096x1xf32> to vector<4096x64xf32>
    %mul3A_2061 = vector.broadcast %convert_element_type3A_2059 : vector<1x64xf32> to vector<4096x64xf32>
    %mul3A_2062 = arith.mulf %mul3A_2060, %mul3A_2061 : vector<4096x64xf32>
    %mul3A_2063 = vector.broadcast %convert_element_type3A_787 : vector<4096x1xf32> to vector<4096x64xf32>
    %mul3A_2064 = vector.broadcast %convert_element_type3A_2059 : vector<1x64xf32> to vector<4096x64xf32>
    %mul3A_2065 = arith.mulf %mul3A_2063, %mul3A_2064 : vector<4096x64xf32>
    %concatenate3A_2066 = tpu.concatenate %mul3A_2062, %mul3A_2065 in 0 : vector<4096x64xf32>, vector<4096x64xf32> -> vector<8192x64xf32>
    %add3A_2067 = arith.addf %concatenate3A_2057, %concatenate3A_2056 : vector<8192x64xf32>
    %add3A_2068 = arith.addf %add3A_2067, %concatenate3A_2066 : vector<8192x64xf32>
    %add3A_2069 = vector.broadcast %get3A_1858 : vector<1x64xf32> to vector<8192x64xf32>
    %add3A_2070 = arith.addf %add3A_2068, %add3A_2069 : vector<8192x64xf32>
    %neg3A_2071 = arith.constant 0.000000e+00 : f32
    %neg3A_2072 = vector.broadcast %neg3A_2071 : f32 to vector<8192x64xf32>
    %neg3A_2073 = arith.subf %neg3A_2072, %add3A_2070 : vector<8192x64xf32>
    %exp3A_2074 = math.exp %neg3A_2073 : vector<8192x64xf32>
    %add3A_2075 = arith.constant 1.000000e+00 : f32
    %add3A_2076 = vector.broadcast %add3A_2075 : f32 to vector<8192x64xf32>
    %add3A_2077 = arith.addf %add3A_2076, %exp3A_2074 : vector<8192x64xf32>
    %div3A_2078 = arith.divf %add3A_2070, %add3A_2077 : vector<8192x64xf32>
    %convert_element_type3A_2079 = arith.truncf %div3A_2078 : vector<8192x64xf32> to vector<8192x64xbf16>
    %convert_element_type3A_2080 = arith.extf %convert_element_type3A_2079 : vector<8192x64xbf16> to vector<8192x64xf32>
    %get3A_2081 = arith.constant 0 : index
    %get3A_2082 = arith.constant 0 : index
    %get3A_2083 = vector.load %arg11[%get3A_2081, %get3A_2082] : memref<1x64xf32, #tpu.memory_space<vmem>>, vector<1x64xf32>
    %convert_element_type3A_2084 = arith.truncf %get3A_2083 : vector<1x64xf32> to vector<1x64xbf16>
    %convert_element_type3A_2085 = arith.extf %convert_element_type3A_2084 : vector<1x64xbf16> to vector<1x64xf32>
    %mul3A_2086 = vector.broadcast %convert_element_type3A_2085 : vector<1x64xf32> to vector<8192x64xf32>
    %mul3A_2087 = arith.mulf %convert_element_type3A_2080, %mul3A_2086 : vector<8192x64xf32>
    %reduce_sum3A_2088 = arith.constant dense<0.000000e+00> : vector<8192xf32>
    %reduce_sum3A_2089 = vector.multi_reduction <add>, %mul3A_2087, %reduce_sum3A_2088 [1] : vector<8192x64xf32> to vector<8192xf32>
    %broadcast_in_dim3A_2090 = vector.shape_cast %reduce_sum3A_2089 : vector<8192xf32> to vector<8192x1xf32>
    %get3A_2091 = arith.constant 0 : index
    %get3A_2092 = arith.constant 0 : index
    %get3A_2093 = vector.load %arg12[%get3A_2091, %get3A_2092] : memref<1x1xf32, #tpu.memory_space<vmem>>, vector<1x1xf32>
    %get3A_2094 = vector.extract %get3A_2093[0, 0] : f32 from vector<1x1xf32>
    %add3A_2095 = vector.broadcast %get3A_2094 : f32 to vector<8192x1xf32>
    %add3A_2096 = arith.addf %broadcast_in_dim3A_2090, %add3A_2095 : vector<8192x1xf32>
    %mul3A_2097 = arith.mulf %add3A_2096, %concatenate3A_788 : vector<8192x1xf32>
    %slice3A_2098 = vector.extract_strided_slice %mul3A_2097 {offsets = [0, 0], sizes = [512, 1], strides = [1, 1]} : vector<8192x1xf32> to vector<512x1xf32>
    %slice3A_2099 = vector.extract_strided_slice %mul3A_2097 {offsets = [512, 0], sizes = [512, 1], strides = [1, 1]} : vector<8192x1xf32> to vector<512x1xf32>
    %add3A_2100 = arith.addf %slice3A_2098, %slice3A_2099 : vector<512x1xf32>
    %slice3A_2101 = vector.extract_strided_slice %mul3A_2097 {offsets = [1024, 0], sizes = [512, 1], strides = [1, 1]} : vector<8192x1xf32> to vector<512x1xf32>
    %add3A_2102 = arith.addf %add3A_2100, %slice3A_2101 : vector<512x1xf32>
    %slice3A_2103 = vector.extract_strided_slice %mul3A_2097 {offsets = [1536, 0], sizes = [512, 1], strides = [1, 1]} : vector<8192x1xf32> to vector<512x1xf32>
    %add3A_2104 = arith.addf %add3A_2102, %slice3A_2103 : vector<512x1xf32>
    %slice3A_2105 = vector.extract_strided_slice %mul3A_2097 {offsets = [2048, 0], sizes = [512, 1], strides = [1, 1]} : vector<8192x1xf32> to vector<512x1xf32>
    %add3A_2106 = arith.addf %add3A_2104, %slice3A_2105 : vector<512x1xf32>
    %slice3A_2107 = vector.extract_strided_slice %mul3A_2097 {offsets = [2560, 0], sizes = [512, 1], strides = [1, 1]} : vector<8192x1xf32> to vector<512x1xf32>
    %add3A_2108 = arith.addf %add3A_2106, %slice3A_2107 : vector<512x1xf32>
    %slice3A_2109 = vector.extract_strided_slice %mul3A_2097 {offsets = [3072, 0], sizes = [512, 1], strides = [1, 1]} : vector<8192x1xf32> to vector<512x1xf32>
    %add3A_2110 = arith.addf %add3A_2108, %slice3A_2109 : vector<512x1xf32>
    %slice3A_2111 = vector.extract_strided_slice %mul3A_2097 {offsets = [3584, 0], sizes = [512, 1], strides = [1, 1]} : vector<8192x1xf32> to vector<512x1xf32>
    %add3A_2112 = arith.addf %add3A_2110, %slice3A_2111 : vector<512x1xf32>
    %slice3A_2113 = vector.extract_strided_slice %mul3A_2097 {offsets = [4096, 0], sizes = [512, 1], strides = [1, 1]} : vector<8192x1xf32> to vector<512x1xf32>
    %add3A_2114 = arith.addf %add3A_2112, %slice3A_2113 : vector<512x1xf32>
    %slice3A_2115 = vector.extract_strided_slice %mul3A_2097 {offsets = [4608, 0], sizes = [512, 1], strides = [1, 1]} : vector<8192x1xf32> to vector<512x1xf32>
    %add3A_2116 = arith.addf %add3A_2114, %slice3A_2115 : vector<512x1xf32>
    %slice3A_2117 = vector.extract_strided_slice %mul3A_2097 {offsets = [5120, 0], sizes = [512, 1], strides = [1, 1]} : vector<8192x1xf32> to vector<512x1xf32>
    %add3A_2118 = arith.addf %add3A_2116, %slice3A_2117 : vector<512x1xf32>
    %slice3A_2119 = vector.extract_strided_slice %mul3A_2097 {offsets = [5632, 0], sizes = [512, 1], strides = [1, 1]} : vector<8192x1xf32> to vector<512x1xf32>
    %add3A_2120 = arith.addf %add3A_2118, %slice3A_2119 : vector<512x1xf32>
    %slice3A_2121 = vector.extract_strided_slice %mul3A_2097 {offsets = [6144, 0], sizes = [512, 1], strides = [1, 1]} : vector<8192x1xf32> to vector<512x1xf32>
    %add3A_2122 = arith.addf %add3A_2120, %slice3A_2121 : vector<512x1xf32>
    %slice3A_2123 = vector.extract_strided_slice %mul3A_2097 {offsets = [6656, 0], sizes = [512, 1], strides = [1, 1]} : vector<8192x1xf32> to vector<512x1xf32>
    %add3A_2124 = arith.addf %add3A_2122, %slice3A_2123 : vector<512x1xf32>
    %slice3A_2125 = vector.extract_strided_slice %mul3A_2097 {offsets = [7168, 0], sizes = [512, 1], strides = [1, 1]} : vector<8192x1xf32> to vector<512x1xf32>
    %add3A_2126 = arith.addf %add3A_2124, %slice3A_2125 : vector<512x1xf32>
    %slice3A_2127 = vector.extract_strided_slice %mul3A_2097 {offsets = [7680, 0], sizes = [512, 1], strides = [1, 1]} : vector<8192x1xf32> to vector<512x1xf32>
    %add3A_2128 = arith.addf %add3A_2126, %slice3A_2127 : vector<512x1xf32>
    %mul3A_2129 = arith.mulf %add3A_2096, %concatenate3A_789 : vector<8192x1xf32>
    %slice3A_2130 = vector.extract_strided_slice %mul3A_2129 {offsets = [0, 0], sizes = [512, 1], strides = [1, 1]} : vector<8192x1xf32> to vector<512x1xf32>
    %slice3A_2131 = vector.extract_strided_slice %mul3A_2129 {offsets = [512, 0], sizes = [512, 1], strides = [1, 1]} : vector<8192x1xf32> to vector<512x1xf32>
    %add3A_2132 = arith.addf %slice3A_2130, %slice3A_2131 : vector<512x1xf32>
    %slice3A_2133 = vector.extract_strided_slice %mul3A_2129 {offsets = [1024, 0], sizes = [512, 1], strides = [1, 1]} : vector<8192x1xf32> to vector<512x1xf32>
    %add3A_2134 = arith.addf %add3A_2132, %slice3A_2133 : vector<512x1xf32>
    %slice3A_2135 = vector.extract_strided_slice %mul3A_2129 {offsets = [1536, 0], sizes = [512, 1], strides = [1, 1]} : vector<8192x1xf32> to vector<512x1xf32>
    %add3A_2136 = arith.addf %add3A_2134, %slice3A_2135 : vector<512x1xf32>
    %slice3A_2137 = vector.extract_strided_slice %mul3A_2129 {offsets = [2048, 0], sizes = [512, 1], strides = [1, 1]} : vector<8192x1xf32> to vector<512x1xf32>
    %add3A_2138 = arith.addf %add3A_2136, %slice3A_2137 : vector<512x1xf32>
    %slice3A_2139 = vector.extract_strided_slice %mul3A_2129 {offsets = [2560, 0], sizes = [512, 1], strides = [1, 1]} : vector<8192x1xf32> to vector<512x1xf32>
    %add3A_2140 = arith.addf %add3A_2138, %slice3A_2139 : vector<512x1xf32>
    %slice3A_2141 = vector.extract_strided_slice %mul3A_2129 {offsets = [3072, 0], sizes = [512, 1], strides = [1, 1]} : vector<8192x1xf32> to vector<512x1xf32>
    %add3A_2142 = arith.addf %add3A_2140, %slice3A_2141 : vector<512x1xf32>
    %slice3A_2143 = vector.extract_strided_slice %mul3A_2129 {offsets = [3584, 0], sizes = [512, 1], strides = [1, 1]} : vector<8192x1xf32> to vector<512x1xf32>
    %add3A_2144 = arith.addf %add3A_2142, %slice3A_2143 : vector<512x1xf32>
    %slice3A_2145 = vector.extract_strided_slice %mul3A_2129 {offsets = [4096, 0], sizes = [512, 1], strides = [1, 1]} : vector<8192x1xf32> to vector<512x1xf32>
    %add3A_2146 = arith.addf %add3A_2144, %slice3A_2145 : vector<512x1xf32>
    %slice3A_2147 = vector.extract_strided_slice %mul3A_2129 {offsets = [4608, 0], sizes = [512, 1], strides = [1, 1]} : vector<8192x1xf32> to vector<512x1xf32>
    %add3A_2148 = arith.addf %add3A_2146, %slice3A_2147 : vector<512x1xf32>
    %slice3A_2149 = vector.extract_strided_slice %mul3A_2129 {offsets = [5120, 0], sizes = [512, 1], strides = [1, 1]} : vector<8192x1xf32> to vector<512x1xf32>
    %add3A_2150 = arith.addf %add3A_2148, %slice3A_2149 : vector<512x1xf32>
    %slice3A_2151 = vector.extract_strided_slice %mul3A_2129 {offsets = [5632, 0], sizes = [512, 1], strides = [1, 1]} : vector<8192x1xf32> to vector<512x1xf32>
    %add3A_2152 = arith.addf %add3A_2150, %slice3A_2151 : vector<512x1xf32>
    %slice3A_2153 = vector.extract_strided_slice %mul3A_2129 {offsets = [6144, 0], sizes = [512, 1], strides = [1, 1]} : vector<8192x1xf32> to vector<512x1xf32>
    %add3A_2154 = arith.addf %add3A_2152, %slice3A_2153 : vector<512x1xf32>
    %slice3A_2155 = vector.extract_strided_slice %mul3A_2129 {offsets = [6656, 0], sizes = [512, 1], strides = [1, 1]} : vector<8192x1xf32> to vector<512x1xf32>
    %add3A_2156 = arith.addf %add3A_2154, %slice3A_2155 : vector<512x1xf32>
    %slice3A_2157 = vector.extract_strided_slice %mul3A_2129 {offsets = [7168, 0], sizes = [512, 1], strides = [1, 1]} : vector<8192x1xf32> to vector<512x1xf32>
    %add3A_2158 = arith.addf %add3A_2156, %slice3A_2157 : vector<512x1xf32>
    %slice3A_2159 = vector.extract_strided_slice %mul3A_2129 {offsets = [7680, 0], sizes = [512, 1], strides = [1, 1]} : vector<8192x1xf32> to vector<512x1xf32>
    %add3A_2160 = arith.addf %add3A_2158, %slice3A_2159 : vector<512x1xf32>
    %mul3A_2161 = arith.mulf %add3A_2096, %concatenate3A_790 : vector<8192x1xf32>
    %slice3A_2162 = vector.extract_strided_slice %mul3A_2161 {offsets = [0, 0], sizes = [512, 1], strides = [1, 1]} : vector<8192x1xf32> to vector<512x1xf32>
    %slice3A_2163 = vector.extract_strided_slice %mul3A_2161 {offsets = [512, 0], sizes = [512, 1], strides = [1, 1]} : vector<8192x1xf32> to vector<512x1xf32>
    %add3A_2164 = arith.addf %slice3A_2162, %slice3A_2163 : vector<512x1xf32>
    %slice3A_2165 = vector.extract_strided_slice %mul3A_2161 {offsets = [1024, 0], sizes = [512, 1], strides = [1, 1]} : vector<8192x1xf32> to vector<512x1xf32>
    %add3A_2166 = arith.addf %add3A_2164, %slice3A_2165 : vector<512x1xf32>
    %slice3A_2167 = vector.extract_strided_slice %mul3A_2161 {offsets = [1536, 0], sizes = [512, 1], strides = [1, 1]} : vector<8192x1xf32> to vector<512x1xf32>
    %add3A_2168 = arith.addf %add3A_2166, %slice3A_2167 : vector<512x1xf32>
    %slice3A_2169 = vector.extract_strided_slice %mul3A_2161 {offsets = [2048, 0], sizes = [512, 1], strides = [1, 1]} : vector<8192x1xf32> to vector<512x1xf32>
    %add3A_2170 = arith.addf %add3A_2168, %slice3A_2169 : vector<512x1xf32>
    %slice3A_2171 = vector.extract_strided_slice %mul3A_2161 {offsets = [2560, 0], sizes = [512, 1], strides = [1, 1]} : vector<8192x1xf32> to vector<512x1xf32>
    %add3A_2172 = arith.addf %add3A_2170, %slice3A_2171 : vector<512x1xf32>
    %slice3A_2173 = vector.extract_strided_slice %mul3A_2161 {offsets = [3072, 0], sizes = [512, 1], strides = [1, 1]} : vector<8192x1xf32> to vector<512x1xf32>
    %add3A_2174 = arith.addf %add3A_2172, %slice3A_2173 : vector<512x1xf32>
    %slice3A_2175 = vector.extract_strided_slice %mul3A_2161 {offsets = [3584, 0], sizes = [512, 1], strides = [1, 1]} : vector<8192x1xf32> to vector<512x1xf32>
    %add3A_2176 = arith.addf %add3A_2174, %slice3A_2175 : vector<512x1xf32>
    %slice3A_2177 = vector.extract_strided_slice %mul3A_2161 {offsets = [4096, 0], sizes = [512, 1], strides = [1, 1]} : vector<8192x1xf32> to vector<512x1xf32>
    %add3A_2178 = arith.addf %add3A_2176, %slice3A_2177 : vector<512x1xf32>
    %slice3A_2179 = vector.extract_strided_slice %mul3A_2161 {offsets = [4608, 0], sizes = [512, 1], strides = [1, 1]} : vector<8192x1xf32> to vector<512x1xf32>
    %add3A_2180 = arith.addf %add3A_2178, %slice3A_2179 : vector<512x1xf32>
    %slice3A_2181 = vector.extract_strided_slice %mul3A_2161 {offsets = [5120, 0], sizes = [512, 1], strides = [1, 1]} : vector<8192x1xf32> to vector<512x1xf32>
    %add3A_2182 = arith.addf %add3A_2180, %slice3A_2181 : vector<512x1xf32>
    %slice3A_2183 = vector.extract_strided_slice %mul3A_2161 {offsets = [5632, 0], sizes = [512, 1], strides = [1, 1]} : vector<8192x1xf32> to vector<512x1xf32>
    %add3A_2184 = arith.addf %add3A_2182, %slice3A_2183 : vector<512x1xf32>
    %slice3A_2185 = vector.extract_strided_slice %mul3A_2161 {offsets = [6144, 0], sizes = [512, 1], strides = [1, 1]} : vector<8192x1xf32> to vector<512x1xf32>
    %add3A_2186 = arith.addf %add3A_2184, %slice3A_2185 : vector<512x1xf32>
    %slice3A_2187 = vector.extract_strided_slice %mul3A_2161 {offsets = [6656, 0], sizes = [512, 1], strides = [1, 1]} : vector<8192x1xf32> to vector<512x1xf32>
    %add3A_2188 = arith.addf %add3A_2186, %slice3A_2187 : vector<512x1xf32>
    %slice3A_2189 = vector.extract_strided_slice %mul3A_2161 {offsets = [7168, 0], sizes = [512, 1], strides = [1, 1]} : vector<8192x1xf32> to vector<512x1xf32>
    %add3A_2190 = arith.addf %add3A_2188, %slice3A_2189 : vector<512x1xf32>
    %slice3A_2191 = vector.extract_strided_slice %mul3A_2161 {offsets = [7680, 0], sizes = [512, 1], strides = [1, 1]} : vector<8192x1xf32> to vector<512x1xf32>
    %add3A_2192 = arith.addf %add3A_2190, %slice3A_2191 : vector<512x1xf32>
    %concatenate3A_2193 = tpu.concatenate %add3A_2128, %add3A_2160, %add3A_2192 in 1 : vector<512x1xf32>, vector<512x1xf32>, vector<512x1xf32> -> vector<512x3xf32>
    %add3A_2194 = arith.addf %sub3A, %concatenate3A_2193 : vector<512x3xf32>
    %reshape3A_2195 = vector.shape_cast %add3A_2194 : vector<512x3xf32> to vector<8x64x3xf32>
    %swap3A = arith.constant 0 : index
    %swap3A_2196 = arith.constant 0 : index
    %swap3A_2197 = arith.constant 0 : index
    %swap3A_2198 = vector.load %arg13[%swap3A, %swap3A_2196, %swap3A_2197] : memref<8x64x3xf32, #tpu.memory_space<vmem>>, vector<8x64x3xf32>
    tpu.vector_store %arg13[%swap3A, %swap3A_2196, %swap3A_2197], %reshape3A_2195 {strides = array<i32>} : memref<8x64x3xf32, #tpu.memory_space<vmem>>, vector<8x64x3xf32>,
    return
  }
  func.func @transform_0(%arg0: i32) -> (i32, i32, i32) {
    %c0_i32 = arith.constant 0 : i32
    %c0_i32_0 = arith.constant 0 : i32
    %c0_i32_1 = arith.constant 0 : i32
    return %arg0, %c0_i32, %c0_i32_0 : i32, i32, i32
  }
  func.func @transform_1(%arg0: i32) -> (i32, i32, i32) {
    %c0_i32 = arith.constant 0 : i32
    %c0_i32_0 = arith.constant 0 : i32
    %c0_i32_1 = arith.constant 0 : i32
    return %arg0, %c0_i32, %c0_i32_0 : i32, i32, i32
  }
  func.func @transform_2(%arg0: i32) -> (i32, i32, i32) {
    %c0_i32 = arith.constant 0 : i32
    %c0_i32_0 = arith.constant 0 : i32
    %c0_i32_1 = arith.constant 0 : i32
    return %arg0, %c0_i32, %c0_i32_0 : i32, i32, i32
  }
  func.func @transform_3(%arg0: i32) -> (i32, i32, i32) {
    %c0_i32 = arith.constant 0 : i32
    %c0_i32_0 = arith.constant 0 : i32
    %c0_i32_1 = arith.constant 0 : i32
    return %arg0, %c0_i32, %c0_i32_0 : i32, i32, i32
  }
  func.func @transform_4(%arg0: i32) -> (i32, i32, i32) {
    %c0_i32 = arith.constant 0 : i32
    %c0_i32_0 = arith.constant 0 : i32
    %c0_i32_1 = arith.constant 0 : i32
    %c0_i32_2 = arith.constant 0 : i32
    return %c0_i32, %c0_i32_0, %c0_i32_1 : i32, i32, i32
  }
  func.func @transform_5(%arg0: i32) -> (i32, i32) {
    %c0_i32 = arith.constant 0 : i32
    %c0_i32_0 = arith.constant 0 : i32
    %c0_i32_1 = arith.constant 0 : i32
    return %c0_i32, %c0_i32_0 : i32, i32
  }
  func.func @transform_6(%arg0: i32) -> (i32, i32, i32) {
    %c0_i32 = arith.constant 0 : i32
    %c0_i32_0 = arith.constant 0 : i32
    %c0_i32_1 = arith.constant 0 : i32
    %c0_i32_2 = arith.constant 0 : i32
    return %c0_i32, %c0_i32_0, %c0_i32_1 : i32, i32, i32
  }
  func.func @transform_7(%arg0: i32) -> (i32, i32) {
    %c0_i32 = arith.constant 0 : i32
    %c0_i32_0 = arith.constant 0 : i32
    %c0_i32_1 = arith.constant 0 : i32
    return %c0_i32, %c0_i32_0 : i32, i32
  }
  func.func @transform_8(%arg0: i32) -> (i32, i32) {
    %c0_i32 = arith.constant 0 : i32
    %c0_i32_0 = arith.constant 0 : i32
    %c0_i32_1 = arith.constant 0 : i32
    return %c0_i32, %c0_i32_0 : i32, i32
  }
  func.func @transform_9(%arg0: i32) -> (i32, i32) {
    %c0_i32 = arith.constant 0 : i32
    %c0_i32_0 = arith.constant 0 : i32
    %c0_i32_1 = arith.constant 0 : i32
    return %c0_i32, %c0_i32_0 : i32, i32
  }
  func.func @transform_10(%arg0: i32) -> (i32, i32) {
    %c0_i32 = arith.constant 0 : i32
    %c0_i32_0 = arith.constant 0 : i32
    %c0_i32_1 = arith.constant 0 : i32
    return %c0_i32, %c0_i32_0 : i32, i32
  }
  func.func @transform_11(%arg0: i32) -> (i32, i32) {
    %c0_i32 = arith.constant 0 : i32
    %c0_i32_0 = arith.constant 0 : i32
    %c0_i32_1 = arith.constant 0 : i32
    return %c0_i32, %c0_i32_0 : i32, i32
  }
  func.func @transform_12(%arg0: i32) -> (i32, i32, i32) {
    %c0_i32 = arith.constant 0 : i32
    %c0_i32_0 = arith.constant 0 : i32
    %c0_i32_1 = arith.constant 0 : i32
    return %arg0, %c0_i32, %c0_i32_0 : i32, i32, i32
  }
}

</mosaic_0001>

<sc_bundles>
// kernel: kernel.4.cloned.1.call-start
scs
__scs_entry_jumppad:
0x0: {  	(pc) =	sbr.rel $0x88, $3  }
0x1: {  	(tag) =	ssettag $0x0;
	lr =	simm.s32 $0x1  }
0x2: {  	[smem:$0x3F95] =	sst lr;
	_ =	strace $0xD0000000  }
0x3: {  	_ = 	snop  }
0x4: {  	_ = 	snop  }
0x5: {  	_ = 	snop  }
0x6: {  	_ = 	snop  }
0x7: {  	_ = 	snop  }
__scs_overlays_trampoline_lowered:
0x8: {  	[smem:$0x3FA4] =	sst s0  }
0x9: {  	[smem:$0x3FA5] =	sst s1  }
0xa: {  	[smem:$0x3FA6] =	sst s2  }
0xb: {  	[smem:$0x3FA7] =	sst s3  }
0xc: {  	[smem:$0x3FA8] =	sst s4  }
0xd: {  	[smem:$0x3FA9] =	sst s5  }
0xe: {  	[smem:$0x3FAA] =	sst s6  }
0xf: {  	[smem:$0x3FAB] =	sst s7  }
0x10: {  	[smem:$0x3FAC] =	sst s8  }
0x11: {  	[smem:$0x3FAD] =	sst s9;
	s0 =	simm.s32 @!p0 $0x0  }
0x12: {  	s1 =	sld [smem:$0x3F93];
	s0 =	simm.s32 @p0 $0x1  }
0x13: {  	[smem:$0x3FAE] =	sst s0;
	s0 =	simm.s32 @!p1 $0x0  }
0x14: {  	s2 =	sld [smem:$0x3F92];
	s0 =	simm.s32 @p1 $0x1  }
0x15: {  	[smem:$0x3FAF] =	sst s0;
	s0 =	simm.s32 @!p2 $0x0  }
0x16: {  	s3 =	sld [smem:$0x3FDB];
	s0 =	simm.s32 @p2 $0x1  }
0x17: {  	s4 =	simm.s32 $0x1BF5;
	[smem:$0x3FB1] =	sst s0  }
0x18: {  	s0 =	sld [smem:$0x3F94];
	_ =	swait.ge [sflag:s4], $0x0  }
0x19: {  	s7 =	sld [smem:$0x3F95]  }
0x1a: {  	s8 =	sadd.s32 $0xFFFFE003, lr  }
0x1b: {  	s9 =	sadd.s32 $0xFFFFFEF7, lr;
	s5 =	simm.s32 $0xFFFFFFFF;
	p2 =	slt.u32 s8, $0xFFFFF086  }
0x1c: {  	p1 =	slt.u32 s9, $0xF7A;
	s5 =	simm.s32 @!p2 $0x0  }
0x1d: {  	s5 =	simm.s32 @p1 $0x1;
	p0 =	seq.s32 s7, s2  }
0x1e: {  	s7 =	smul.u32 @!p0 $0xF7A, s2;
	p2 =	seq.s32 @!p0 s5, $0x0  }
0x1f: {  	s9 =	smul.u32 $0xF7A, s1;
	s8 =	simm.s32 @!p0 $0x1BF5;
	p2 =	por !p2, p0  }
0x20: {  	[sflag:s8] =	ssyncset.s32 @!p0 $0xFFFFF086;
	s6 =	sadd.s32 @!p0 s3, s7;
	s7 =	simm.s32 @!p0 $0x108  }
0x21: {  	s3 =	sadd.s32 s3, s9;
	s6 =	sadd.s32 @!p0 $0x88, s6;
	s7 =	simm.s32 @p2 $0x1082  }
0x22: {  	[simem:s7], [sflag:s8] =	dma.local @!p0 [hbm:s6], $0xF7A  }
0x23: {  	s9 =	sor.u32 $0xD0000000, s2;
	s6 =	simm.s32 $0x108;
	_ =	swait.ge @!p0 [sflag:s8], $0x0  }
0x24: {  	s3 =	sadd.s32 $0x88, s3;
	s6 =	simm.s32 @!p1 $0x1082;
	[sflag:s4] =	ssyncset.s32 $0xFFFFF086  }
0x25: {  	[simem:s6], [sflag:s4] =	dma.local [hbm:s3], $0xF7A  }
0x26: {  	[smem:$0x3F95] =	sst s1;
	(tag) =	ssettag s2;
	_ =	strace s9  }
0x27: {  	s1 =	sld [smem:$0x3FA5]  }
0x28: {  	s2 =	sld [smem:$0x3FA6]  }
0x29: {  	s4 =	sld [smem:$0x3FA8]  }
0x2a: {  	p0 =	seq.s32 s5, $0x0;
	s5 =	sld [smem:$0x3FA9]  }
0x2b: {  	s6 =	sld [smem:$0x3FAA]  }
0x2c: {  	s7 =	sld [smem:$0x3FAB]  }
0x2d: {  	s3 =	simm.s32 $0x108;
	s8 =	sld [smem:$0x3FAC]  }
0x2e: {  	s3 =	simm.s32 @!p0 $0x1082;
	s9 =	sld [smem:$0x3FAD]  }
0x2f: {  	lr =	sadd.s32 s0, s3;
	s0 =	sld [smem:$0x3FA4]  }
0x30: {  	s3 =	sld [smem:$0x3FA7]  }
0x31: {  	[smem:$0x3FB0] =	sst s10  }
0x32: {  	s10 =	sld [smem:$0x3FAE];
	_ =	sdelay $0x3  }
0x33: {  	p0 =	seq.s32 s10, $0x1;
	s10 =	sld [smem:$0x3FB0];
	_ =	sdelay $0x3  }
0x34: {  	[smem:$0x3FB0] =	sst s10  }
0x35: {  	s10 =	sld [smem:$0x3FAF];
	_ =	sdelay $0x3  }
0x36: {  	p1 =	seq.s32 s10, $0x1;
	s10 =	sld [smem:$0x3FB0];
	_ =	sdelay $0x3  }
0x37: {  	[smem:$0x3FB0] =	sst s10  }
0x38: {  	s10 =	sld [smem:$0x3FB1]  }
0x39: {  	_ = 	snop;
	(pc) =	sbr.ind lr, $3  }
0x3a: {  	_ = 	snop  }
0x3b: {  	_ = 	snop  }
0x3c: {  	p2 =	seq.s32 s10, $0x1;
	s10 =	sld [smem:$0x3FB0]  }
0x3d: {  	_ =	shalt  }
0x3e: {  	_ =	shalt  }
0x3f: {  	_ =	shalt  }
0x40: {  	_ =	shalt  }
0x41: {  	_ =	shalt  }
0x42: {  	_ =	shalt  }
0x43: {  	_ =	shalt  }
0x44: {  	_ =	shalt  }
0x45: {  	_ =	shalt  }
0x46: {  	_ =	shalt  }
0x47: {  	_ =	shalt  }
0x48: {  	_ =	shalt  }
0x49: {  	_ =	shalt  }
0x4a: {  	_ =	shalt  }
0x4b: {  	_ =	shalt  }
0x4c: {  	_ =	shalt  }
0x4d: {  	_ =	shalt  }
0x4e: {  	_ =	shalt  }
0x4f: {  	_ =	shalt  }
0x50: {  	_ =	shalt  }
0x51: {  	_ =	shalt  }
0x52: {  	_ =	shalt  }
0x53: {  	_ =	shalt  }
0x54: {  	_ =	shalt  }
0x55: {  	_ =	shalt  }
0x56: {  	_ =	shalt  }
0x57: {  	_ =	shalt  }
0x58: {  	_ =	shalt  }
0x59: {  	_ =	shalt  }
0x5a: {  	_ =	shalt  }
0x5b: {  	_ =	shalt  }
0x5c: {  	_ =	shalt  }
0x5d: {  	_ =	shalt  }
0x5e: {  	_ =	shalt  }
0x5f: {  	_ =	shalt  }
0x60: {  	_ =	shalt  }
0x61: {  	_ =	shalt  }
0x62: {  	_ =	shalt  }
0x63: {  	_ =	shalt  }
0x64: {  	_ =	shalt  }
0x65: {  	_ =	shalt  }
0x66: {  	_ =	shalt  }
0x67: {  	_ =	shalt  }
0x68: {  	_ =	shalt  }
0x69: {  	_ =	shalt  }
0x6a: {  	_ =	shalt  }
0x6b: {  	_ =	shalt  }
0x6c: {  	_ =	shalt  }
0x6d: {  	_ =	shalt  }
0x6e: {  	_ =	shalt  }
0x6f: {  	_ =	shalt  }
0x70: {  	_ =	shalt  }
0x71: {  	_ =	shalt  }
0x72: {  	_ =	shalt  }
0x73: {  	_ =	shalt  }
0x74: {  	_ =	shalt  }
0x75: {  	_ =	shalt  }
0x76: {  	_ =	shalt  }
0x77: {  	_ =	shalt  }
0x78: {  	_ =	shalt  }
0x79: {  	_ =	shalt  }
0x7a: {  	_ =	shalt  }
0x7b: {  	_ =	shalt  }
0x7c: {  	_ =	shalt  }
0x7d: {  	_ =	shalt  }
0x7e: {  	_ =	shalt  }
0x7f: {  	_ =	shalt  }
0x80: {  	_ =	shalt  }
0x81: {  	_ =	shalt  }
0x82: {  	_ =	shalt  }
0x83: {  	_ =	shalt  }
0x84: {  	_ =	shalt  }
0x85: {  	_ =	shalt  }
0x86: {  	_ =	shalt  }
0x87: {  	_ =	shalt  }
.Lfunc_end0:
.L_simem_size_0:
called_computation_lowered:
.L_overlay_start_0:
0x88: {  	s2 =	sld [smem:$0x3FD9]  }
0x89: {  	s3 =	sld [smem:$0x3FFE];
	_ =	sdelay $0x1  }
0x8a: {  	s1 =	srdreg.scid  }
0x8b: {  	s0 =	sand.u32 $0x1, s1  }
0x8c: {  	s17 =	sshll.u32 s0, $0xA;
	s2 =	sadd.s32 s3, s2  }
0x8d: {  	s2 =	sadd.s32 s2, s17  }
0x8e: {  	[smem:$0x3FBC] =	sst s2  }
0x8f: {  	_ = 	snop  }
0x90: {  	s2 =	sld [smem:$0x3FC7]  }
0x91: {  	s18 =	sld [smem:$0x3FD0];
	(tm) =	ssettm $0x1  }
0x92: {  	s4 =	sld [smem:$0x3FFB];
	_ =	sdelay $0x3  }
0x93: {  	_ =	strace s4  }
0x94: {  	s4 =	sld [smem:$0x3FFC];
	_ =	sdelay $0x3  }
0x95: {  	_ =	strace s4  }
0x96: {  	s4 =	sld [smem:$0x3FFD];
	_ =	sdelay $0x3  }
0x97: {  	_ =	strace s4  }
0x98: {  	_ =	strace $0x8FFFFFFF  }
0x99: {  	s19 =	sld [smem:$0x3FDB];
	_ =	sdelay $0x1  }
0x9a: {  	s5 =	simm.s32 $_scs_section_size  }
0x9b: {  	s6 =	simm.s32 $_size__tile_overlayer_lowered;
	s7 =	simm.s32 $_tile_overlayer_lowered  }
0x9c: {  	s22 =	simm.s32 $0x1BFF;
	s21 =	sshll.u32 s7, $0x1;
	s4 =	sadd.s32 s5, s19  }
0x9d: {  	s8 =	simm.s32 $0x0;
	s20 =	sshll.u32 s6, $0x1;
	s6 =	sadd.s32 s21, s4  }
0x9e: {  	[timem:s8], [sflag:s22] =	dma.local [hbm:s6], s20  }
0x9f: {  	_ =	swait.ge [sflag:s22], s20  }
0xa0: {  	s5 =	ssub.s32 $0x0, s20;
	[sflag:s22] =	ssyncset.done $0x0  }
0xa1: {  	[sflag:s22] =	ssyncadd.s32 s5;
	_ =	sdelay $0x1  }
0xa2: {  	s23 =	simm.s32 $0x1B8B  }
0xa3: {  	_ =	swait.ge [sflag:s23], $0x1  }
0xa4: {  	[sflag:s23] =	ssyncset.done $0x0  }
0xa5: {  	s25 =	simm.s32 $0x1B8E;
	s24 =	sld [smem:$0x3FFE];
	[sflag:s23] =	ssyncadd.s32 $0xFFFFFFFF  }
0xa6: {  	s26 =	simm.s32 $execute0_lowered;
	[smem:$0x3FD2] =	sst s25  }
0xa7: {  	s6 =	sshll.u32 s26, $0x1;
	_ =	strace $0x80000046;
	[dreg:$0x1] =	wrdreg $0xFFFFFFFF  }
0xa8: {  	s28 =	simm.s32 $_size_execute0_lowered;
	s4 =	sadd.s32 s4, s6;
	[dreg:$0x0] =	wrdreg $0x0  }
0xa9: {  	s6 =	sshll.u32 s28, $0x1;
	[dreg:$0x2] =	wrdreg s4  }
0xaa: {  	[dreg:$0x3] =	wrdreg s6  }
0xab: {  	[dreg:$0x4] =	wrdreg $0xC0  }
0xac: {  	_ =	task [dreg:s8], $0x5FFFF  }
0xad: {  	[dreg:$0x1] =	wrdreg $0xFFFFFFFF  }
0xae: {  	[dreg:$0x0] =	wrdreg $0x60  }
0xaf: {  	[dreg:$0x2] =	wrdreg s18  }
0xb0: {  	[dreg:$0x3] =	wrdreg s2  }
0xb1: {  	[dreg:$0x4] =	wrdreg s24  }
0xb2: {  	[dreg:$0x5] =	wrdreg $0x9  }
0xb3: {  	_ =	task.clear_ibuf [dreg:s8], $0x6FFFF;
	_ =	strace $0x90000046  }
0xb4: {  	s29 =	simm.s32 $0x9;
	_ =	strace $0x80000048  }
0xb5: {  	_ =	swait.ge [sflag:s29], $0x1  }
0xb6: {  	[sflag:s29] =	ssyncadd.s32 $0xFFFFFFFF  }
0xb7: {  	_ =	strace $0x90000048  }
0xb8: {  	_ =	sfence  }
0xb9: {  	s30 =	sld [smem:$0x0];
	_ =	sdelay $0x2  }
0xba: {  	s31 =	sshll.u32 s1, $0xD;
	s1 =	sshrl.u32 s1, $0x2  }
0xbb: {  	s3 =	sand.u32 $0x4000, s31;
	s1 =	sadd.s32 s1, s30  }
0xbc: {  	s0 =	sor.u32 s3, s0;
	s1 =	sshll.u32 s1, $0x11  }
0xbd: {  	s0 =	sor.u32 s1, s0  }
0xbe: {  	s0 =	sadd.s32 $0x8F2B, s0  }
0xbf: {  	[sflag:s0] =	ssyncadd.remote.s32 $0x1  }
0xc0: {  	_ =	sfence.sel $0xFFFF  }
0xc1: {  	[dreg:$0x0] =	wrdreg $0xFFFFFFFF;
	(pc) =	sbr.abs _section_cstart, $3  }
0xc2: {  	[dreg:$0x1] =	wrdreg $0xFFFFFFFF  }
0xc3: {  	_ =	task.clear_ibuf [dreg:s8], $0x2FFFF;
	_ =	strace $0x9FFFFFFF  }
0xc4: {  	(tm) =	ssettm $0x7FFFFFFF  }
0xc5: {  	_ =	shalt  }
tec
execute0_lowered:
.L_overlay_start_1:
0x0: {  	(tag) =	ssettag $0x1  }
0x1: {  	s1 =	rddreg [dreg:$0x0];
	s2 =	srdreg.scid  }
0x2: {  	s9 =	rddreg [dreg:$0x1];
	s0 =	stileid.u32;
	s10 =	sand.u32 $0x1, s2  }
0x3: {  	s8 =	rddreg [dreg:$0x2];
	s4 =	sshll.u32 s0, $0xB;
	s5 =	sshll.u32 s10, $0xA  }
0x4: {  	s3 =	simm.s32 $0x0;
	s2 =	rddreg [dreg:$0x3];
	s11 =	sor.u32 s5, s4  }
0x5: {  	[smem:$0x7FF] =	sst s3;
	s4 =	sshrl.u32 s11, $0x3  }
0x6: {  	_ =	strace $0x80000047;
	s5 =	sadd.s32 s9, s4;
	s4 =	simm.s32 $0x2  }
0x7: {  	[tilespmem:s3], [sflag:$0x2] =	stream.linear.gather [hbm4b:s5+s3], $0x200, $0x38;
	[tilespmem:$0x10200] =	vst v63  }
0x8: {  	_ =	swait.ge [sflag:s4], $0x200  }
0x9: {  	[sflag:s4] =	ssyncset.done $0x0  }
0xa: {  	s6 =	simm.s32 $0x200;
	s7 =	simm.s32 $0x1;
	[sflag:s4] =	ssyncadd.s32 $0xFFFFFE00  }
0xb: {  	[tilespmem:s6], [sflag:$0x1] =	stream.indirect.gather [hbm4b:s1+s6], $0x80, s3, s6, $0xb8;
	[tilespmem:$0x10200] =	vst v63  }
0xc: {  	_ =	swait.ge [sflag:s7], $0x10000  }
0xd: {  	s12 =	sadd.s32 $0x1200, s8;
	s28 =	sshll.u32 s11, $0x4;
	[sflag:s7] =	ssyncset.done $0x0  }
0xe: {  	s8 =	sadd.s32 s12, s28;
	[sflag:s7] =	ssyncadd.s32 $0xFFFF0000  }
0xf: {  	[hbm4b:s8+s3] =	stream.linear.scatter [tilespmem:s6], [sflag:$0x2], $0x10000, $0x38;
	[tilespmem:$0x10200] =	vst v63  }
0x10: {  	s11 =	sor.u32 $0x200, s11;
	_ =	swait.ge [sflag:s4], $0x10000  }
0x11: {  	s13 =	sshrl.u32 s11, $0x3;
	[sflag:s4] =	ssyncset.done $0x0  }
0x12: {  	s10 =	ssub.s32 $0x2, s10;
	s9 =	sadd.s32 s9, s13;
	[sflag:s4] =	ssyncadd.s32 $0xFFFF0000  }
0x13: {  	[tilespmem:s3], [sflag:$0x2] =	stream.linear.gather [hbm4b:s9+s3], $0x200, $0x38;
	[tilespmem:$0x10200] =	vst v63  }
0x14: {  	s29 =	sshrl.u32 s10, $0x1;
	_ =	swait.ge [sflag:s4], $0x200  }
0x15: {  	s13 =	ssub.s32 s10, s29;
	[sflag:s4] =	ssyncset.done $0x0  }
0x16: {  	s31 =	smax.u32 s13, $0x1;
	[sflag:s4] =	ssyncadd.s32 $0xFFFFFE00  }
0x17: {  	[tilespmem:s6], [sflag:$0x1] =	stream.indirect.gather [hbm4b:s1+s6], $0x80, s3, s6, $0xb8;
	[tilespmem:$0x10200] =	vst v63  }
0x18: {  	p0 =	sne.s32 s31, $0x1;
	_ =	swait.ge [sflag:s7], $0x10000  }
.Ltmp0:
0x19: {  	s30 =	sshll.u32 s11, $0x4;
	[sflag:s7] =	ssyncset.done $0x0;
	(pc) =	sbr.rel @!p0 .LBB2_2-.Ltmp0, $4  }
0x1a: {  	s10 =	sadd.s32 s12, s30;
	[sflag:s7] =	ssyncadd.s32 $0xFFFF0000  }
0x1b: {  	[hbm4b:s10+s3] =	stream.linear.scatter [tilespmem:s6], [sflag:$0x2], $0x10000, $0x38;
	[tilespmem:$0x10200] =	vst v63  }
0x1c: {  	_ =	swait.ge [sflag:s4], $0x10000  }
0x1d: {  	s11 =	sadd.s32 $0xFFFFFFFF, s31;
	[sflag:s4] =	ssyncset.done $0x0  }
.LBB2_1:
0x1e: {  	p0 =	sne.s32 s11, $0x1;
	s11 =	sadd.s32 $0xFFFFFFFF, s11;
	[sflag:s4] =	ssyncadd.s32 $0xFFFF0000  }
0x1f: {  	[tilespmem:s3], [sflag:$0x2] =	stream.linear.gather [hbm4b:s5+s3], $0x200, $0x38;
	[tilespmem:$0x10200] =	vst v63  }
0x20: {  	_ =	swait.ge [sflag:s4], $0x200  }
0x21: {  	[sflag:s4] =	ssyncset.done $0x0  }
0x22: {  	[sflag:s4] =	ssyncadd.s32 $0xFFFFFE00  }
0x23: {  	[tilespmem:s6], [sflag:$0x1] =	stream.indirect.gather [hbm4b:s1+s6], $0x80, s3, s6, $0xb8;
	[tilespmem:$0x10200] =	vst v63  }
0x24: {  	_ =	swait.ge [sflag:s7], $0x10000  }
0x25: {  	[sflag:s7] =	ssyncset.done $0x0  }
0x26: {  	[sflag:s7] =	ssyncadd.s32 $0xFFFF0000  }
0x27: {  	[hbm4b:s8+s3] =	stream.linear.scatter [tilespmem:s6], [sflag:$0x2], $0x10000, $0x38;
	[tilespmem:$0x10200] =	vst v63  }
0x28: {  	_ =	swait.ge [sflag:s4], $0x10000  }
0x29: {  	[sflag:s4] =	ssyncset.done $0x0  }
0x2a: {  	[sflag:s4] =	ssyncadd.s32 $0xFFFF0000  }
0x2b: {  	[tilespmem:s3], [sflag:$0x2] =	stream.linear.gather [hbm4b:s9+s3], $0x200, $0x38;
	[tilespmem:$0x10200] =	vst v63  }
0x2c: {  	_ =	swait.ge [sflag:s4], $0x200  }
0x2d: {  	[sflag:s4] =	ssyncset.done $0x0  }
0x2e: {  	[sflag:s4] =	ssyncadd.s32 $0xFFFFFE00  }
0x2f: {  	[tilespmem:s6], [sflag:$0x1] =	stream.indirect.gather [hbm4b:s1+s6], $0x80, s3, s6, $0xb8;
	[tilespmem:$0x10200] =	vst v63  }
0x30: {  	_ =	swait.ge [sflag:s7], $0x10000  }
.Ltmp1:
0x31: {  	[sflag:s7] =	ssyncset.done $0x0;
	(pc) =	sbr.rel @p0 .LBB2_1-.Ltmp1, $4  }
0x32: {  	[sflag:s7] =	ssyncadd.s32 $0xFFFF0000  }
0x33: {  	[hbm4b:s10+s3] =	stream.linear.scatter [tilespmem:s6], [sflag:$0x2], $0x10000, $0x38;
	[tilespmem:$0x10200] =	vst v63  }
0x34: {  	_ =	swait.ge [sflag:s4], $0x10000  }
0x35: {  	[sflag:s4] =	ssyncset.done $0x0  }
.LBB2_2:
0x36: {  	[sflag:s4] =	ssyncadd.s32 $0xFFFF0000  }
0x37: {  	_ =	sfence.sel $0x180000  }
0x38: {  	[bflag:$0x0] =	sbarrier.arrive $0xFFFF  }
0x39: {  	p0 =	sne.s32 s0, $0x0;
	_ =	strace $0x90000047  }
0x3a: {  	s0 =	sadd.s32 @!p0 $0x100000, s2;
	[bflag:$0x2] =	sbarrier.arrive $0xFFFF  }
0x3b: {  	[sflag:s0] =	ssyncadd.tile.s32 @!p0 $0x1;
	_ =	shalt  }
.Lfunc_end2:
_tile_overlayer_lowered:
.L_overlay_start_2:
0x3c: {  	(tag) =	ssettag $0x2  }
0x3d: {  	s0 =	rddreg [dreg:$0x0];
	s2 =	stileid.u32  }
0x3e: {  	s1 =	rddreg [dreg:$0x1];
	p0 =	sne.s32 s2, $0x0  }
0x3f: {  	s3 =	rddreg [dreg:$0x2];
	[bflag:$0x3] =	sbarrier.arrive $0xFFFF;
	s2 =	simm.s32 @!p0 $0x1C02  }
0x40: {  	[timem:s3], [sflag:s2] =	dma.local @!p0 [hbm:s0], s1  }
0x41: {  	s0 =	simm.s32 @!p0 $0x2  }
0x42: {  	_ =	swait.ge @!p0 [sflag:s0], s1  }
0x43: {  	s1 =	ssub.s32 @!p0 $0x0, s1;
	[sflag:s0] =	ssyncset.done @!p0 $0x0  }
0x44: {  	[sflag:s0] =	ssyncadd.s32 @!p0 s1  }
0x45: {  	[bflag:$0x3] =	sbarrier.arrive $0xFFFF  }
0x46: {  	_ =	shalt  }

</sc_bundles>
